<compile_context>
chip_gen: v7x
topology: tpu7x:2x2x1
jax: 0.10.2.dev20260603
libtpu: 0.0.44.dev20260713+nightly
codegen_flags: <defaults>
</compile_context>

<pallas_src>
import functools

import jax
import jax.numpy as jnp
from jax import lax
from jax.experimental import pallas as pl
from jax.experimental.pallas import tpu as pltpu
from jax.experimental.pallas import tpu_sc as plsc

N = 10000
D = 128
E = 320000

NC = 2
NS = 16
NW = NC * NS

B = 128
NB = 80
CH = 8
NCH = NB // CH
EW = B * NB
EPAD = NW * EW
NPAD = 10112
RPT = NPAD // NS
WPT = N // NS
NLB = 5


ROT = 624
TAIL = N - NS * ROT


def _idx_lists():
    r = jnp.arange(NLB * B, dtype=jnp.int32)
    base = jnp.arange(NS, dtype=jnp.int32)[:, None]
    init_idx = base * RPT + jnp.minimum(r, RPT - 1)[None, :]
    main = base * ROT + jnp.minimum(r, ROT - 1)[None, :]
    tail = (NS * ROT + (jnp.arange(B, dtype=jnp.int32) % TAIL))[None, :]
    wo_g = jnp.concatenate([main, jnp.tile(tail, (NS, 1))], axis=1)
    return init_idx.reshape(NS, NLB, B), wo_g.reshape(NS, NLB + 1, B)


def _sc_aggregate(x, src_p, dst_p, z2d, zdeg, ones8, init_idx, wo_g):
    mesh = plsc.VectorSubcoreMesh(core_axis_name="c", subcore_axis_name="s")

    @functools.partial(
        pl.kernel,
        out_type=(
            jax.ShapeDtypeStruct((NC * N, D), jnp.float32),
            jax.ShapeDtypeStruct((NC * N,), jnp.float32),
        ),
        mesh=mesh,
        scratch_types=[
            pltpu.VMEM((CH, B), jnp.int32),
            pltpu.VMEM((CH, B), jnp.int32),
            pltpu.VMEM((B, D), jnp.float32),
            pltpu.VMEM((B, D), jnp.float32),
            pltpu.VMEM((B,), jnp.float32),
            pltpu.VMEM_SHARED((NPAD, D), jnp.float32),
            pltpu.VMEM_SHARED((NPAD,), jnp.float32),
            pltpu.SemaphoreType.DMA,
            pltpu.SemaphoreType.DMA,
            pltpu.SemaphoreType.DMA,
            pltpu.SemaphoreType.DMA,
            pltpu.SemaphoreType.DMA,
        ],
    )
    def k(x_h, src_h, dst_h, z2d_h, zdeg_h, ones_h, ii_h, wg_h,
          agg_o, deg_o, src_v, dst_v, rows_v, rows2_v, ones_v, agg_s, deg_s,
          sem, sem2, sem3, semsa, semsb):
        c = lax.axis_index("c")
        s = lax.axis_index("s")
        wid = c * NS + s
        pltpu.sync_copy(z2d_h, rows_v)
        pltpu.sync_copy(zdeg_h, ones_v)
        pltpu.sync_copy(ii_h.at[s], src_v.at[pl.ds(0, NLB)])
        for b in range(NLB):
            pltpu.sync_copy(rows_v, agg_s.at[src_v.at[b]])
            pltpu.sync_copy(ones_v, deg_s.at[src_v.at[b]])
        pltpu.sync_copy(ones_h, ones_v)
        plsc.subcore_barrier()

        bufs = (rows_v, rows2_v)
        sems = (sem, sem2)
        ssems = (semsa, semsb)

        def chunk(t, carry):
            pltpu.sync_copy(src_h.at[wid * NCH + t], src_v)
            pltpu.sync_copy(dst_h.at[wid * NCH + t], dst_v)

            cp = [None, None]
            scp = [None, None]
            cp[0] = pltpu.async_copy(x_h.at[src_v.at[0]], bufs[0], sems[0])
            for j in range(CH):
                if j + 1 < CH:
                    p = (j + 1) % 2
                    if scp[p] is not None:
                        scp[p].wait()
                    cp[p] = pltpu.async_copy(x_h.at[src_v.at[j + 1]],
                                             bufs[p], sems[p])
                cp[j % 2].wait()
                dcp = pltpu.async_copy(ones_v, deg_s.at[dst_v.at[j]], sem3,
                                       add=True)
                scp[j % 2] = pltpu.async_copy(bufs[j % 2],
                                              agg_s.at[dst_v.at[j]],
                                              ssems[j % 2], add=True)
                dcp.wait()
            for p in (0, 1):
                if scp[p] is not None:
                    scp[p].wait()
            return carry

        lax.fori_loop(0, NCH, chunk, 0)
        plsc.subcore_barrier()

        pltpu.sync_copy(wg_h.at[s], src_v.at[pl.ds(0, NLB + 1)])
        hb = c * N + s * ROT
        for b, (off, ln) in enumerate(((0, 128), (128, 128), (256, 128),
                                       (384, 128), (512, 112))):
            pltpu.sync_copy(agg_s.at[src_v.at[b]], rows_v)
            pltpu.sync_copy(rows_v.at[pl.ds(0, ln)],
                            agg_o.at[pl.ds(hb + off, ln)])
            pltpu.sync_copy(deg_s.at[src_v.at[b]], ones_v)
            pltpu.sync_copy(ones_v.at[pl.ds(0, ln)],
                            deg_o.at[pl.ds(hb + off, ln)])
        pltpu.sync_copy(agg_s.at[src_v.at[NLB]], rows_v)
        pltpu.sync_copy(rows_v.at[pl.ds(0, TAIL)],
                        agg_o.at[pl.ds(c * N + NS * ROT, TAIL)])
        pltpu.sync_copy(deg_s.at[src_v.at[NLB]], ones_v)
        pltpu.sync_copy(ones_v.at[pl.ds(0, TAIL)],
                        deg_o.at[pl.ds(c * N + NS * ROT, TAIL)])

    return k(x, src_p, dst_p, z2d, zdeg, ones8, init_idx, wo_g)


def _tc_dense(agg2, deg2, x, W_l, b_l, W_r, gamma, beta):
    BR = 400
    G = N // BR

    def body(aA, aB, dA, dB, xr, wl, wr, blr, gr, br, o):
        deg = dA[0][:, 0:1] + dB[0][:, 0:1]
        deg = jnp.maximum(deg, 1.0)
        agg = (aA[0] + aB[0]) / deg
        xb = xr[...]
        acc = lax.dot_general(agg, wl[...], (((1,), (1,)), ((), ())),
                              preferred_element_type=jnp.float32)
        acc = acc + lax.dot_general(xb, wr[...], (((1,), (1,)), ((), ())),
                                    preferred_element_type=jnp.float32)
        h = acc + blr[...] + xb
        h = jnp.maximum(h, 0.0)
        mu = jnp.mean(h, axis=-1, keepdims=True)
        hc = h - mu
        var = jnp.mean(hc * hc, axis=-1, keepdims=True)
        o[...] = hc * lax.rsqrt(var + 1e-5) * gr[...] + br[...]

    slabA = pl.BlockSpec((1, BR, D), lambda i: (0, i, 0))
    slabB = pl.BlockSpec((1, BR, D), lambda i: (1, i, 0))
    slabdA = pl.BlockSpec((1, BR, 1), lambda i: (0, i, 0))
    slabdB = pl.BlockSpec((1, BR, 1), lambda i: (1, i, 0))
    row = pl.BlockSpec((BR, D), lambda i: (i, 0))
    full = pl.BlockSpec((D, D), lambda i: (0, 0))
    vec = pl.BlockSpec((1, D), lambda i: (0, 0))
    return pl.pallas_call(
        body,
        grid=(G,),
        in_specs=[slabA, slabB, slabdA, slabdB, row, full, full, vec, vec, vec],
        out_specs=row,
        out_shape=jax.ShapeDtypeStruct((N, D), jnp.float32),
    )(agg2, agg2, deg2, deg2, x, W_l, W_r,
      b_l.reshape(1, D), gamma.reshape(1, D), beta.reshape(1, D))


def kernel(x, edge_index, W_l, b_l, W_r, gamma, beta):
    src = edge_index[0].astype(jnp.int32)
    dst = edge_index[1].astype(jnp.int32)
    src_p = jnp.concatenate(
        [src, jnp.zeros((EPAD - E,), jnp.int32)]).reshape(NW * NCH, CH, B)
    dst_p = jnp.concatenate(
        [dst, jnp.full((EPAD - E,), N, jnp.int32)]).reshape(NW * NCH, CH, B)
    z2d = jnp.zeros((B, D), jnp.float32)
    zdeg = jnp.zeros((B,), jnp.float32)
    ones8 = jnp.ones((B,), jnp.float32)
    init_idx, wo_g = _idx_lists()
    aggf, degf = _sc_aggregate(x, src_p, dst_p, z2d, zdeg, ones8,
                               init_idx, wo_g)
    agg2 = aggf.reshape(NC, N, D)
    deg2 = degf.reshape(NC, N, 1)
    return _tc_dense(agg2, deg2, x, W_l, b_l, W_r, gamma, beta)

# --- scband reference (transcript-rebuilt; emitter-appended) ---
"""Pipeline reference for scband-gnnlayer-with-residual-40802189312039 (READ-ONLY COPY).

The authoritative reference and input builder live on the scoring server;
editing this copy changes nothing except your own understanding.
"""

import jax, jax.numpy as jnp
import numpy as np

N_NODES = 10000
N_EDGES = 320000
D = 128

def setup_inputs(seed: int = 0) -> dict:
    key = jax.random.key(seed)
    k_x, k_e, k_wl, k_bl, k_wr, k_g, k_b = jax.random.split(key, 7)
    x = jax.random.normal(k_x, (N_NODES, D), dtype=jnp.float32)
    edge_index = jax.random.randint(k_e, (2, N_EDGES), 0, N_NODES, dtype=jnp.int64)
    scale = 1.0 / np.sqrt(D)
    # SAGEConv params: lin_l applied to aggregated neighbors (has bias), lin_r to root (no bias)
    W_l = jax.random.uniform(k_wl, (D, D), dtype=jnp.float32, minval=-scale, maxval=scale)
    b_l = jax.random.uniform(k_bl, (D,), dtype=jnp.float32, minval=-scale, maxval=scale)
    W_r = jax.random.uniform(k_wr, (D, D), dtype=jnp.float32, minval=-scale, maxval=scale)
    gamma = jnp.ones((D,), dtype=jnp.float32)
    beta = jnp.zeros((D,), dtype=jnp.float32)
    return {"x": x, "edge_index": edge_index, "W_l": W_l, "b_l": b_l, "W_r": W_r, "gamma": gamma, "beta": beta}

def reference(x, edge_index, W_l, b_l, W_r, gamma, beta):
    N = x.shape[0]
    src = edge_index[0]
    dst = edge_index[1]
    # SAGEConv with mean aggregation: messages flow src -> dst
    msgs = jnp.take(x, src, axis=0)
    agg = jax.ops.segment_sum(msgs, dst, num_segments=N)
    deg = jax.ops.segment_sum(jnp.ones((src.shape[0],), dtype=x.dtype), dst, num_segments=N)
    agg = agg / jnp.maximum(deg, 1.0)[:, None]
    conv_out = agg @ W_l.T + b_l + x @ W_r.T
    # residual (in_channels == out_channels, no projection)
    out = jax.nn.relu(conv_out + x)
    # LayerNorm over last dim
    mu = jnp.mean(out, axis=-1, keepdims=True)
    var = jnp.var(out, axis=-1, keepdims=True)
    out = (out - mu) / jnp.sqrt(var + 1e-5) * gamma + beta
    # dropout in eval mode: identity
    return out

if __name__ == "__main__":
    import jax
    _d = setup_inputs()
    print(jax.jit(kernel)(*tuple(_d.values())))

</pallas_src>

<mosaic_0001>
#map = affine_map<(d0, d1) -> (0, 0)>
#map1 = affine_map<(d0, d1) -> (0, 0, 0)>
#map2 = affine_map<(d0, d1) -> (0)>
module attributes {stable_mosaic.version = 14 : i64} {
  func.func @k(%arg0: i32, %arg1: i32, %arg2: memref<10000x128xf32, #tpu.memory_space<hbm>>, %arg3: memref<320x8x128xi32, #tpu.memory_space<hbm>>, %arg4: memref<320x8x128xi32, #tpu.memory_space<hbm>>, %arg5: memref<128x128xf32, #tpu.memory_space<hbm>>, %arg6: memref<128xf32, #tpu.memory_space<hbm>>, %arg7: memref<128xf32, #tpu.memory_space<hbm>>, %arg8: memref<16x5x128xi32, #tpu.memory_space<hbm>>, %arg9: memref<16x6x128xi32, #tpu.memory_space<hbm>>, %arg10: memref<20000x128xf32, #tpu.memory_space<hbm>>, %arg11: memref<20000xf32, #tpu.memory_space<hbm>>, %arg12: memref<8x128xi32, #tpu.memory_space<vmem>>, %arg13: memref<8x128xi32, #tpu.memory_space<vmem>>, %arg14: memref<128x128xf32, #tpu.memory_space<vmem>>, %arg15: memref<128x128xf32, #tpu.memory_space<vmem>>, %arg16: memref<128xf32, #tpu.memory_space<vmem>>, %arg17: memref<10112x128xf32, #tpu.memory_space<vmem_shared>>, %arg18: memref<10112xf32, #tpu.memory_space<vmem_shared>>, %arg19: memref<!tpu.dma_semaphore, #tpu.memory_space<semaphore_mem>>, %arg20: memref<!tpu.dma_semaphore, #tpu.memory_space<semaphore_mem>>, %arg21: memref<!tpu.dma_semaphore, #tpu.memory_space<semaphore_mem>>, %arg22: memref<!tpu.dma_semaphore, #tpu.memory_space<semaphore_mem>>, %arg23: memref<!tpu.dma_semaphore, #tpu.memory_space<semaphore_mem>>) attributes {dimension_semantics = [#tpu.dimension_semantics<core_parallel>, #tpu.dimension_semantics<subcore_parallel>], iteration_bounds = array<i64: 2, 16>, scalar_prefetch = 0 : i64, scratch_operands = 12 : i64, tpu.core_type = #tpu.core_type<sc_vector_subcore>, window_params = [{transform_indices = #map}, {transform_indices = #map1}, {transform_indices = #map1}, {transform_indices = #map}, {transform_indices = #map2}, {transform_indices = #map2}, {transform_indices = #map1}, {transform_indices = #map1}, {transform_indices = #map}, {transform_indices = #map2}]} {
    %mul3A = arith.constant 16 : i32
    %mul3A_0 = arith.muli %arg0, %mul3A : i32
    %add3A = arith.addi %mul3A_0, %arg1 : i32
    "tpu.region"() ({
      %run_scoped3A_61 = tpu.sem_alloc : memref<!tpu.dma_semaphore, #tpu.memory_space<semaphore_mem>>
      tpu.enqueue_dma source(%arg5 : memref<128x128xf32, #tpu.memory_space<hbm>>) target(%arg14 : memref<128x128xf32, #tpu.memory_space<vmem>>) target_semaphore(%run_scoped3A_61 : memref<!tpu.dma_semaphore, #tpu.memory_space<semaphore_mem>>)
      tpu.wait_dma2 semaphore(%run_scoped3A_61 : memref<!tpu.dma_semaphore, #tpu.memory_space<semaphore_mem>>) src(%arg5 : memref<128x128xf32, #tpu.memory_space<hbm>>) dst(%arg14 : memref<128x128xf32, #tpu.memory_space<vmem>>)
      tpu.yield
    }) : () -> ()
    "tpu.region"() ({
      %run_scoped3A_61 = tpu.sem_alloc : memref<!tpu.dma_semaphore, #tpu.memory_space<semaphore_mem>>
      tpu.enqueue_dma source(%arg6 : memref<128xf32, #tpu.memory_space<hbm>>) target(%arg16 : memref<128xf32, #tpu.memory_space<vmem>>) target_semaphore(%run_scoped3A_61 : memref<!tpu.dma_semaphore, #tpu.memory_space<semaphore_mem>>)
      tpu.wait_dma2 semaphore(%run_scoped3A_61 : memref<!tpu.dma_semaphore, #tpu.memory_space<semaphore_mem>>) src(%arg6 : memref<128xf32, #tpu.memory_space<hbm>>) dst(%arg16 : memref<128xf32, #tpu.memory_space<vmem>>)
      tpu.yield
    }) : () -> ()
    "tpu.region"() ({
      %run_scoped3A_61 = tpu.sem_alloc : memref<!tpu.dma_semaphore, #tpu.memory_space<semaphore_mem>>
      %dma_start3A = arith.constant 0 : i32
      %dma_start3A_62 = arith.constant 0 : i32
      %dma_start3A_63 = tpu.memref_slice %arg12[%dma_start3A, %dma_start3A_62] : memref<8x128xi32, #tpu.memory_space<vmem>> -> memref<5x128xi32, #tpu.memory_space<vmem>>
      %dma_start3A_64 = arith.constant 0 : i32
      %dma_start3A_65 = arith.constant 0 : i32
      %dma_start3A_66 = tpu.memref_slice %arg8[%arg1, %dma_start3A_64, %dma_start3A_65] : memref<16x5x128xi32, #tpu.memory_space<hbm>> -> memref<1x5x128xi32, #tpu.memory_space<hbm>>
      %dma_start3A_67 = tpu.memref_squeeze %dma_start3A_66 : memref<1x5x128xi32, #tpu.memory_space<hbm>> -> memref<5x128xi32, #tpu.memory_space<hbm>>
      %dma_start3A_68 = arith.constant 0 : i32
      %dma_start3A_69 = arith.constant 0 : i32
      %dma_start3A_70 = tpu.memref_slice %arg12[%dma_start3A_68, %dma_start3A_69] : memref<8x128xi32, #tpu.memory_space<vmem>> -> memref<5x128xi32, #tpu.memory_space<vmem>>
      %dma_start3A_71 = arith.constant 0 : i32
      %dma_start3A_72 = arith.constant 0 : i32
      %dma_start3A_73 = tpu.memref_slice %arg8[%arg1, %dma_start3A_71, %dma_start3A_72] : memref<16x5x128xi32, #tpu.memory_space<hbm>> -> memref<1x5x128xi32, #tpu.memory_space<hbm>>
      %dma_start3A_74 = tpu.memref_squeeze %dma_start3A_73 : memref<1x5x128xi32, #tpu.memory_space<hbm>> -> memref<5x128xi32, #tpu.memory_space<hbm>>
      tpu.enqueue_dma source(%dma_start3A_74 : memref<5x128xi32, #tpu.memory_space<hbm>>) target(%dma_start3A_70 : memref<5x128xi32, #tpu.memory_space<vmem>>) target_semaphore(%run_scoped3A_61 : memref<!tpu.dma_semaphore, #tpu.memory_space<semaphore_mem>>)
      %dma_wait3A = arith.constant 0 : i32
      %dma_wait3A_75 = arith.constant 0 : i32
      %dma_wait3A_76 = tpu.memref_slice %arg12[%dma_wait3A, %dma_wait3A_75] : memref<8x128xi32, #tpu.memory_space<vmem>> -> memref<5x128xi32, #tpu.memory_space<vmem>>
      %dma_wait3A_77 = arith.constant 0 : i32
      %dma_wait3A_78 = arith.constant 0 : i32
      %dma_wait3A_79 = tpu.memref_slice %arg8[%arg1, %dma_wait3A_77, %dma_wait3A_78] : memref<16x5x128xi32, #tpu.memory_space<hbm>> -> memref<1x5x128xi32, #tpu.memory_space<hbm>>
      %dma_wait3A_80 = tpu.memref_squeeze %dma_wait3A_79 : memref<1x5x128xi32, #tpu.memory_space<hbm>> -> memref<5x128xi32, #tpu.memory_space<hbm>>
      %dma_wait3A_81 = arith.constant 0 : i32
      %dma_wait3A_82 = arith.constant 0 : i32
      %dma_wait3A_83 = tpu.memref_slice %arg12[%dma_wait3A_81, %dma_wait3A_82] : memref<8x128xi32, #tpu.memory_space<vmem>> -> memref<5x128xi32, #tpu.memory_space<vmem>>
      %dma_wait3A_84 = arith.constant 0 : i32
      %dma_wait3A_85 = arith.constant 0 : i32
      %dma_wait3A_86 = tpu.memref_slice %arg8[%arg1, %dma_wait3A_84, %dma_wait3A_85] : memref<16x5x128xi32, #tpu.memory_space<hbm>> -> memref<1x5x128xi32, #tpu.memory_space<hbm>>
      %dma_wait3A_87 = tpu.memref_squeeze %dma_wait3A_86 : memref<1x5x128xi32, #tpu.memory_space<hbm>> -> memref<5x128xi32, #tpu.memory_space<hbm>>
      tpu.wait_dma2 semaphore(%run_scoped3A_61 : memref<!tpu.dma_semaphore, #tpu.memory_space<semaphore_mem>>) src(%dma_wait3A_87 : memref<5x128xi32, #tpu.memory_space<hbm>>) dst(%dma_wait3A_83 : memref<5x128xi32, #tpu.memory_space<vmem>>)
      tpu.yield
    }) : () -> ()
    %run_scoped3A = arith.constant 0 : i32
    "tpu.region"() ({
      %run_scoped3A_61 = tpu.sem_alloc : memref<!tpu.dma_semaphore, #tpu.memory_space<semaphore_mem>>
      %dma_start3A = arith.constant 0 : i32
      %dma_start3A_62 = tpu.memref_slice %arg12[%run_scoped3A, %dma_start3A] : memref<8x128xi32, #tpu.memory_space<vmem>> -> memref<1x128xi32, #tpu.memory_space<vmem>>
      %dma_start3A_63 = tpu.memref_squeeze %dma_start3A_62 : memref<1x128xi32, #tpu.memory_space<vmem>> -> memref<128xi32, #tpu.memory_space<vmem>>
      %dma_start3A_64 = arith.constant 0 : i32
      %dma_start3A_65 = arith.constant 0 : i32
      %dma_start3A_66 = tpu.memref_slice %arg17[%dma_start3A_64, %dma_start3A_65] : memref<10112x128xf32, #tpu.memory_space<vmem_shared>> -> memref<10112x128xf32, #tpu.memory_space<vmem_shared>>
      tpu.enqueue_indirect_dma source(%arg14 : memref<128x128xf32, #tpu.memory_space<vmem>>) target(%dma_start3A_66 : memref<10112x128xf32, #tpu.memory_space<vmem_shared>>) offsets(%dma_start3A_63 : memref<128xi32, #tpu.memory_space<vmem>>) semaphore(%run_scoped3A_61 : memref<!tpu.dma_semaphore, #tpu.memory_space<semaphore_mem>>)
      %dma_wait3A = arith.constant 0 : i32
      %dma_wait3A_67 = tpu.memref_slice %arg12[%run_scoped3A, %dma_wait3A] : memref<8x128xi32, #tpu.memory_space<vmem>> -> memref<1x128xi32, #tpu.memory_space<vmem>>
      %dma_wait3A_68 = tpu.memref_squeeze %dma_wait3A_67 : memref<1x128xi32, #tpu.memory_space<vmem>> -> memref<128xi32, #tpu.memory_space<vmem>>
      %dma_wait3A_69 = arith.constant 0 : i32
      %dma_wait3A_70 = arith.constant 0 : i32
      %dma_wait3A_71 = tpu.memref_slice %arg17[%dma_wait3A_69, %dma_wait3A_70] : memref<10112x128xf32, #tpu.memory_space<vmem_shared>> -> memref<10112x128xf32, #tpu.memory_space<vmem_shared>>
      tpu.wait_indirect_dma semaphore(%run_scoped3A_61 : memref<!tpu.dma_semaphore, #tpu.memory_space<semaphore_mem>>) src(%arg14 : memref<128x128xf32, #tpu.memory_space<vmem>>) dst(%dma_wait3A_71 : memref<10112x128xf32, #tpu.memory_space<vmem_shared>>)
      tpu.yield
    }) : () -> ()
    %run_scoped3A_1 = arith.constant 0 : i32
    "tpu.region"() ({
      %run_scoped3A_61 = tpu.sem_alloc : memref<!tpu.dma_semaphore, #tpu.memory_space<semaphore_mem>>
      %dma_start3A = arith.constant 0 : i32
      %dma_start3A_62 = tpu.memref_slice %arg12[%run_scoped3A_1, %dma_start3A] : memref<8x128xi32, #tpu.memory_space<vmem>> -> memref<1x128xi32, #tpu.memory_space<vmem>>
      %dma_start3A_63 = tpu.memref_squeeze %dma_start3A_62 : memref<1x128xi32, #tpu.memory_space<vmem>> -> memref<128xi32, #tpu.memory_space<vmem>>
      %dma_start3A_64 = arith.constant 0 : i32
      %dma_start3A_65 = tpu.memref_slice %arg18[%dma_start3A_64] : memref<10112xf32, #tpu.memory_space<vmem_shared>> -> memref<10112xf32, #tpu.memory_space<vmem_shared>>
      tpu.enqueue_indirect_dma source(%arg16 : memref<128xf32, #tpu.memory_space<vmem>>) target(%dma_start3A_65 : memref<10112xf32, #tpu.memory_space<vmem_shared>>) offsets(%dma_start3A_63 : memref<128xi32, #tpu.memory_space<vmem>>) semaphore(%run_scoped3A_61 : memref<!tpu.dma_semaphore, #tpu.memory_space<semaphore_mem>>)
      %dma_wait3A = arith.constant 0 : i32
      %dma_wait3A_66 = tpu.memref_slice %arg12[%run_scoped3A_1, %dma_wait3A] : memref<8x128xi32, #tpu.memory_space<vmem>> -> memref<1x128xi32, #tpu.memory_space<vmem>>
      %dma_wait3A_67 = tpu.memref_squeeze %dma_wait3A_66 : memref<1x128xi32, #tpu.memory_space<vmem>> -> memref<128xi32, #tpu.memory_space<vmem>>
      %dma_wait3A_68 = arith.constant 0 : i32
      %dma_wait3A_69 = tpu.memref_slice %arg18[%dma_wait3A_68] : memref<10112xf32, #tpu.memory_space<vmem_shared>> -> memref<10112xf32, #tpu.memory_space<vmem_shared>>
      tpu.wait_indirect_dma semaphore(%run_scoped3A_61 : memref<!tpu.dma_semaphore, #tpu.memory_space<semaphore_mem>>) src(%arg16 : memref<128xf32, #tpu.memory_space<vmem>>) dst(%dma_wait3A_69 : memref<10112xf32, #tpu.memory_space<vmem_shared>>)
      tpu.yield
    }) : () -> ()
    %run_scoped3A_2 = arith.constant 1 : i32
    "tpu.region"() ({
      %run_scoped3A_61 = tpu.sem_alloc : memref<!tpu.dma_semaphore, #tpu.memory_space<semaphore_mem>>
      %dma_start3A = arith.constant 0 : i32
      %dma_start3A_62 = tpu.memref_slice %arg12[%run_scoped3A_2, %dma_start3A] : memref<8x128xi32, #tpu.memory_space<vmem>> -> memref<1x128xi32, #tpu.memory_space<vmem>>
      %dma_start3A_63 = tpu.memref_squeeze %dma_start3A_62 : memref<1x128xi32, #tpu.memory_space<vmem>> -> memref<128xi32, #tpu.memory_space<vmem>>
      %dma_start3A_64 = arith.constant 0 : i32
      %dma_start3A_65 = arith.constant 0 : i32
      %dma_start3A_66 = tpu.memref_slice %arg17[%dma_start3A_64, %dma_start3A_65] : memref<10112x128xf32, #tpu.memory_space<vmem_shared>> -> memref<10112x128xf32, #tpu.memory_space<vmem_shared>>
      tpu.enqueue_indirect_dma source(%arg14 : memref<128x128xf32, #tpu.memory_space<vmem>>) target(%dma_start3A_66 : memref<10112x128xf32, #tpu.memory_space<vmem_shared>>) offsets(%dma_start3A_63 : memref<128xi32, #tpu.memory_space<vmem>>) semaphore(%run_scoped3A_61 : memref<!tpu.dma_semaphore, #tpu.memory_space<semaphore_mem>>)
      %dma_wait3A = arith.constant 0 : i32
      %dma_wait3A_67 = tpu.memref_slice %arg12[%run_scoped3A_2, %dma_wait3A] : memref<8x128xi32, #tpu.memory_space<vmem>> -> memref<1x128xi32, #tpu.memory_space<vmem>>
      %dma_wait3A_68 = tpu.memref_squeeze %dma_wait3A_67 : memref<1x128xi32, #tpu.memory_space<vmem>> -> memref<128xi32, #tpu.memory_space<vmem>>
      %dma_wait3A_69 = arith.constant 0 : i32
      %dma_wait3A_70 = arith.constant 0 : i32
      %dma_wait3A_71 = tpu.memref_slice %arg17[%dma_wait3A_69, %dma_wait3A_70] : memref<10112x128xf32, #tpu.memory_space<vmem_shared>> -> memref<10112x128xf32, #tpu.memory_space<vmem_shared>>
      tpu.wait_indirect_dma semaphore(%run_scoped3A_61 : memref<!tpu.dma_semaphore, #tpu.memory_space<semaphore_mem>>) src(%arg14 : memref<128x128xf32, #tpu.memory_space<vmem>>) dst(%dma_wait3A_71 : memref<10112x128xf32, #tpu.memory_space<vmem_shared>>)
      tpu.yield
    }) : () -> ()
    %run_scoped3A_3 = arith.constant 1 : i32
    "tpu.region"() ({
      %run_scoped3A_61 = tpu.sem_alloc : memref<!tpu.dma_semaphore, #tpu.memory_space<semaphore_mem>>
      %dma_start3A = arith.constant 0 : i32
      %dma_start3A_62 = tpu.memref_slice %arg12[%run_scoped3A_3, %dma_start3A] : memref<8x128xi32, #tpu.memory_space<vmem>> -> memref<1x128xi32, #tpu.memory_space<vmem>>
      %dma_start3A_63 = tpu.memref_squeeze %dma_start3A_62 : memref<1x128xi32, #tpu.memory_space<vmem>> -> memref<128xi32, #tpu.memory_space<vmem>>
      %dma_start3A_64 = arith.constant 0 : i32
      %dma_start3A_65 = tpu.memref_slice %arg18[%dma_start3A_64] : memref<10112xf32, #tpu.memory_space<vmem_shared>> -> memref<10112xf32, #tpu.memory_space<vmem_shared>>
      tpu.enqueue_indirect_dma source(%arg16 : memref<128xf32, #tpu.memory_space<vmem>>) target(%dma_start3A_65 : memref<10112xf32, #tpu.memory_space<vmem_shared>>) offsets(%dma_start3A_63 : memref<128xi32, #tpu.memory_space<vmem>>) semaphore(%run_scoped3A_61 : memref<!tpu.dma_semaphore, #tpu.memory_space<semaphore_mem>>)
      %dma_wait3A = arith.constant 0 : i32
      %dma_wait3A_66 = tpu.memref_slice %arg12[%run_scoped3A_3, %dma_wait3A] : memref<8x128xi32, #tpu.memory_space<vmem>> -> memref<1x128xi32, #tpu.memory_space<vmem>>
      %dma_wait3A_67 = tpu.memref_squeeze %dma_wait3A_66 : memref<1x128xi32, #tpu.memory_space<vmem>> -> memref<128xi32, #tpu.memory_space<vmem>>
      %dma_wait3A_68 = arith.constant 0 : i32
      %dma_wait3A_69 = tpu.memref_slice %arg18[%dma_wait3A_68] : memref<10112xf32, #tpu.memory_space<vmem_shared>> -> memref<10112xf32, #tpu.memory_space<vmem_shared>>
      tpu.wait_indirect_dma semaphore(%run_scoped3A_61 : memref<!tpu.dma_semaphore, #tpu.memory_space<semaphore_mem>>) src(%arg16 : memref<128xf32, #tpu.memory_space<vmem>>) dst(%dma_wait3A_69 : memref<10112xf32, #tpu.memory_space<vmem_shared>>)
      tpu.yield
    }) : () -> ()
    %run_scoped3A_4 = arith.constant 2 : i32
    "tpu.region"() ({
      %run_scoped3A_61 = tpu.sem_alloc : memref<!tpu.dma_semaphore, #tpu.memory_space<semaphore_mem>>
      %dma_start3A = arith.constant 0 : i32
      %dma_start3A_62 = tpu.memref_slice %arg12[%run_scoped3A_4, %dma_start3A] : memref<8x128xi32, #tpu.memory_space<vmem>> -> memref<1x128xi32, #tpu.memory_space<vmem>>
      %dma_start3A_63 = tpu.memref_squeeze %dma_start3A_62 : memref<1x128xi32, #tpu.memory_space<vmem>> -> memref<128xi32, #tpu.memory_space<vmem>>
      %dma_start3A_64 = arith.constant 0 : i32
      %dma_start3A_65 = arith.constant 0 : i32
      %dma_start3A_66 = tpu.memref_slice %arg17[%dma_start3A_64, %dma_start3A_65] : memref<10112x128xf32, #tpu.memory_space<vmem_shared>> -> memref<10112x128xf32, #tpu.memory_space<vmem_shared>>
      tpu.enqueue_indirect_dma source(%arg14 : memref<128x128xf32, #tpu.memory_space<vmem>>) target(%dma_start3A_66 : memref<10112x128xf32, #tpu.memory_space<vmem_shared>>) offsets(%dma_start3A_63 : memref<128xi32, #tpu.memory_space<vmem>>) semaphore(%run_scoped3A_61 : memref<!tpu.dma_semaphore, #tpu.memory_space<semaphore_mem>>)
      %dma_wait3A = arith.constant 0 : i32
      %dma_wait3A_67 = tpu.memref_slice %arg12[%run_scoped3A_4, %dma_wait3A] : memref<8x128xi32, #tpu.memory_space<vmem>> -> memref<1x128xi32, #tpu.memory_space<vmem>>
      %dma_wait3A_68 = tpu.memref_squeeze %dma_wait3A_67 : memref<1x128xi32, #tpu.memory_space<vmem>> -> memref<128xi32, #tpu.memory_space<vmem>>
      %dma_wait3A_69 = arith.constant 0 : i32
      %dma_wait3A_70 = arith.constant 0 : i32
      %dma_wait3A_71 = tpu.memref_slice %arg17[%dma_wait3A_69, %dma_wait3A_70] : memref<10112x128xf32, #tpu.memory_space<vmem_shared>> -> memref<10112x128xf32, #tpu.memory_space<vmem_shared>>
      tpu.wait_indirect_dma semaphore(%run_scoped3A_61 : memref<!tpu.dma_semaphore, #tpu.memory_space<semaphore_mem>>) src(%arg14 : memref<128x128xf32, #tpu.memory_space<vmem>>) dst(%dma_wait3A_71 : memref<10112x128xf32, #tpu.memory_space<vmem_shared>>)
      tpu.yield
    }) : () -> ()
    %run_scoped3A_5 = arith.constant 2 : i32
    "tpu.region"() ({
      %run_scoped3A_61 = tpu.sem_alloc : memref<!tpu.dma_semaphore, #tpu.memory_space<semaphore_mem>>
      %dma_start3A = arith.constant 0 : i32
      %dma_start3A_62 = tpu.memref_slice %arg12[%run_scoped3A_5, %dma_start3A] : memref<8x128xi32, #tpu.memory_space<vmem>> -> memref<1x128xi32, #tpu.memory_space<vmem>>
      %dma_start3A_63 = tpu.memref_squeeze %dma_start3A_62 : memref<1x128xi32, #tpu.memory_space<vmem>> -> memref<128xi32, #tpu.memory_space<vmem>>
      %dma_start3A_64 = arith.constant 0 : i32
      %dma_start3A_65 = tpu.memref_slice %arg18[%dma_start3A_64] : memref<10112xf32, #tpu.memory_space<vmem_shared>> -> memref<10112xf32, #tpu.memory_space<vmem_shared>>
      tpu.enqueue_indirect_dma source(%arg16 : memref<128xf32, #tpu.memory_space<vmem>>) target(%dma_start3A_65 : memref<10112xf32, #tpu.memory_space<vmem_shared>>) offsets(%dma_start3A_63 : memref<128xi32, #tpu.memory_space<vmem>>) semaphore(%run_scoped3A_61 : memref<!tpu.dma_semaphore, #tpu.memory_space<semaphore_mem>>)
      %dma_wait3A = arith.constant 0 : i32
      %dma_wait3A_66 = tpu.memref_slice %arg12[%run_scoped3A_5, %dma_wait3A] : memref<8x128xi32, #tpu.memory_space<vmem>> -> memref<1x128xi32, #tpu.memory_space<vmem>>
      %dma_wait3A_67 = tpu.memref_squeeze %dma_wait3A_66 : memref<1x128xi32, #tpu.memory_space<vmem>> -> memref<128xi32, #tpu.memory_space<vmem>>
      %dma_wait3A_68 = arith.constant 0 : i32
      %dma_wait3A_69 = tpu.memref_slice %arg18[%dma_wait3A_68] : memref<10112xf32, #tpu.memory_space<vmem_shared>> -> memref<10112xf32, #tpu.memory_space<vmem_shared>>
      tpu.wait_indirect_dma semaphore(%run_scoped3A_61 : memref<!tpu.dma_semaphore, #tpu.memory_space<semaphore_mem>>) src(%arg16 : memref<128xf32, #tpu.memory_space<vmem>>) dst(%dma_wait3A_69 : memref<10112xf32, #tpu.memory_space<vmem_shared>>)
      tpu.yield
    }) : () -> ()
    %run_scoped3A_6 = arith.constant 3 : i32
    "tpu.region"() ({
      %run_scoped3A_61 = tpu.sem_alloc : memref<!tpu.dma_semaphore, #tpu.memory_space<semaphore_mem>>
      %dma_start3A = arith.constant 0 : i32
      %dma_start3A_62 = tpu.memref_slice %arg12[%run_scoped3A_6, %dma_start3A] : memref<8x128xi32, #tpu.memory_space<vmem>> -> memref<1x128xi32, #tpu.memory_space<vmem>>
      %dma_start3A_63 = tpu.memref_squeeze %dma_start3A_62 : memref<1x128xi32, #tpu.memory_space<vmem>> -> memref<128xi32, #tpu.memory_space<vmem>>
      %dma_start3A_64 = arith.constant 0 : i32
      %dma_start3A_65 = arith.constant 0 : i32
      %dma_start3A_66 = tpu.memref_slice %arg17[%dma_start3A_64, %dma_start3A_65] : memref<10112x128xf32, #tpu.memory_space<vmem_shared>> -> memref<10112x128xf32, #tpu.memory_space<vmem_shared>>
      tpu.enqueue_indirect_dma source(%arg14 : memref<128x128xf32, #tpu.memory_space<vmem>>) target(%dma_start3A_66 : memref<10112x128xf32, #tpu.memory_space<vmem_shared>>) offsets(%dma_start3A_63 : memref<128xi32, #tpu.memory_space<vmem>>) semaphore(%run_scoped3A_61 : memref<!tpu.dma_semaphore, #tpu.memory_space<semaphore_mem>>)
      %dma_wait3A = arith.constant 0 : i32
      %dma_wait3A_67 = tpu.memref_slice %arg12[%run_scoped3A_6, %dma_wait3A] : memref<8x128xi32, #tpu.memory_space<vmem>> -> memref<1x128xi32, #tpu.memory_space<vmem>>
      %dma_wait3A_68 = tpu.memref_squeeze %dma_wait3A_67 : memref<1x128xi32, #tpu.memory_space<vmem>> -> memref<128xi32, #tpu.memory_space<vmem>>
      %dma_wait3A_69 = arith.constant 0 : i32
      %dma_wait3A_70 = arith.constant 0 : i32
      %dma_wait3A_71 = tpu.memref_slice %arg17[%dma_wait3A_69, %dma_wait3A_70] : memref<10112x128xf32, #tpu.memory_space<vmem_shared>> -> memref<10112x128xf32, #tpu.memory_space<vmem_shared>>
      tpu.wait_indirect_dma semaphore(%run_scoped3A_61 : memref<!tpu.dma_semaphore, #tpu.memory_space<semaphore_mem>>) src(%arg14 : memref<128x128xf32, #tpu.memory_space<vmem>>) dst(%dma_wait3A_71 : memref<10112x128xf32, #tpu.memory_space<vmem_shared>>)
      tpu.yield
    }) : () -> ()
    %run_scoped3A_7 = arith.constant 3 : i32
    "tpu.region"() ({
      %run_scoped3A_61 = tpu.sem_alloc : memref<!tpu.dma_semaphore, #tpu.memory_space<semaphore_mem>>
      %dma_start3A = arith.constant 0 : i32
      %dma_start3A_62 = tpu.memref_slice %arg12[%run_scoped3A_7, %dma_start3A] : memref<8x128xi32, #tpu.memory_space<vmem>> -> memref<1x128xi32, #tpu.memory_space<vmem>>
      %dma_start3A_63 = tpu.memref_squeeze %dma_start3A_62 : memref<1x128xi32, #tpu.memory_space<vmem>> -> memref<128xi32, #tpu.memory_space<vmem>>
      %dma_start3A_64 = arith.constant 0 : i32
      %dma_start3A_65 = tpu.memref_slice %arg18[%dma_start3A_64] : memref<10112xf32, #tpu.memory_space<vmem_shared>> -> memref<10112xf32, #tpu.memory_space<vmem_shared>>
      tpu.enqueue_indirect_dma source(%arg16 : memref<128xf32, #tpu.memory_space<vmem>>) target(%dma_start3A_65 : memref<10112xf32, #tpu.memory_space<vmem_shared>>) offsets(%dma_start3A_63 : memref<128xi32, #tpu.memory_space<vmem>>) semaphore(%run_scoped3A_61 : memref<!tpu.dma_semaphore, #tpu.memory_space<semaphore_mem>>)
      %dma_wait3A = arith.constant 0 : i32
      %dma_wait3A_66 = tpu.memref_slice %arg12[%run_scoped3A_7, %dma_wait3A] : memref<8x128xi32, #tpu.memory_space<vmem>> -> memref<1x128xi32, #tpu.memory_space<vmem>>
      %dma_wait3A_67 = tpu.memref_squeeze %dma_wait3A_66 : memref<1x128xi32, #tpu.memory_space<vmem>> -> memref<128xi32, #tpu.memory_space<vmem>>
      %dma_wait3A_68 = arith.constant 0 : i32
      %dma_wait3A_69 = tpu.memref_slice %arg18[%dma_wait3A_68] : memref<10112xf32, #tpu.memory_space<vmem_shared>> -> memref<10112xf32, #tpu.memory_space<vmem_shared>>
      tpu.wait_indirect_dma semaphore(%run_scoped3A_61 : memref<!tpu.dma_semaphore, #tpu.memory_space<semaphore_mem>>) src(%arg16 : memref<128xf32, #tpu.memory_space<vmem>>) dst(%dma_wait3A_69 : memref<10112xf32, #tpu.memory_space<vmem_shared>>)
      tpu.yield
    }) : () -> ()
    %run_scoped3A_8 = arith.constant 4 : i32
    "tpu.region"() ({
      %run_scoped3A_61 = tpu.sem_alloc : memref<!tpu.dma_semaphore, #tpu.memory_space<semaphore_mem>>
      %dma_start3A = arith.constant 0 : i32
      %dma_start3A_62 = tpu.memref_slice %arg12[%run_scoped3A_8, %dma_start3A] : memref<8x128xi32, #tpu.memory_space<vmem>> -> memref<1x128xi32, #tpu.memory_space<vmem>>
      %dma_start3A_63 = tpu.memref_squeeze %dma_start3A_62 : memref<1x128xi32, #tpu.memory_space<vmem>> -> memref<128xi32, #tpu.memory_space<vmem>>
      %dma_start3A_64 = arith.constant 0 : i32
      %dma_start3A_65 = arith.constant 0 : i32
      %dma_start3A_66 = tpu.memref_slice %arg17[%dma_start3A_64, %dma_start3A_65] : memref<10112x128xf32, #tpu.memory_space<vmem_shared>> -> memref<10112x128xf32, #tpu.memory_space<vmem_shared>>
      tpu.enqueue_indirect_dma source(%arg14 : memref<128x128xf32, #tpu.memory_space<vmem>>) target(%dma_start3A_66 : memref<10112x128xf32, #tpu.memory_space<vmem_shared>>) offsets(%dma_start3A_63 : memref<128xi32, #tpu.memory_space<vmem>>) semaphore(%run_scoped3A_61 : memref<!tpu.dma_semaphore, #tpu.memory_space<semaphore_mem>>)
      %dma_wait3A = arith.constant 0 : i32
      %dma_wait3A_67 = tpu.memref_slice %arg12[%run_scoped3A_8, %dma_wait3A] : memref<8x128xi32, #tpu.memory_space<vmem>> -> memref<1x128xi32, #tpu.memory_space<vmem>>
      %dma_wait3A_68 = tpu.memref_squeeze %dma_wait3A_67 : memref<1x128xi32, #tpu.memory_space<vmem>> -> memref<128xi32, #tpu.memory_space<vmem>>
      %dma_wait3A_69 = arith.constant 0 : i32
      %dma_wait3A_70 = arith.constant 0 : i32
      %dma_wait3A_71 = tpu.memref_slice %arg17[%dma_wait3A_69, %dma_wait3A_70] : memref<10112x128xf32, #tpu.memory_space<vmem_shared>> -> memref<10112x128xf32, #tpu.memory_space<vmem_shared>>
      tpu.wait_indirect_dma semaphore(%run_scoped3A_61 : memref<!tpu.dma_semaphore, #tpu.memory_space<semaphore_mem>>) src(%arg14 : memref<128x128xf32, #tpu.memory_space<vmem>>) dst(%dma_wait3A_71 : memref<10112x128xf32, #tpu.memory_space<vmem_shared>>)
      tpu.yield
    }) : () -> ()
    %run_scoped3A_9 = arith.constant 4 : i32
    "tpu.region"() ({
      %run_scoped3A_61 = tpu.sem_alloc : memref<!tpu.dma_semaphore, #tpu.memory_space<semaphore_mem>>
      %dma_start3A = arith.constant 0 : i32
      %dma_start3A_62 = tpu.memref_slice %arg12[%run_scoped3A_9, %dma_start3A] : memref<8x128xi32, #tpu.memory_space<vmem>> -> memref<1x128xi32, #tpu.memory_space<vmem>>
      %dma_start3A_63 = tpu.memref_squeeze %dma_start3A_62 : memref<1x128xi32, #tpu.memory_space<vmem>> -> memref<128xi32, #tpu.memory_space<vmem>>
      %dma_start3A_64 = arith.constant 0 : i32
      %dma_start3A_65 = tpu.memref_slice %arg18[%dma_start3A_64] : memref<10112xf32, #tpu.memory_space<vmem_shared>> -> memref<10112xf32, #tpu.memory_space<vmem_shared>>
      tpu.enqueue_indirect_dma source(%arg16 : memref<128xf32, #tpu.memory_space<vmem>>) target(%dma_start3A_65 : memref<10112xf32, #tpu.memory_space<vmem_shared>>) offsets(%dma_start3A_63 : memref<128xi32, #tpu.memory_space<vmem>>) semaphore(%run_scoped3A_61 : memref<!tpu.dma_semaphore, #tpu.memory_space<semaphore_mem>>)
      %dma_wait3A = arith.constant 0 : i32
      %dma_wait3A_66 = tpu.memref_slice %arg12[%run_scoped3A_9, %dma_wait3A] : memref<8x128xi32, #tpu.memory_space<vmem>> -> memref<1x128xi32, #tpu.memory_space<vmem>>
      %dma_wait3A_67 = tpu.memref_squeeze %dma_wait3A_66 : memref<1x128xi32, #tpu.memory_space<vmem>> -> memref<128xi32, #tpu.memory_space<vmem>>
      %dma_wait3A_68 = arith.constant 0 : i32
      %dma_wait3A_69 = tpu.memref_slice %arg18[%dma_wait3A_68] : memref<10112xf32, #tpu.memory_space<vmem_shared>> -> memref<10112xf32, #tpu.memory_space<vmem_shared>>
      tpu.wait_indirect_dma semaphore(%run_scoped3A_61 : memref<!tpu.dma_semaphore, #tpu.memory_space<semaphore_mem>>) src(%arg16 : memref<128xf32, #tpu.memory_space<vmem>>) dst(%dma_wait3A_69 : memref<10112xf32, #tpu.memory_space<vmem_shared>>)
      tpu.yield
    }) : () -> ()
    "tpu.region"() ({
      %run_scoped3A_61 = tpu.sem_alloc : memref<!tpu.dma_semaphore, #tpu.memory_space<semaphore_mem>>
      tpu.enqueue_dma source(%arg7 : memref<128xf32, #tpu.memory_space<hbm>>) target(%arg16 : memref<128xf32, #tpu.memory_space<vmem>>) target_semaphore(%run_scoped3A_61 : memref<!tpu.dma_semaphore, #tpu.memory_space<semaphore_mem>>)
      tpu.wait_dma2 semaphore(%run_scoped3A_61 : memref<!tpu.dma_semaphore, #tpu.memory_space<semaphore_mem>>) src(%arg7 : memref<128xf32, #tpu.memory_space<hbm>>) dst(%arg16 : memref<128xf32, #tpu.memory_space<vmem>>)
      tpu.yield
    }) : () -> ()
    %barrier3A = arith.constant 0 : index
    tpu.barrier barrier_id(%barrier3A)
    %scan3A = arith.constant 0 : i32
    %scan3A_10 = arith.constant 0 : i32
    %scan3A_11 = arith.constant 10 : i32
    %scan3A_12 = arith.addi %scan3A_10, %scan3A_11 : i32
    %scan3A_13 = arith.constant 1 : i32
    scf.for %scan3A_61 = %scan3A_10 to %scan3A_12 step %scan3A_13  : i32 {
      %mul3A_62 = arith.constant 10 : i32
      %mul3A_63 = arith.muli %add3A, %mul3A_62 : i32
      %add3A_64 = arith.addi %mul3A_63, %scan3A_61 : i32
      "tpu.region"() ({
        %run_scoped3A_386 = tpu.sem_alloc : memref<!tpu.dma_semaphore, #tpu.memory_space<semaphore_mem>>
        %dma_start3A_387 = arith.constant 0 : i32
        %dma_start3A_388 = arith.constant 0 : i32
        %dma_start3A_389 = tpu.memref_slice %arg3[%add3A_64, %dma_start3A_387, %dma_start3A_388] : memref<320x8x128xi32, #tpu.memory_space<hbm>> -> memref<1x8x128xi32, #tpu.memory_space<hbm>>
        %dma_start3A_390 = tpu.memref_squeeze %dma_start3A_389 : memref<1x8x128xi32, #tpu.memory_space<hbm>> -> memref<8x128xi32, #tpu.memory_space<hbm>>
        %dma_start3A_391 = arith.constant 0 : i32
        %dma_start3A_392 = arith.constant 0 : i32
        %dma_start3A_393 = tpu.memref_slice %arg3[%add3A_64, %dma_start3A_391, %dma_start3A_392] : memref<320x8x128xi32, #tpu.memory_space<hbm>> -> memref<1x8x128xi32, #tpu.memory_space<hbm>>
        %dma_start3A_394 = tpu.memref_squeeze %dma_start3A_393 : memref<1x8x128xi32, #tpu.memory_space<hbm>> -> memref<8x128xi32, #tpu.memory_space<hbm>>
        tpu.enqueue_dma source(%dma_start3A_394 : memref<8x128xi32, #tpu.memory_space<hbm>>) target(%arg12 : memref<8x128xi32, #tpu.memory_space<vmem>>) target_semaphore(%run_scoped3A_386 : memref<!tpu.dma_semaphore, #tpu.memory_space<semaphore_mem>>)
        %dma_wait3A_395 = arith.constant 0 : i32
        %dma_wait3A_396 = arith.constant 0 : i32
        %dma_wait3A_397 = tpu.memref_slice %arg3[%add3A_64, %dma_wait3A_395, %dma_wait3A_396] : memref<320x8x128xi32, #tpu.memory_space<hbm>> -> memref<1x8x128xi32, #tpu.memory_space<hbm>>
        %dma_wait3A_398 = tpu.memref_squeeze %dma_wait3A_397 : memref<1x8x128xi32, #tpu.memory_space<hbm>> -> memref<8x128xi32, #tpu.memory_space<hbm>>
        %dma_wait3A_399 = arith.constant 0 : i32
        %dma_wait3A_400 = arith.constant 0 : i32
        %dma_wait3A_401 = tpu.memref_slice %arg3[%add3A_64, %dma_wait3A_399, %dma_wait3A_400] : memref<320x8x128xi32, #tpu.memory_space<hbm>> -> memref<1x8x128xi32, #tpu.memory_space<hbm>>
        %dma_wait3A_402 = tpu.memref_squeeze %dma_wait3A_401 : memref<1x8x128xi32, #tpu.memory_space<hbm>> -> memref<8x128xi32, #tpu.memory_space<hbm>>
        tpu.wait_dma2 semaphore(%run_scoped3A_386 : memref<!tpu.dma_semaphore, #tpu.memory_space<semaphore_mem>>) src(%dma_wait3A_402 : memref<8x128xi32, #tpu.memory_space<hbm>>) dst(%arg12 : memref<8x128xi32, #tpu.memory_space<vmem>>)
        tpu.yield
      }) : () -> ()
      %mul3A_65 = arith.constant 10 : i32
      %mul3A_66 = arith.muli %add3A, %mul3A_65 : i32
      %add3A_67 = arith.addi %mul3A_66, %scan3A_61 : i32
      "tpu.region"() ({
        %run_scoped3A_386 = tpu.sem_alloc : memref<!tpu.dma_semaphore, #tpu.memory_space<semaphore_mem>>
        %dma_start3A_387 = arith.constant 0 : i32
        %dma_start3A_388 = arith.constant 0 : i32
        %dma_start3A_389 = tpu.memref_slice %arg4[%add3A_67, %dma_start3A_387, %dma_start3A_388] : memref<320x8x128xi32, #tpu.memory_space<hbm>> -> memref<1x8x128xi32, #tpu.memory_space<hbm>>
        %dma_start3A_390 = tpu.memref_squeeze %dma_start3A_389 : memref<1x8x128xi32, #tpu.memory_space<hbm>> -> memref<8x128xi32, #tpu.memory_space<hbm>>
        %dma_start3A_391 = arith.constant 0 : i32
        %dma_start3A_392 = arith.constant 0 : i32
        %dma_start3A_393 = tpu.memref_slice %arg4[%add3A_67, %dma_start3A_391, %dma_start3A_392] : memref<320x8x128xi32, #tpu.memory_space<hbm>> -> memref<1x8x128xi32, #tpu.memory_space<hbm>>
        %dma_start3A_394 = tpu.memref_squeeze %dma_start3A_393 : memref<1x8x128xi32, #tpu.memory_space<hbm>> -> memref<8x128xi32, #tpu.memory_space<hbm>>
        tpu.enqueue_dma source(%dma_start3A_394 : memref<8x128xi32, #tpu.memory_space<hbm>>) target(%arg13 : memref<8x128xi32, #tpu.memory_space<vmem>>) target_semaphore(%run_scoped3A_386 : memref<!tpu.dma_semaphore, #tpu.memory_space<semaphore_mem>>)
        %dma_wait3A_395 = arith.constant 0 : i32
        %dma_wait3A_396 = arith.constant 0 : i32
        %dma_wait3A_397 = tpu.memref_slice %arg4[%add3A_67, %dma_wait3A_395, %dma_wait3A_396] : memref<320x8x128xi32, #tpu.memory_space<hbm>> -> memref<1x8x128xi32, #tpu.memory_space<hbm>>
        %dma_wait3A_398 = tpu.memref_squeeze %dma_wait3A_397 : memref<1x8x128xi32, #tpu.memory_space<hbm>> -> memref<8x128xi32, #tpu.memory_space<hbm>>
        %dma_wait3A_399 = arith.constant 0 : i32
        %dma_wait3A_400 = arith.constant 0 : i32
        %dma_wait3A_401 = tpu.memref_slice %arg4[%add3A_67, %dma_wait3A_399, %dma_wait3A_400] : memref<320x8x128xi32, #tpu.memory_space<hbm>> -> memref<1x8x128xi32, #tpu.memory_space<hbm>>
        %dma_wait3A_402 = tpu.memref_squeeze %dma_wait3A_401 : memref<1x8x128xi32, #tpu.memory_space<hbm>> -> memref<8x128xi32, #tpu.memory_space<hbm>>
        tpu.wait_dma2 semaphore(%run_scoped3A_386 : memref<!tpu.dma_semaphore, #tpu.memory_space<semaphore_mem>>) src(%dma_wait3A_402 : memref<8x128xi32, #tpu.memory_space<hbm>>) dst(%arg13 : memref<8x128xi32, #tpu.memory_space<vmem>>)
        tpu.yield
      }) : () -> ()
      %dma_start3A = arith.constant 0 : i32
      %dma_start3A_68 = arith.constant 0 : i32
      %dma_start3A_69 = tpu.memref_slice %arg12[%dma_start3A, %dma_start3A_68] : memref<8x128xi32, #tpu.memory_space<vmem>> -> memref<1x128xi32, #tpu.memory_space<vmem>>
      %dma_start3A_70 = tpu.memref_squeeze %dma_start3A_69 : memref<1x128xi32, #tpu.memory_space<vmem>> -> memref<128xi32, #tpu.memory_space<vmem>>
      %dma_start3A_71 = arith.constant 0 : i32
      %dma_start3A_72 = arith.constant 0 : i32
      %dma_start3A_73 = tpu.memref_slice %arg2[%dma_start3A_71, %dma_start3A_72] : memref<10000x128xf32, #tpu.memory_space<hbm>> -> memref<10000x128xf32, #tpu.memory_space<hbm>>
      tpu.enqueue_indirect_dma source(%dma_start3A_73 : memref<10000x128xf32, #tpu.memory_space<hbm>>) target(%arg14 : memref<128x128xf32, #tpu.memory_space<vmem>>) offsets(%dma_start3A_70 : memref<128xi32, #tpu.memory_space<vmem>>) semaphore(%arg19 : memref<!tpu.dma_semaphore, #tpu.memory_space<semaphore_mem>>)
      %dma_start3A_74 = arith.constant 1 : i32
      %dma_start3A_75 = arith.constant 0 : i32
      %dma_start3A_76 = tpu.memref_slice %arg12[%dma_start3A_74, %dma_start3A_75] : memref<8x128xi32, #tpu.memory_space<vmem>> -> memref<1x128xi32, #tpu.memory_space<vmem>>
      %dma_start3A_77 = tpu.memref_squeeze %dma_start3A_76 : memref<1x128xi32, #tpu.memory_space<vmem>> -> memref<128xi32, #tpu.memory_space<vmem>>
      %dma_start3A_78 = arith.constant 0 : i32
      %dma_start3A_79 = arith.constant 0 : i32
      %dma_start3A_80 = tpu.memref_slice %arg2[%dma_start3A_78, %dma_start3A_79] : memref<10000x128xf32, #tpu.memory_space<hbm>> -> memref<10000x128xf32, #tpu.memory_space<hbm>>
      tpu.enqueue_indirect_dma source(%dma_start3A_80 : memref<10000x128xf32, #tpu.memory_space<hbm>>) target(%arg15 : memref<128x128xf32, #tpu.memory_space<vmem>>) offsets(%dma_start3A_77 : memref<128xi32, #tpu.memory_space<vmem>>) semaphore(%arg20 : memref<!tpu.dma_semaphore, #tpu.memory_space<semaphore_mem>>)
      %dma_wait3A = arith.constant 0 : i32
      %dma_wait3A_81 = arith.constant 0 : i32
      %dma_wait3A_82 = tpu.memref_slice %arg12[%dma_wait3A, %dma_wait3A_81] : memref<8x128xi32, #tpu.memory_space<vmem>> -> memref<1x128xi32, #tpu.memory_space<vmem>>
      %dma_wait3A_83 = tpu.memref_squeeze %dma_wait3A_82 : memref<1x128xi32, #tpu.memory_space<vmem>> -> memref<128xi32, #tpu.memory_space<vmem>>
      %dma_wait3A_84 = arith.constant 0 : i32
      %dma_wait3A_85 = arith.constant 0 : i32
      %dma_wait3A_86 = tpu.memref_slice %arg2[%dma_wait3A_84, %dma_wait3A_85] : memref<10000x128xf32, #tpu.memory_space<hbm>> -> memref<10000x128xf32, #tpu.memory_space<hbm>>
      tpu.wait_indirect_dma semaphore(%arg19 : memref<!tpu.dma_semaphore, #tpu.memory_space<semaphore_mem>>) src(%dma_wait3A_86 : memref<10000x128xf32, #tpu.memory_space<hbm>>) dst(%arg14 : memref<128x128xf32, #tpu.memory_space<vmem>>)
      %dma_start3A_87 = arith.constant 0 : i32
      %dma_start3A_88 = arith.constant 0 : i32
      %dma_start3A_89 = tpu.memref_slice %arg13[%dma_start3A_87, %dma_start3A_88] : memref<8x128xi32, #tpu.memory_space<vmem>> -> memref<1x128xi32, #tpu.memory_space<vmem>>
      %dma_start3A_90 = tpu.memref_squeeze %dma_start3A_89 : memref<1x128xi32, #tpu.memory_space<vmem>> -> memref<128xi32, #tpu.memory_space<vmem>>
      %dma_start3A_91 = arith.constant 0 : i32
      %dma_start3A_92 = tpu.memref_slice %arg18[%dma_start3A_91] : memref<10112xf32, #tpu.memory_space<vmem_shared>> -> memref<10112xf32, #tpu.memory_space<vmem_shared>>
      tpu.enqueue_indirect_dma source(%arg16 : memref<128xf32, #tpu.memory_space<vmem>>) target(%dma_start3A_92 : memref<10112xf32, #tpu.memory_space<vmem_shared>>) offsets(%dma_start3A_90 : memref<128xi32, #tpu.memory_space<vmem>>) semaphore(%arg21 : memref<!tpu.dma_semaphore, #tpu.memory_space<semaphore_mem>>) {add = true}
      %dma_start3A_93 = arith.constant 0 : i32
      %dma_start3A_94 = arith.constant 0 : i32
      %dma_start3A_95 = tpu.memref_slice %arg13[%dma_start3A_93, %dma_start3A_94] : memref<8x128xi32, #tpu.memory_space<vmem>> -> memref<1x128xi32, #tpu.memory_space<vmem>>
      %dma_start3A_96 = tpu.memref_squeeze %dma_start3A_95 : memref<1x128xi32, #tpu.memory_space<vmem>> -> memref<128xi32, #tpu.memory_space<vmem>>
      %dma_start3A_97 = arith.constant 0 : i32
      %dma_start3A_98 = arith.constant 0 : i32
      %dma_start3A_99 = tpu.memref_slice %arg17[%dma_start3A_97, %dma_start3A_98] : memref<10112x128xf32, #tpu.memory_space<vmem_shared>> -> memref<10112x128xf32, #tpu.memory_space<vmem_shared>>
      tpu.enqueue_indirect_dma source(%arg14 : memref<128x128xf32, #tpu.memory_space<vmem>>) target(%dma_start3A_99 : memref<10112x128xf32, #tpu.memory_space<vmem_shared>>) offsets(%dma_start3A_96 : memref<128xi32, #tpu.memory_space<vmem>>) semaphore(%arg22 : memref<!tpu.dma_semaphore, #tpu.memory_space<semaphore_mem>>) {add = true}
      %dma_wait3A_100 = arith.constant 0 : i32
      %dma_wait3A_101 = arith.constant 0 : i32
      %dma_wait3A_102 = tpu.memref_slice %arg13[%dma_wait3A_100, %dma_wait3A_101] : memref<8x128xi32, #tpu.memory_space<vmem>> -> memref<1x128xi32, #tpu.memory_space<vmem>>
      %dma_wait3A_103 = tpu.memref_squeeze %dma_wait3A_102 : memref<1x128xi32, #tpu.memory_space<vmem>> -> memref<128xi32, #tpu.memory_space<vmem>>
      %dma_wait3A_104 = arith.constant 0 : i32
      %dma_wait3A_105 = tpu.memref_slice %arg18[%dma_wait3A_104] : memref<10112xf32, #tpu.memory_space<vmem_shared>> -> memref<10112xf32, #tpu.memory_space<vmem_shared>>
      tpu.wait_indirect_dma semaphore(%arg21 : memref<!tpu.dma_semaphore, #tpu.memory_space<semaphore_mem>>) src(%arg16 : memref<128xf32, #tpu.memory_space<vmem>>) dst(%dma_wait3A_105 : memref<10112xf32, #tpu.memory_space<vmem_shared>>)
      %dma_wait3A_106 = arith.constant 0 : i32
      %dma_wait3A_107 = arith.constant 0 : i32
      %dma_wait3A_108 = tpu.memref_slice %arg13[%dma_wait3A_106, %dma_wait3A_107] : memref<8x128xi32, #tpu.memory_space<vmem>> -> memref<1x128xi32, #tpu.memory_space<vmem>>
      %dma_wait3A_109 = tpu.memref_squeeze %dma_wait3A_108 : memref<1x128xi32, #tpu.memory_space<vmem>> -> memref<128xi32, #tpu.memory_space<vmem>>
      %dma_wait3A_110 = arith.constant 0 : i32
      %dma_wait3A_111 = arith.constant 0 : i32
      %dma_wait3A_112 = tpu.memref_slice %arg17[%dma_wait3A_110, %dma_wait3A_111] : memref<10112x128xf32, #tpu.memory_space<vmem_shared>> -> memref<10112x128xf32, #tpu.memory_space<vmem_shared>>
      tpu.wait_indirect_dma semaphore(%arg22 : memref<!tpu.dma_semaphore, #tpu.memory_space<semaphore_mem>>) src(%arg14 : memref<128x128xf32, #tpu.memory_space<vmem>>) dst(%dma_wait3A_112 : memref<10112x128xf32, #tpu.memory_space<vmem_shared>>)
      %dma_start3A_113 = arith.constant 2 : i32
      %dma_start3A_114 = arith.constant 0 : i32
      %dma_start3A_115 = tpu.memref_slice %arg12[%dma_start3A_113, %dma_start3A_114] : memref<8x128xi32, #tpu.memory_space<vmem>> -> memref<1x128xi32, #tpu.memory_space<vmem>>
      %dma_start3A_116 = tpu.memref_squeeze %dma_start3A_115 : memref<1x128xi32, #tpu.memory_space<vmem>> -> memref<128xi32, #tpu.memory_space<vmem>>
      %dma_start3A_117 = arith.constant 0 : i32
      %dma_start3A_118 = arith.constant 0 : i32
      %dma_start3A_119 = tpu.memref_slice %arg2[%dma_start3A_117, %dma_start3A_118] : memref<10000x128xf32, #tpu.memory_space<hbm>> -> memref<10000x128xf32, #tpu.memory_space<hbm>>
      tpu.enqueue_indirect_dma source(%dma_start3A_119 : memref<10000x128xf32, #tpu.memory_space<hbm>>) target(%arg14 : memref<128x128xf32, #tpu.memory_space<vmem>>) offsets(%dma_start3A_116 : memref<128xi32, #tpu.memory_space<vmem>>) semaphore(%arg19 : memref<!tpu.dma_semaphore, #tpu.memory_space<semaphore_mem>>)
      %dma_wait3A_120 = arith.constant 1 : i32
      %dma_wait3A_121 = arith.constant 0 : i32
      %dma_wait3A_122 = tpu.memref_slice %arg12[%dma_wait3A_120, %dma_wait3A_121] : memref<8x128xi32, #tpu.memory_space<vmem>> -> memref<1x128xi32, #tpu.memory_space<vmem>>
      %dma_wait3A_123 = tpu.memref_squeeze %dma_wait3A_122 : memref<1x128xi32, #tpu.memory_space<vmem>> -> memref<128xi32, #tpu.memory_space<vmem>>
      %dma_wait3A_124 = arith.constant 0 : i32
      %dma_wait3A_125 = arith.constant 0 : i32
      %dma_wait3A_126 = tpu.memref_slice %arg2[%dma_wait3A_124, %dma_wait3A_125] : memref<10000x128xf32, #tpu.memory_space<hbm>> -> memref<10000x128xf32, #tpu.memory_space<hbm>>
      tpu.wait_indirect_dma semaphore(%arg20 : memref<!tpu.dma_semaphore, #tpu.memory_space<semaphore_mem>>) src(%dma_wait3A_126 : memref<10000x128xf32, #tpu.memory_space<hbm>>) dst(%arg15 : memref<128x128xf32, #tpu.memory_space<vmem>>)
      %dma_start3A_127 = arith.constant 1 : i32
      %dma_start3A_128 = arith.constant 0 : i32
      %dma_start3A_129 = tpu.memref_slice %arg13[%dma_start3A_127, %dma_start3A_128] : memref<8x128xi32, #tpu.memory_space<vmem>> -> memref<1x128xi32, #tpu.memory_space<vmem>>
      %dma_start3A_130 = tpu.memref_squeeze %dma_start3A_129 : memref<1x128xi32, #tpu.memory_space<vmem>> -> memref<128xi32, #tpu.memory_space<vmem>>
      %dma_start3A_131 = arith.constant 0 : i32
      %dma_start3A_132 = tpu.memref_slice %arg18[%dma_start3A_131] : memref<10112xf32, #tpu.memory_space<vmem_shared>> -> memref<10112xf32, #tpu.memory_space<vmem_shared>>
      tpu.enqueue_indirect_dma source(%arg16 : memref<128xf32, #tpu.memory_space<vmem>>) target(%dma_start3A_132 : memref<10112xf32, #tpu.memory_space<vmem_shared>>) offsets(%dma_start3A_130 : memref<128xi32, #tpu.memory_space<vmem>>) semaphore(%arg21 : memref<!tpu.dma_semaphore, #tpu.memory_space<semaphore_mem>>) {add = true}
      %dma_start3A_133 = arith.constant 1 : i32
      %dma_start3A_134 = arith.constant 0 : i32
      %dma_start3A_135 = tpu.memref_slice %arg13[%dma_start3A_133, %dma_start3A_134] : memref<8x128xi32, #tpu.memory_space<vmem>> -> memref<1x128xi32, #tpu.memory_space<vmem>>
      %dma_start3A_136 = tpu.memref_squeeze %dma_start3A_135 : memref<1x128xi32, #tpu.memory_space<vmem>> -> memref<128xi32, #tpu.memory_space<vmem>>
      %dma_start3A_137 = arith.constant 0 : i32
      %dma_start3A_138 = arith.constant 0 : i32
      %dma_start3A_139 = tpu.memref_slice %arg17[%dma_start3A_137, %dma_start3A_138] : memref<10112x128xf32, #tpu.memory_space<vmem_shared>> -> memref<10112x128xf32, #tpu.memory_space<vmem_shared>>
      tpu.enqueue_indirect_dma source(%arg15 : memref<128x128xf32, #tpu.memory_space<vmem>>) target(%dma_start3A_139 : memref<10112x128xf32, #tpu.memory_space<vmem_shared>>) offsets(%dma_start3A_136 : memref<128xi32, #tpu.memory_space<vmem>>) semaphore(%arg23 : memref<!tpu.dma_semaphore, #tpu.memory_space<semaphore_mem>>) {add = true}
      %dma_wait3A_140 = arith.constant 1 : i32
      %dma_wait3A_141 = arith.constant 0 : i32
      %dma_wait3A_142 = tpu.memref_slice %arg13[%dma_wait3A_140, %dma_wait3A_141] : memref<8x128xi32, #tpu.memory_space<vmem>> -> memref<1x128xi32, #tpu.memory_space<vmem>>
      %dma_wait3A_143 = tpu.memref_squeeze %dma_wait3A_142 : memref<1x128xi32, #tpu.memory_space<vmem>> -> memref<128xi32, #tpu.memory_space<vmem>>
      %dma_wait3A_144 = arith.constant 0 : i32
      %dma_wait3A_145 = tpu.memref_slice %arg18[%dma_wait3A_144] : memref<10112xf32, #tpu.memory_space<vmem_shared>> -> memref<10112xf32, #tpu.memory_space<vmem_shared>>
      tpu.wait_indirect_dma semaphore(%arg21 : memref<!tpu.dma_semaphore, #tpu.memory_space<semaphore_mem>>) src(%arg16 : memref<128xf32, #tpu.memory_space<vmem>>) dst(%dma_wait3A_145 : memref<10112xf32, #tpu.memory_space<vmem_shared>>)
      %dma_wait3A_146 = arith.constant 1 : i32
      %dma_wait3A_147 = arith.constant 0 : i32
      %dma_wait3A_148 = tpu.memref_slice %arg13[%dma_wait3A_146, %dma_wait3A_147] : memref<8x128xi32, #tpu.memory_space<vmem>> -> memref<1x128xi32, #tpu.memory_space<vmem>>
      %dma_wait3A_149 = tpu.memref_squeeze %dma_wait3A_148 : memref<1x128xi32, #tpu.memory_space<vmem>> -> memref<128xi32, #tpu.memory_space<vmem>>
      %dma_wait3A_150 = arith.constant 0 : i32
      %dma_wait3A_151 = arith.constant 0 : i32
      %dma_wait3A_152 = tpu.memref_slice %arg17[%dma_wait3A_150, %dma_wait3A_151] : memref<10112x128xf32, #tpu.memory_space<vmem_shared>> -> memref<10112x128xf32, #tpu.memory_space<vmem_shared>>
      tpu.wait_indirect_dma semaphore(%arg23 : memref<!tpu.dma_semaphore, #tpu.memory_space<semaphore_mem>>) src(%arg15 : memref<128x128xf32, #tpu.memory_space<vmem>>) dst(%dma_wait3A_152 : memref<10112x128xf32, #tpu.memory_space<vmem_shared>>)
      %dma_start3A_153 = arith.constant 3 : i32
      %dma_start3A_154 = arith.constant 0 : i32
      %dma_start3A_155 = tpu.memref_slice %arg12[%dma_start3A_153, %dma_start3A_154] : memref<8x128xi32, #tpu.memory_space<vmem>> -> memref<1x128xi32, #tpu.memory_space<vmem>>
      %dma_start3A_156 = tpu.memref_squeeze %dma_start3A_155 : memref<1x128xi32, #tpu.memory_space<vmem>> -> memref<128xi32, #tpu.memory_space<vmem>>
      %dma_start3A_157 = arith.constant 0 : i32
      %dma_start3A_158 = arith.constant 0 : i32
      %dma_start3A_159 = tpu.memref_slice %arg2[%dma_start3A_157, %dma_start3A_158] : memref<10000x128xf32, #tpu.memory_space<hbm>> -> memref<10000x128xf32, #tpu.memory_space<hbm>>
      tpu.enqueue_indirect_dma source(%dma_start3A_159 : memref<10000x128xf32, #tpu.memory_space<hbm>>) target(%arg15 : memref<128x128xf32, #tpu.memory_space<vmem>>) offsets(%dma_start3A_156 : memref<128xi32, #tpu.memory_space<vmem>>) semaphore(%arg20 : memref<!tpu.dma_semaphore, #tpu.memory_space<semaphore_mem>>)
      %dma_wait3A_160 = arith.constant 2 : i32
      %dma_wait3A_161 = arith.constant 0 : i32
      %dma_wait3A_162 = tpu.memref_slice %arg12[%dma_wait3A_160, %dma_wait3A_161] : memref<8x128xi32, #tpu.memory_space<vmem>> -> memref<1x128xi32, #tpu.memory_space<vmem>>
      %dma_wait3A_163 = tpu.memref_squeeze %dma_wait3A_162 : memref<1x128xi32, #tpu.memory_space<vmem>> -> memref<128xi32, #tpu.memory_space<vmem>>
      %dma_wait3A_164 = arith.constant 0 : i32
      %dma_wait3A_165 = arith.constant 0 : i32
      %dma_wait3A_166 = tpu.memref_slice %arg2[%dma_wait3A_164, %dma_wait3A_165] : memref<10000x128xf32, #tpu.memory_space<hbm>> -> memref<10000x128xf32, #tpu.memory_space<hbm>>
      tpu.wait_indirect_dma semaphore(%arg19 : memref<!tpu.dma_semaphore, #tpu.memory_space<semaphore_mem>>) src(%dma_wait3A_166 : memref<10000x128xf32, #tpu.memory_space<hbm>>) dst(%arg14 : memref<128x128xf32, #tpu.memory_space<vmem>>)
      %dma_start3A_167 = arith.constant 2 : i32
      %dma_start3A_168 = arith.constant 0 : i32
      %dma_start3A_169 = tpu.memref_slice %arg13[%dma_start3A_167, %dma_start3A_168] : memref<8x128xi32, #tpu.memory_space<vmem>> -> memref<1x128xi32, #tpu.memory_space<vmem>>
      %dma_start3A_170 = tpu.memref_squeeze %dma_start3A_169 : memref<1x128xi32, #tpu.memory_space<vmem>> -> memref<128xi32, #tpu.memory_space<vmem>>
      %dma_start3A_171 = arith.constant 0 : i32
      %dma_start3A_172 = tpu.memref_slice %arg18[%dma_start3A_171] : memref<10112xf32, #tpu.memory_space<vmem_shared>> -> memref<10112xf32, #tpu.memory_space<vmem_shared>>
      tpu.enqueue_indirect_dma source(%arg16 : memref<128xf32, #tpu.memory_space<vmem>>) target(%dma_start3A_172 : memref<10112xf32, #tpu.memory_space<vmem_shared>>) offsets(%dma_start3A_170 : memref<128xi32, #tpu.memory_space<vmem>>) semaphore(%arg21 : memref<!tpu.dma_semaphore, #tpu.memory_space<semaphore_mem>>) {add = true}
      %dma_start3A_173 = arith.constant 2 : i32
      %dma_start3A_174 = arith.constant 0 : i32
      %dma_start3A_175 = tpu.memref_slice %arg13[%dma_start3A_173, %dma_start3A_174] : memref<8x128xi32, #tpu.memory_space<vmem>> -> memref<1x128xi32, #tpu.memory_space<vmem>>
      %dma_start3A_176 = tpu.memref_squeeze %dma_start3A_175 : memref<1x128xi32, #tpu.memory_space<vmem>> -> memref<128xi32, #tpu.memory_space<vmem>>
      %dma_start3A_177 = arith.constant 0 : i32
      %dma_start3A_178 = arith.constant 0 : i32
      %dma_start3A_179 = tpu.memref_slice %arg17[%dma_start3A_177, %dma_start3A_178] : memref<10112x128xf32, #tpu.memory_space<vmem_shared>> -> memref<10112x128xf32, #tpu.memory_space<vmem_shared>>
      tpu.enqueue_indirect_dma source(%arg14 : memref<128x128xf32, #tpu.memory_space<vmem>>) target(%dma_start3A_179 : memref<10112x128xf32, #tpu.memory_space<vmem_shared>>) offsets(%dma_start3A_176 : memref<128xi32, #tpu.memory_space<vmem>>) semaphore(%arg22 : memref<!tpu.dma_semaphore, #tpu.memory_space<semaphore_mem>>) {add = true}
      %dma_wait3A_180 = arith.constant 2 : i32
      %dma_wait3A_181 = arith.constant 0 : i32
      %dma_wait3A_182 = tpu.memref_slice %arg13[%dma_wait3A_180, %dma_wait3A_181] : memref<8x128xi32, #tpu.memory_space<vmem>> -> memref<1x128xi32, #tpu.memory_space<vmem>>
      %dma_wait3A_183 = tpu.memref_squeeze %dma_wait3A_182 : memref<1x128xi32, #tpu.memory_space<vmem>> -> memref<128xi32, #tpu.memory_space<vmem>>
      %dma_wait3A_184 = arith.constant 0 : i32
      %dma_wait3A_185 = tpu.memref_slice %arg18[%dma_wait3A_184] : memref<10112xf32, #tpu.memory_space<vmem_shared>> -> memref<10112xf32, #tpu.memory_space<vmem_shared>>
      tpu.wait_indirect_dma semaphore(%arg21 : memref<!tpu.dma_semaphore, #tpu.memory_space<semaphore_mem>>) src(%arg16 : memref<128xf32, #tpu.memory_space<vmem>>) dst(%dma_wait3A_185 : memref<10112xf32, #tpu.memory_space<vmem_shared>>)
      %dma_wait3A_186 = arith.constant 2 : i32
      %dma_wait3A_187 = arith.constant 0 : i32
      %dma_wait3A_188 = tpu.memref_slice %arg13[%dma_wait3A_186, %dma_wait3A_187] : memref<8x128xi32, #tpu.memory_space<vmem>> -> memref<1x128xi32, #tpu.memory_space<vmem>>
      %dma_wait3A_189 = tpu.memref_squeeze %dma_wait3A_188 : memref<1x128xi32, #tpu.memory_space<vmem>> -> memref<128xi32, #tpu.memory_space<vmem>>
      %dma_wait3A_190 = arith.constant 0 : i32
      %dma_wait3A_191 = arith.constant 0 : i32
      %dma_wait3A_192 = tpu.memref_slice %arg17[%dma_wait3A_190, %dma_wait3A_191] : memref<10112x128xf32, #tpu.memory_space<vmem_shared>> -> memref<10112x128xf32, #tpu.memory_space<vmem_shared>>
      tpu.wait_indirect_dma semaphore(%arg22 : memref<!tpu.dma_semaphore, #tpu.memory_space<semaphore_mem>>) src(%arg14 : memref<128x128xf32, #tpu.memory_space<vmem>>) dst(%dma_wait3A_192 : memref<10112x128xf32, #tpu.memory_space<vmem_shared>>)
      %dma_start3A_193 = arith.constant 4 : i32
      %dma_start3A_194 = arith.constant 0 : i32
      %dma_start3A_195 = tpu.memref_slice %arg12[%dma_start3A_193, %dma_start3A_194] : memref<8x128xi32, #tpu.memory_space<vmem>> -> memref<1x128xi32, #tpu.memory_space<vmem>>
      %dma_start3A_196 = tpu.memref_squeeze %dma_start3A_195 : memref<1x128xi32, #tpu.memory_space<vmem>> -> memref<128xi32, #tpu.memory_space<vmem>>
      %dma_start3A_197 = arith.constant 0 : i32
      %dma_start3A_198 = arith.constant 0 : i32
      %dma_start3A_199 = tpu.memref_slice %arg2[%dma_start3A_197, %dma_start3A_198] : memref<10000x128xf32, #tpu.memory_space<hbm>> -> memref<10000x128xf32, #tpu.memory_space<hbm>>
      tpu.enqueue_indirect_dma source(%dma_start3A_199 : memref<10000x128xf32, #tpu.memory_space<hbm>>) target(%arg14 : memref<128x128xf32, #tpu.memory_space<vmem>>) offsets(%dma_start3A_196 : memref<128xi32, #tpu.memory_space<vmem>>) semaphore(%arg19 : memref<!tpu.dma_semaphore, #tpu.memory_space<semaphore_mem>>)
      %dma_wait3A_200 = arith.constant 3 : i32
      %dma_wait3A_201 = arith.constant 0 : i32
      %dma_wait3A_202 = tpu.memref_slice %arg12[%dma_wait3A_200, %dma_wait3A_201] : memref<8x128xi32, #tpu.memory_space<vmem>> -> memref<1x128xi32, #tpu.memory_space<vmem>>
      %dma_wait3A_203 = tpu.memref_squeeze %dma_wait3A_202 : memref<1x128xi32, #tpu.memory_space<vmem>> -> memref<128xi32, #tpu.memory_space<vmem>>
      %dma_wait3A_204 = arith.constant 0 : i32
      %dma_wait3A_205 = arith.constant 0 : i32
      %dma_wait3A_206 = tpu.memref_slice %arg2[%dma_wait3A_204, %dma_wait3A_205] : memref<10000x128xf32, #tpu.memory_space<hbm>> -> memref<10000x128xf32, #tpu.memory_space<hbm>>
      tpu.wait_indirect_dma semaphore(%arg20 : memref<!tpu.dma_semaphore, #tpu.memory_space<semaphore_mem>>) src(%dma_wait3A_206 : memref<10000x128xf32, #tpu.memory_space<hbm>>) dst(%arg15 : memref<128x128xf32, #tpu.memory_space<vmem>>)
      %dma_start3A_207 = arith.constant 3 : i32
      %dma_start3A_208 = arith.constant 0 : i32
      %dma_start3A_209 = tpu.memref_slice %arg13[%dma_start3A_207, %dma_start3A_208] : memref<8x128xi32, #tpu.memory_space<vmem>> -> memref<1x128xi32, #tpu.memory_space<vmem>>
      %dma_start3A_210 = tpu.memref_squeeze %dma_start3A_209 : memref<1x128xi32, #tpu.memory_space<vmem>> -> memref<128xi32, #tpu.memory_space<vmem>>
      %dma_start3A_211 = arith.constant 0 : i32
      %dma_start3A_212 = tpu.memref_slice %arg18[%dma_start3A_211] : memref<10112xf32, #tpu.memory_space<vmem_shared>> -> memref<10112xf32, #tpu.memory_space<vmem_shared>>
      tpu.enqueue_indirect_dma source(%arg16 : memref<128xf32, #tpu.memory_space<vmem>>) target(%dma_start3A_212 : memref<10112xf32, #tpu.memory_space<vmem_shared>>) offsets(%dma_start3A_210 : memref<128xi32, #tpu.memory_space<vmem>>) semaphore(%arg21 : memref<!tpu.dma_semaphore, #tpu.memory_space<semaphore_mem>>) {add = true}
      %dma_start3A_213 = arith.constant 3 : i32
      %dma_start3A_214 = arith.constant 0 : i32
      %dma_start3A_215 = tpu.memref_slice %arg13[%dma_start3A_213, %dma_start3A_214] : memref<8x128xi32, #tpu.memory_space<vmem>> -> memref<1x128xi32, #tpu.memory_space<vmem>>
      %dma_start3A_216 = tpu.memref_squeeze %dma_start3A_215 : memref<1x128xi32, #tpu.memory_space<vmem>> -> memref<128xi32, #tpu.memory_space<vmem>>
      %dma_start3A_217 = arith.constant 0 : i32
      %dma_start3A_218 = arith.constant 0 : i32
      %dma_start3A_219 = tpu.memref_slice %arg17[%dma_start3A_217, %dma_start3A_218] : memref<10112x128xf32, #tpu.memory_space<vmem_shared>> -> memref<10112x128xf32, #tpu.memory_space<vmem_shared>>
      tpu.enqueue_indirect_dma source(%arg15 : memref<128x128xf32, #tpu.memory_space<vmem>>) target(%dma_start3A_219 : memref<10112x128xf32, #tpu.memory_space<vmem_shared>>) offsets(%dma_start3A_216 : memref<128xi32, #tpu.memory_space<vmem>>) semaphore(%arg23 : memref<!tpu.dma_semaphore, #tpu.memory_space<semaphore_mem>>) {add = true}
      %dma_wait3A_220 = arith.constant 3 : i32
      %dma_wait3A_221 = arith.constant 0 : i32
      %dma_wait3A_222 = tpu.memref_slice %arg13[%dma_wait3A_220, %dma_wait3A_221] : memref<8x128xi32, #tpu.memory_space<vmem>> -> memref<1x128xi32, #tpu.memory_space<vmem>>
      %dma_wait3A_223 = tpu.memref_squeeze %dma_wait3A_222 : memref<1x128xi32, #tpu.memory_space<vmem>> -> memref<128xi32, #tpu.memory_space<vmem>>
      %dma_wait3A_224 = arith.constant 0 : i32
      %dma_wait3A_225 = tpu.memref_slice %arg18[%dma_wait3A_224] : memref<10112xf32, #tpu.memory_space<vmem_shared>> -> memref<10112xf32, #tpu.memory_space<vmem_shared>>
      tpu.wait_indirect_dma semaphore(%arg21 : memref<!tpu.dma_semaphore, #tpu.memory_space<semaphore_mem>>) src(%arg16 : memref<128xf32, #tpu.memory_space<vmem>>) dst(%dma_wait3A_225 : memref<10112xf32, #tpu.memory_space<vmem_shared>>)
      %dma_wait3A_226 = arith.constant 3 : i32
      %dma_wait3A_227 = arith.constant 0 : i32
      %dma_wait3A_228 = tpu.memref_slice %arg13[%dma_wait3A_226, %dma_wait3A_227] : memref<8x128xi32, #tpu.memory_space<vmem>> -> memref<1x128xi32, #tpu.memory_space<vmem>>
      %dma_wait3A_229 = tpu.memref_squeeze %dma_wait3A_228 : memref<1x128xi32, #tpu.memory_space<vmem>> -> memref<128xi32, #tpu.memory_space<vmem>>
      %dma_wait3A_230 = arith.constant 0 : i32
      %dma_wait3A_231 = arith.constant 0 : i32
      %dma_wait3A_232 = tpu.memref_slice %arg17[%dma_wait3A_230, %dma_wait3A_231] : memref<10112x128xf32, #tpu.memory_space<vmem_shared>> -> memref<10112x128xf32, #tpu.memory_space<vmem_shared>>
      tpu.wait_indirect_dma semaphore(%arg23 : memref<!tpu.dma_semaphore, #tpu.memory_space<semaphore_mem>>) src(%arg15 : memref<128x128xf32, #tpu.memory_space<vmem>>) dst(%dma_wait3A_232 : memref<10112x128xf32, #tpu.memory_space<vmem_shared>>)
      %dma_start3A_233 = arith.constant 5 : i32
      %dma_start3A_234 = arith.constant 0 : i32
      %dma_start3A_235 = tpu.memref_slice %arg12[%dma_start3A_233, %dma_start3A_234] : memref<8x128xi32, #tpu.memory_space<vmem>> -> memref<1x128xi32, #tpu.memory_space<vmem>>
      %dma_start3A_236 = tpu.memref_squeeze %dma_start3A_235 : memref<1x128xi32, #tpu.memory_space<vmem>> -> memref<128xi32, #tpu.memory_space<vmem>>
      %dma_start3A_237 = arith.constant 0 : i32
      %dma_start3A_238 = arith.constant 0 : i32
      %dma_start3A_239 = tpu.memref_slice %arg2[%dma_start3A_237, %dma_start3A_238] : memref<10000x128xf32, #tpu.memory_space<hbm>> -> memref<10000x128xf32, #tpu.memory_space<hbm>>
      tpu.enqueue_indirect_dma source(%dma_start3A_239 : memref<10000x128xf32, #tpu.memory_space<hbm>>) target(%arg15 : memref<128x128xf32, #tpu.memory_space<vmem>>) offsets(%dma_start3A_236 : memref<128xi32, #tpu.memory_space<vmem>>) semaphore(%arg20 : memref<!tpu.dma_semaphore, #tpu.memory_space<semaphore_mem>>)
      %dma_wait3A_240 = arith.constant 4 : i32
      %dma_wait3A_241 = arith.constant 0 : i32
      %dma_wait3A_242 = tpu.memref_slice %arg12[%dma_wait3A_240, %dma_wait3A_241] : memref<8x128xi32, #tpu.memory_space<vmem>> -> memref<1x128xi32, #tpu.memory_space<vmem>>
      %dma_wait3A_243 = tpu.memref_squeeze %dma_wait3A_242 : memref<1x128xi32, #tpu.memory_space<vmem>> -> memref<128xi32, #tpu.memory_space<vmem>>
      %dma_wait3A_244 = arith.constant 0 : i32
      %dma_wait3A_245 = arith.constant 0 : i32
      %dma_wait3A_246 = tpu.memref_slice %arg2[%dma_wait3A_244, %dma_wait3A_245] : memref<10000x128xf32, #tpu.memory_space<hbm>> -> memref<10000x128xf32, #tpu.memory_space<hbm>>
      tpu.wait_indirect_dma semaphore(%arg19 : memref<!tpu.dma_semaphore, #tpu.memory_space<semaphore_mem>>) src(%dma_wait3A_246 : memref<10000x128xf32, #tpu.memory_space<hbm>>) dst(%arg14 : memref<128x128xf32, #tpu.memory_space<vmem>>)
      %dma_start3A_247 = arith.constant 4 : i32
      %dma_start3A_248 = arith.constant 0 : i32
      %dma_start3A_249 = tpu.memref_slice %arg13[%dma_start3A_247, %dma_start3A_248] : memref<8x128xi32, #tpu.memory_space<vmem>> -> memref<1x128xi32, #tpu.memory_space<vmem>>
      %dma_start3A_250 = tpu.memref_squeeze %dma_start3A_249 : memref<1x128xi32, #tpu.memory_space<vmem>> -> memref<128xi32, #tpu.memory_space<vmem>>
      %dma_start3A_251 = arith.constant 0 : i32
      %dma_start3A_252 = tpu.memref_slice %arg18[%dma_start3A_251] : memref<10112xf32, #tpu.memory_space<vmem_shared>> -> memref<10112xf32, #tpu.memory_space<vmem_shared>>
      tpu.enqueue_indirect_dma source(%arg16 : memref<128xf32, #tpu.memory_space<vmem>>) target(%dma_start3A_252 : memref<10112xf32, #tpu.memory_space<vmem_shared>>) offsets(%dma_start3A_250 : memref<128xi32, #tpu.memory_space<vmem>>) semaphore(%arg21 : memref<!tpu.dma_semaphore, #tpu.memory_space<semaphore_mem>>) {add = true}
      %dma_start3A_253 = arith.constant 4 : i32
      %dma_start3A_254 = arith.constant 0 : i32
      %dma_start3A_255 = tpu.memref_slice %arg13[%dma_start3A_253, %dma_start3A_254] : memref<8x128xi32, #tpu.memory_space<vmem>> -> memref<1x128xi32, #tpu.memory_space<vmem>>
      %dma_start3A_256 = tpu.memref_squeeze %dma_start3A_255 : memref<1x128xi32, #tpu.memory_space<vmem>> -> memref<128xi32, #tpu.memory_space<vmem>>
      %dma_start3A_257 = arith.constant 0 : i32
      %dma_start3A_258 = arith.constant 0 : i32
      %dma_start3A_259 = tpu.memref_slice %arg17[%dma_start3A_257, %dma_start3A_258] : memref<10112x128xf32, #tpu.memory_space<vmem_shared>> -> memref<10112x128xf32, #tpu.memory_space<vmem_shared>>
      tpu.enqueue_indirect_dma source(%arg14 : memref<128x128xf32, #tpu.memory_space<vmem>>) target(%dma_start3A_259 : memref<10112x128xf32, #tpu.memory_space<vmem_shared>>) offsets(%dma_start3A_256 : memref<128xi32, #tpu.memory_space<vmem>>) semaphore(%arg22 : memref<!tpu.dma_semaphore, #tpu.memory_space<semaphore_mem>>) {add = true}
      %dma_wait3A_260 = arith.constant 4 : i32
      %dma_wait3A_261 = arith.constant 0 : i32
      %dma_wait3A_262 = tpu.memref_slice %arg13[%dma_wait3A_260, %dma_wait3A_261] : memref<8x128xi32, #tpu.memory_space<vmem>> -> memref<1x128xi32, #tpu.memory_space<vmem>>
      %dma_wait3A_263 = tpu.memref_squeeze %dma_wait3A_262 : memref<1x128xi32, #tpu.memory_space<vmem>> -> memref<128xi32, #tpu.memory_space<vmem>>
      %dma_wait3A_264 = arith.constant 0 : i32
      %dma_wait3A_265 = tpu.memref_slice %arg18[%dma_wait3A_264] : memref<10112xf32, #tpu.memory_space<vmem_shared>> -> memref<10112xf32, #tpu.memory_space<vmem_shared>>
      tpu.wait_indirect_dma semaphore(%arg21 : memref<!tpu.dma_semaphore, #tpu.memory_space<semaphore_mem>>) src(%arg16 : memref<128xf32, #tpu.memory_space<vmem>>) dst(%dma_wait3A_265 : memref<10112xf32, #tpu.memory_space<vmem_shared>>)
      %dma_wait3A_266 = arith.constant 4 : i32
      %dma_wait3A_267 = arith.constant 0 : i32
      %dma_wait3A_268 = tpu.memref_slice %arg13[%dma_wait3A_266, %dma_wait3A_267] : memref<8x128xi32, #tpu.memory_space<vmem>> -> memref<1x128xi32, #tpu.memory_space<vmem>>
      %dma_wait3A_269 = tpu.memref_squeeze %dma_wait3A_268 : memref<1x128xi32, #tpu.memory_space<vmem>> -> memref<128xi32, #tpu.memory_space<vmem>>
      %dma_wait3A_270 = arith.constant 0 : i32
      %dma_wait3A_271 = arith.constant 0 : i32
      %dma_wait3A_272 = tpu.memref_slice %arg17[%dma_wait3A_270, %dma_wait3A_271] : memref<10112x128xf32, #tpu.memory_space<vmem_shared>> -> memref<10112x128xf32, #tpu.memory_space<vmem_shared>>
      tpu.wait_indirect_dma semaphore(%arg22 : memref<!tpu.dma_semaphore, #tpu.memory_space<semaphore_mem>>) src(%arg14 : memref<128x128xf32, #tpu.memory_space<vmem>>) dst(%dma_wait3A_272 : memref<10112x128xf32, #tpu.memory_space<vmem_shared>>)
      %dma_start3A_273 = arith.constant 6 : i32
      %dma_start3A_274 = arith.constant 0 : i32
      %dma_start3A_275 = tpu.memref_slice %arg12[%dma_start3A_273, %dma_start3A_274] : memref<8x128xi32, #tpu.memory_space<vmem>> -> memref<1x128xi32, #tpu.memory_space<vmem>>
      %dma_start3A_276 = tpu.memref_squeeze %dma_start3A_275 : memref<1x128xi32, #tpu.memory_space<vmem>> -> memref<128xi32, #tpu.memory_space<vmem>>
      %dma_start3A_277 = arith.constant 0 : i32
      %dma_start3A_278 = arith.constant 0 : i32
      %dma_start3A_279 = tpu.memref_slice %arg2[%dma_start3A_277, %dma_start3A_278] : memref<10000x128xf32, #tpu.memory_space<hbm>> -> memref<10000x128xf32, #tpu.memory_space<hbm>>
      tpu.enqueue_indirect_dma source(%dma_start3A_279 : memref<10000x128xf32, #tpu.memory_space<hbm>>) target(%arg14 : memref<128x128xf32, #tpu.memory_space<vmem>>) offsets(%dma_start3A_276 : memref<128xi32, #tpu.memory_space<vmem>>) semaphore(%arg19 : memref<!tpu.dma_semaphore, #tpu.memory_space<semaphore_mem>>)
      %dma_wait3A_280 = arith.constant 5 : i32
      %dma_wait3A_281 = arith.constant 0 : i32
      %dma_wait3A_282 = tpu.memref_slice %arg12[%dma_wait3A_280, %dma_wait3A_281] : memref<8x128xi32, #tpu.memory_space<vmem>> -> memref<1x128xi32, #tpu.memory_space<vmem>>
      %dma_wait3A_283 = tpu.memref_squeeze %dma_wait3A_282 : memref<1x128xi32, #tpu.memory_space<vmem>> -> memref<128xi32, #tpu.memory_space<vmem>>
      %dma_wait3A_284 = arith.constant 0 : i32
      %dma_wait3A_285 = arith.constant 0 : i32
      %dma_wait3A_286 = tpu.memref_slice %arg2[%dma_wait3A_284, %dma_wait3A_285] : memref<10000x128xf32, #tpu.memory_space<hbm>> -> memref<10000x128xf32, #tpu.memory_space<hbm>>
      tpu.wait_indirect_dma semaphore(%arg20 : memref<!tpu.dma_semaphore, #tpu.memory_space<semaphore_mem>>) src(%dma_wait3A_286 : memref<10000x128xf32, #tpu.memory_space<hbm>>) dst(%arg15 : memref<128x128xf32, #tpu.memory_space<vmem>>)
      %dma_start3A_287 = arith.constant 5 : i32
      %dma_start3A_288 = arith.constant 0 : i32
      %dma_start3A_289 = tpu.memref_slice %arg13[%dma_start3A_287, %dma_start3A_288] : memref<8x128xi32, #tpu.memory_space<vmem>> -> memref<1x128xi32, #tpu.memory_space<vmem>>
      %dma_start3A_290 = tpu.memref_squeeze %dma_start3A_289 : memref<1x128xi32, #tpu.memory_space<vmem>> -> memref<128xi32, #tpu.memory_space<vmem>>
      %dma_start3A_291 = arith.constant 0 : i32
      %dma_start3A_292 = tpu.memref_slice %arg18[%dma_start3A_291] : memref<10112xf32, #tpu.memory_space<vmem_shared>> -> memref<10112xf32, #tpu.memory_space<vmem_shared>>
      tpu.enqueue_indirect_dma source(%arg16 : memref<128xf32, #tpu.memory_space<vmem>>) target(%dma_start3A_292 : memref<10112xf32, #tpu.memory_space<vmem_shared>>) offsets(%dma_start3A_290 : memref<128xi32, #tpu.memory_space<vmem>>) semaphore(%arg21 : memref<!tpu.dma_semaphore, #tpu.memory_space<semaphore_mem>>) {add = true}
      %dma_start3A_293 = arith.constant 5 : i32
      %dma_start3A_294 = arith.constant 0 : i32
      %dma_start3A_295 = tpu.memref_slice %arg13[%dma_start3A_293, %dma_start3A_294] : memref<8x128xi32, #tpu.memory_space<vmem>> -> memref<1x128xi32, #tpu.memory_space<vmem>>
      %dma_start3A_296 = tpu.memref_squeeze %dma_start3A_295 : memref<1x128xi32, #tpu.memory_space<vmem>> -> memref<128xi32, #tpu.memory_space<vmem>>
      %dma_start3A_297 = arith.constant 0 : i32
      %dma_start3A_298 = arith.constant 0 : i32
      %dma_start3A_299 = tpu.memref_slice %arg17[%dma_start3A_297, %dma_start3A_298] : memref<10112x128xf32, #tpu.memory_space<vmem_shared>> -> memref<10112x128xf32, #tpu.memory_space<vmem_shared>>
      tpu.enqueue_indirect_dma source(%arg15 : memref<128x128xf32, #tpu.memory_space<vmem>>) target(%dma_start3A_299 : memref<10112x128xf32, #tpu.memory_space<vmem_shared>>) offsets(%dma_start3A_296 : memref<128xi32, #tpu.memory_space<vmem>>) semaphore(%arg23 : memref<!tpu.dma_semaphore, #tpu.memory_space<semaphore_mem>>) {add = true}
      %dma_wait3A_300 = arith.constant 5 : i32
      %dma_wait3A_301 = arith.constant 0 : i32
      %dma_wait3A_302 = tpu.memref_slice %arg13[%dma_wait3A_300, %dma_wait3A_301] : memref<8x128xi32, #tpu.memory_space<vmem>> -> memref<1x128xi32, #tpu.memory_space<vmem>>
      %dma_wait3A_303 = tpu.memref_squeeze %dma_wait3A_302 : memref<1x128xi32, #tpu.memory_space<vmem>> -> memref<128xi32, #tpu.memory_space<vmem>>
      %dma_wait3A_304 = arith.constant 0 : i32
      %dma_wait3A_305 = tpu.memref_slice %arg18[%dma_wait3A_304] : memref<10112xf32, #tpu.memory_space<vmem_shared>> -> memref<10112xf32, #tpu.memory_space<vmem_shared>>
      tpu.wait_indirect_dma semaphore(%arg21 : memref<!tpu.dma_semaphore, #tpu.memory_space<semaphore_mem>>) src(%arg16 : memref<128xf32, #tpu.memory_space<vmem>>) dst(%dma_wait3A_305 : memref<10112xf32, #tpu.memory_space<vmem_shared>>)
      %dma_wait3A_306 = arith.constant 5 : i32
      %dma_wait3A_307 = arith.constant 0 : i32
      %dma_wait3A_308 = tpu.memref_slice %arg13[%dma_wait3A_306, %dma_wait3A_307] : memref<8x128xi32, #tpu.memory_space<vmem>> -> memref<1x128xi32, #tpu.memory_space<vmem>>
      %dma_wait3A_309 = tpu.memref_squeeze %dma_wait3A_308 : memref<1x128xi32, #tpu.memory_space<vmem>> -> memref<128xi32, #tpu.memory_space<vmem>>
      %dma_wait3A_310 = arith.constant 0 : i32
      %dma_wait3A_311 = arith.constant 0 : i32
      %dma_wait3A_312 = tpu.memref_slice %arg17[%dma_wait3A_310, %dma_wait3A_311] : memref<10112x128xf32, #tpu.memory_space<vmem_shared>> -> memref<10112x128xf32, #tpu.memory_space<vmem_shared>>
      tpu.wait_indirect_dma semaphore(%arg23 : memref<!tpu.dma_semaphore, #tpu.memory_space<semaphore_mem>>) src(%arg15 : memref<128x128xf32, #tpu.memory_space<vmem>>) dst(%dma_wait3A_312 : memref<10112x128xf32, #tpu.memory_space<vmem_shared>>)
      %dma_start3A_313 = arith.constant 7 : i32
      %dma_start3A_314 = arith.constant 0 : i32
      %dma_start3A_315 = tpu.memref_slice %arg12[%dma_start3A_313, %dma_start3A_314] : memref<8x128xi32, #tpu.memory_space<vmem>> -> memref<1x128xi32, #tpu.memory_space<vmem>>
      %dma_start3A_316 = tpu.memref_squeeze %dma_start3A_315 : memref<1x128xi32, #tpu.memory_space<vmem>> -> memref<128xi32, #tpu.memory_space<vmem>>
      %dma_start3A_317 = arith.constant 0 : i32
      %dma_start3A_318 = arith.constant 0 : i32
      %dma_start3A_319 = tpu.memref_slice %arg2[%dma_start3A_317, %dma_start3A_318] : memref<10000x128xf32, #tpu.memory_space<hbm>> -> memref<10000x128xf32, #tpu.memory_space<hbm>>
      tpu.enqueue_indirect_dma source(%dma_start3A_319 : memref<10000x128xf32, #tpu.memory_space<hbm>>) target(%arg15 : memref<128x128xf32, #tpu.memory_space<vmem>>) offsets(%dma_start3A_316 : memref<128xi32, #tpu.memory_space<vmem>>) semaphore(%arg20 : memref<!tpu.dma_semaphore, #tpu.memory_space<semaphore_mem>>)
      %dma_wait3A_320 = arith.constant 6 : i32
      %dma_wait3A_321 = arith.constant 0 : i32
      %dma_wait3A_322 = tpu.memref_slice %arg12[%dma_wait3A_320, %dma_wait3A_321] : memref<8x128xi32, #tpu.memory_space<vmem>> -> memref<1x128xi32, #tpu.memory_space<vmem>>
      %dma_wait3A_323 = tpu.memref_squeeze %dma_wait3A_322 : memref<1x128xi32, #tpu.memory_space<vmem>> -> memref<128xi32, #tpu.memory_space<vmem>>
      %dma_wait3A_324 = arith.constant 0 : i32
      %dma_wait3A_325 = arith.constant 0 : i32
      %dma_wait3A_326 = tpu.memref_slice %arg2[%dma_wait3A_324, %dma_wait3A_325] : memref<10000x128xf32, #tpu.memory_space<hbm>> -> memref<10000x128xf32, #tpu.memory_space<hbm>>
      tpu.wait_indirect_dma semaphore(%arg19 : memref<!tpu.dma_semaphore, #tpu.memory_space<semaphore_mem>>) src(%dma_wait3A_326 : memref<10000x128xf32, #tpu.memory_space<hbm>>) dst(%arg14 : memref<128x128xf32, #tpu.memory_space<vmem>>)
      %dma_start3A_327 = arith.constant 6 : i32
      %dma_start3A_328 = arith.constant 0 : i32
      %dma_start3A_329 = tpu.memref_slice %arg13[%dma_start3A_327, %dma_start3A_328] : memref<8x128xi32, #tpu.memory_space<vmem>> -> memref<1x128xi32, #tpu.memory_space<vmem>>
      %dma_start3A_330 = tpu.memref_squeeze %dma_start3A_329 : memref<1x128xi32, #tpu.memory_space<vmem>> -> memref<128xi32, #tpu.memory_space<vmem>>
      %dma_start3A_331 = arith.constant 0 : i32
      %dma_start3A_332 = tpu.memref_slice %arg18[%dma_start3A_331] : memref<10112xf32, #tpu.memory_space<vmem_shared>> -> memref<10112xf32, #tpu.memory_space<vmem_shared>>
      tpu.enqueue_indirect_dma source(%arg16 : memref<128xf32, #tpu.memory_space<vmem>>) target(%dma_start3A_332 : memref<10112xf32, #tpu.memory_space<vmem_shared>>) offsets(%dma_start3A_330 : memref<128xi32, #tpu.memory_space<vmem>>) semaphore(%arg21 : memref<!tpu.dma_semaphore, #tpu.memory_space<semaphore_mem>>) {add = true}
      %dma_start3A_333 = arith.constant 6 : i32
      %dma_start3A_334 = arith.constant 0 : i32
      %dma_start3A_335 = tpu.memref_slice %arg13[%dma_start3A_333, %dma_start3A_334] : memref<8x128xi32, #tpu.memory_space<vmem>> -> memref<1x128xi32, #tpu.memory_space<vmem>>
      %dma_start3A_336 = tpu.memref_squeeze %dma_start3A_335 : memref<1x128xi32, #tpu.memory_space<vmem>> -> memref<128xi32, #tpu.memory_space<vmem>>
      %dma_start3A_337 = arith.constant 0 : i32
      %dma_start3A_338 = arith.constant 0 : i32
      %dma_start3A_339 = tpu.memref_slice %arg17[%dma_start3A_337, %dma_start3A_338] : memref<10112x128xf32, #tpu.memory_space<vmem_shared>> -> memref<10112x128xf32, #tpu.memory_space<vmem_shared>>
      tpu.enqueue_indirect_dma source(%arg14 : memref<128x128xf32, #tpu.memory_space<vmem>>) target(%dma_start3A_339 : memref<10112x128xf32, #tpu.memory_space<vmem_shared>>) offsets(%dma_start3A_336 : memref<128xi32, #tpu.memory_space<vmem>>) semaphore(%arg22 : memref<!tpu.dma_semaphore, #tpu.memory_space<semaphore_mem>>) {add = true}
      %dma_wait3A_340 = arith.constant 6 : i32
      %dma_wait3A_341 = arith.constant 0 : i32
      %dma_wait3A_342 = tpu.memref_slice %arg13[%dma_wait3A_340, %dma_wait3A_341] : memref<8x128xi32, #tpu.memory_space<vmem>> -> memref<1x128xi32, #tpu.memory_space<vmem>>
      %dma_wait3A_343 = tpu.memref_squeeze %dma_wait3A_342 : memref<1x128xi32, #tpu.memory_space<vmem>> -> memref<128xi32, #tpu.memory_space<vmem>>
      %dma_wait3A_344 = arith.constant 0 : i32
      %dma_wait3A_345 = tpu.memref_slice %arg18[%dma_wait3A_344] : memref<10112xf32, #tpu.memory_space<vmem_shared>> -> memref<10112xf32, #tpu.memory_space<vmem_shared>>
      tpu.wait_indirect_dma semaphore(%arg21 : memref<!tpu.dma_semaphore, #tpu.memory_space<semaphore_mem>>) src(%arg16 : memref<128xf32, #tpu.memory_space<vmem>>) dst(%dma_wait3A_345 : memref<10112xf32, #tpu.memory_space<vmem_shared>>)
      %dma_wait3A_346 = arith.constant 7 : i32
      %dma_wait3A_347 = arith.constant 0 : i32
      %dma_wait3A_348 = tpu.memref_slice %arg12[%dma_wait3A_346, %dma_wait3A_347] : memref<8x128xi32, #tpu.memory_space<vmem>> -> memref<1x128xi32, #tpu.memory_space<vmem>>
      %dma_wait3A_349 = tpu.memref_squeeze %dma_wait3A_348 : memref<1x128xi32, #tpu.memory_space<vmem>> -> memref<128xi32, #tpu.memory_space<vmem>>
      %dma_wait3A_350 = arith.constant 0 : i32
      %dma_wait3A_351 = arith.constant 0 : i32
      %dma_wait3A_352 = tpu.memref_slice %arg2[%dma_wait3A_350, %dma_wait3A_351] : memref<10000x128xf32, #tpu.memory_space<hbm>> -> memref<10000x128xf32, #tpu.memory_space<hbm>>
      tpu.wait_indirect_dma semaphore(%arg20 : memref<!tpu.dma_semaphore, #tpu.memory_space<semaphore_mem>>) src(%dma_wait3A_352 : memref<10000x128xf32, #tpu.memory_space<hbm>>) dst(%arg15 : memref<128x128xf32, #tpu.memory_space<vmem>>)
      %dma_start3A_353 = arith.constant 7 : i32
      %dma_start3A_354 = arith.constant 0 : i32
      %dma_start3A_355 = tpu.memref_slice %arg13[%dma_start3A_353, %dma_start3A_354] : memref<8x128xi32, #tpu.memory_space<vmem>> -> memref<1x128xi32, #tpu.memory_space<vmem>>
      %dma_start3A_356 = tpu.memref_squeeze %dma_start3A_355 : memref<1x128xi32, #tpu.memory_space<vmem>> -> memref<128xi32, #tpu.memory_space<vmem>>
      %dma_start3A_357 = arith.constant 0 : i32
      %dma_start3A_358 = tpu.memref_slice %arg18[%dma_start3A_357] : memref<10112xf32, #tpu.memory_space<vmem_shared>> -> memref<10112xf32, #tpu.memory_space<vmem_shared>>
      tpu.enqueue_indirect_dma source(%arg16 : memref<128xf32, #tpu.memory_space<vmem>>) target(%dma_start3A_358 : memref<10112xf32, #tpu.memory_space<vmem_shared>>) offsets(%dma_start3A_356 : memref<128xi32, #tpu.memory_space<vmem>>) semaphore(%arg21 : memref<!tpu.dma_semaphore, #tpu.memory_space<semaphore_mem>>) {add = true}
      %dma_start3A_359 = arith.constant 7 : i32
      %dma_start3A_360 = arith.constant 0 : i32
      %dma_start3A_361 = tpu.memref_slice %arg13[%dma_start3A_359, %dma_start3A_360] : memref<8x128xi32, #tpu.memory_space<vmem>> -> memref<1x128xi32, #tpu.memory_space<vmem>>
      %dma_start3A_362 = tpu.memref_squeeze %dma_start3A_361 : memref<1x128xi32, #tpu.memory_space<vmem>> -> memref<128xi32, #tpu.memory_space<vmem>>
      %dma_start3A_363 = arith.constant 0 : i32
      %dma_start3A_364 = arith.constant 0 : i32
      %dma_start3A_365 = tpu.memref_slice %arg17[%dma_start3A_363, %dma_start3A_364] : memref<10112x128xf32, #tpu.memory_space<vmem_shared>> -> memref<10112x128xf32, #tpu.memory_space<vmem_shared>>
      tpu.enqueue_indirect_dma source(%arg15 : memref<128x128xf32, #tpu.memory_space<vmem>>) target(%dma_start3A_365 : memref<10112x128xf32, #tpu.memory_space<vmem_shared>>) offsets(%dma_start3A_362 : memref<128xi32, #tpu.memory_space<vmem>>) semaphore(%arg23 : memref<!tpu.dma_semaphore, #tpu.memory_space<semaphore_mem>>) {add = true}
      %dma_wait3A_366 = arith.constant 7 : i32
      %dma_wait3A_367 = arith.constant 0 : i32
      %dma_wait3A_368 = tpu.memref_slice %arg13[%dma_wait3A_366, %dma_wait3A_367] : memref<8x128xi32, #tpu.memory_space<vmem>> -> memref<1x128xi32, #tpu.memory_space<vmem>>
      %dma_wait3A_369 = tpu.memref_squeeze %dma_wait3A_368 : memref<1x128xi32, #tpu.memory_space<vmem>> -> memref<128xi32, #tpu.memory_space<vmem>>
      %dma_wait3A_370 = arith.constant 0 : i32
      %dma_wait3A_371 = tpu.memref_slice %arg18[%dma_wait3A_370] : memref<10112xf32, #tpu.memory_space<vmem_shared>> -> memref<10112xf32, #tpu.memory_space<vmem_shared>>
      tpu.wait_indirect_dma semaphore(%arg21 : memref<!tpu.dma_semaphore, #tpu.memory_space<semaphore_mem>>) src(%arg16 : memref<128xf32, #tpu.memory_space<vmem>>) dst(%dma_wait3A_371 : memref<10112xf32, #tpu.memory_space<vmem_shared>>)
      %dma_wait3A_372 = arith.constant 6 : i32
      %dma_wait3A_373 = arith.constant 0 : i32
      %dma_wait3A_374 = tpu.memref_slice %arg13[%dma_wait3A_372, %dma_wait3A_373] : memref<8x128xi32, #tpu.memory_space<vmem>> -> memref<1x128xi32, #tpu.memory_space<vmem>>
      %dma_wait3A_375 = tpu.memref_squeeze %dma_wait3A_374 : memref<1x128xi32, #tpu.memory_space<vmem>> -> memref<128xi32, #tpu.memory_space<vmem>>
      %dma_wait3A_376 = arith.constant 0 : i32
      %dma_wait3A_377 = arith.constant 0 : i32
      %dma_wait3A_378 = tpu.memref_slice %arg17[%dma_wait3A_376, %dma_wait3A_377] : memref<10112x128xf32, #tpu.memory_space<vmem_shared>> -> memref<10112x128xf32, #tpu.memory_space<vmem_shared>>
      tpu.wait_indirect_dma semaphore(%arg22 : memref<!tpu.dma_semaphore, #tpu.memory_space<semaphore_mem>>) src(%arg14 : memref<128x128xf32, #tpu.memory_space<vmem>>) dst(%dma_wait3A_378 : memref<10112x128xf32, #tpu.memory_space<vmem_shared>>)
      %dma_wait3A_379 = arith.constant 7 : i32
      %dma_wait3A_380 = arith.constant 0 : i32
      %dma_wait3A_381 = tpu.memref_slice %arg13[%dma_wait3A_379, %dma_wait3A_380] : memref<8x128xi32, #tpu.memory_space<vmem>> -> memref<1x128xi32, #tpu.memory_space<vmem>>
      %dma_wait3A_382 = tpu.memref_squeeze %dma_wait3A_381 : memref<1x128xi32, #tpu.memory_space<vmem>> -> memref<128xi32, #tpu.memory_space<vmem>>
      %dma_wait3A_383 = arith.constant 0 : i32
      %dma_wait3A_384 = arith.constant 0 : i32
      %dma_wait3A_385 = tpu.memref_slice %arg17[%dma_wait3A_383, %dma_wait3A_384] : memref<10112x128xf32, #tpu.memory_space<vmem_shared>> -> memref<10112x128xf32, #tpu.memory_space<vmem_shared>>
      tpu.wait_indirect_dma semaphore(%arg23 : memref<!tpu.dma_semaphore, #tpu.memory_space<semaphore_mem>>) src(%arg15 : memref<128x128xf32, #tpu.memory_space<vmem>>) dst(%dma_wait3A_385 : memref<10112x128xf32, #tpu.memory_space<vmem_shared>>)
    }
    %scan3A_14 = arith.constant 10 : i32
    %barrier3A_15 = arith.constant 0 : index
    tpu.barrier barrier_id(%barrier3A_15)
    "tpu.region"() ({
      %run_scoped3A_61 = tpu.sem_alloc : memref<!tpu.dma_semaphore, #tpu.memory_space<semaphore_mem>>
      %dma_start3A = arith.constant 0 : i32
      %dma_start3A_62 = arith.constant 0 : i32
      %dma_start3A_63 = tpu.memref_slice %arg12[%dma_start3A, %dma_start3A_62] : memref<8x128xi32, #tpu.memory_space<vmem>> -> memref<6x128xi32, #tpu.memory_space<vmem>>
      %dma_start3A_64 = arith.constant 0 : i32
      %dma_start3A_65 = arith.constant 0 : i32
      %dma_start3A_66 = tpu.memref_slice %arg9[%arg1, %dma_start3A_64, %dma_start3A_65] : memref<16x6x128xi32, #tpu.memory_space<hbm>> -> memref<1x6x128xi32, #tpu.memory_space<hbm>>
      %dma_start3A_67 = tpu.memref_squeeze %dma_start3A_66 : memref<1x6x128xi32, #tpu.memory_space<hbm>> -> memref<6x128xi32, #tpu.memory_space<hbm>>
      %dma_start3A_68 = arith.constant 0 : i32
      %dma_start3A_69 = arith.constant 0 : i32
      %dma_start3A_70 = tpu.memref_slice %arg12[%dma_start3A_68, %dma_start3A_69] : memref<8x128xi32, #tpu.memory_space<vmem>> -> memref<6x128xi32, #tpu.memory_space<vmem>>
      %dma_start3A_71 = arith.constant 0 : i32
      %dma_start3A_72 = arith.constant 0 : i32
      %dma_start3A_73 = tpu.memref_slice %arg9[%arg1, %dma_start3A_71, %dma_start3A_72] : memref<16x6x128xi32, #tpu.memory_space<hbm>> -> memref<1x6x128xi32, #tpu.memory_space<hbm>>
      %dma_start3A_74 = tpu.memref_squeeze %dma_start3A_73 : memref<1x6x128xi32, #tpu.memory_space<hbm>> -> memref<6x128xi32, #tpu.memory_space<hbm>>
      tpu.enqueue_dma source(%dma_start3A_74 : memref<6x128xi32, #tpu.memory_space<hbm>>) target(%dma_start3A_70 : memref<6x128xi32, #tpu.memory_space<vmem>>) target_semaphore(%run_scoped3A_61 : memref<!tpu.dma_semaphore, #tpu.memory_space<semaphore_mem>>)
      %dma_wait3A = arith.constant 0 : i32
      %dma_wait3A_75 = arith.constant 0 : i32
      %dma_wait3A_76 = tpu.memref_slice %arg12[%dma_wait3A, %dma_wait3A_75] : memref<8x128xi32, #tpu.memory_space<vmem>> -> memref<6x128xi32, #tpu.memory_space<vmem>>
      %dma_wait3A_77 = arith.constant 0 : i32
      %dma_wait3A_78 = arith.constant 0 : i32
      %dma_wait3A_79 = tpu.memref_slice %arg9[%arg1, %dma_wait3A_77, %dma_wait3A_78] : memref<16x6x128xi32, #tpu.memory_space<hbm>> -> memref<1x6x128xi32, #tpu.memory_space<hbm>>
      %dma_wait3A_80 = tpu.memref_squeeze %dma_wait3A_79 : memref<1x6x128xi32, #tpu.memory_space<hbm>> -> memref<6x128xi32, #tpu.memory_space<hbm>>
      %dma_wait3A_81 = arith.constant 0 : i32
      %dma_wait3A_82 = arith.constant 0 : i32
      %dma_wait3A_83 = tpu.memref_slice %arg12[%dma_wait3A_81, %dma_wait3A_82] : memref<8x128xi32, #tpu.memory_space<vmem>> -> memref<6x128xi32, #tpu.memory_space<vmem>>
      %dma_wait3A_84 = arith.constant 0 : i32
      %dma_wait3A_85 = arith.constant 0 : i32
      %dma_wait3A_86 = tpu.memref_slice %arg9[%arg1, %dma_wait3A_84, %dma_wait3A_85] : memref<16x6x128xi32, #tpu.memory_space<hbm>> -> memref<1x6x128xi32, #tpu.memory_space<hbm>>
      %dma_wait3A_87 = tpu.memref_squeeze %dma_wait3A_86 : memref<1x6x128xi32, #tpu.memory_space<hbm>> -> memref<6x128xi32, #tpu.memory_space<hbm>>
      tpu.wait_dma2 semaphore(%run_scoped3A_61 : memref<!tpu.dma_semaphore, #tpu.memory_space<semaphore_mem>>) src(%dma_wait3A_87 : memref<6x128xi32, #tpu.memory_space<hbm>>) dst(%dma_wait3A_83 : memref<6x128xi32, #tpu.memory_space<vmem>>)
      tpu.yield
    }) : () -> ()
    %mul3A_16 = arith.constant 10000 : i32
    %mul3A_17 = arith.muli %arg0, %mul3A_16 : i32
    %mul3A_18 = arith.constant 624 : i32
    %mul3A_19 = arith.muli %arg1, %mul3A_18 : i32
    %add3A_20 = arith.addi %mul3A_17, %mul3A_19 : i32
    %run_scoped3A_21 = arith.constant 0 : i32
    "tpu.region"() ({
      %run_scoped3A_61 = tpu.sem_alloc : memref<!tpu.dma_semaphore, #tpu.memory_space<semaphore_mem>>
      %dma_start3A = arith.constant 0 : i32
      %dma_start3A_62 = tpu.memref_slice %arg12[%run_scoped3A_21, %dma_start3A] : memref<8x128xi32, #tpu.memory_space<vmem>> -> memref<1x128xi32, #tpu.memory_space<vmem>>
      %dma_start3A_63 = tpu.memref_squeeze %dma_start3A_62 : memref<1x128xi32, #tpu.memory_space<vmem>> -> memref<128xi32, #tpu.memory_space<vmem>>
      %dma_start3A_64 = arith.constant 0 : i32
      %dma_start3A_65 = arith.constant 0 : i32
      %dma_start3A_66 = tpu.memref_slice %arg17[%dma_start3A_64, %dma_start3A_65] : memref<10112x128xf32, #tpu.memory_space<vmem_shared>> -> memref<10112x128xf32, #tpu.memory_space<vmem_shared>>
      tpu.enqueue_indirect_dma source(%dma_start3A_66 : memref<10112x128xf32, #tpu.memory_space<vmem_shared>>) target(%arg14 : memref<128x128xf32, #tpu.memory_space<vmem>>) offsets(%dma_start3A_63 : memref<128xi32, #tpu.memory_space<vmem>>) semaphore(%run_scoped3A_61 : memref<!tpu.dma_semaphore, #tpu.memory_space<semaphore_mem>>)
      %dma_wait3A = arith.constant 0 : i32
      %dma_wait3A_67 = tpu.memref_slice %arg12[%run_scoped3A_21, %dma_wait3A] : memref<8x128xi32, #tpu.memory_space<vmem>> -> memref<1x128xi32, #tpu.memory_space<vmem>>
      %dma_wait3A_68 = tpu.memref_squeeze %dma_wait3A_67 : memref<1x128xi32, #tpu.memory_space<vmem>> -> memref<128xi32, #tpu.memory_space<vmem>>
      %dma_wait3A_69 = arith.constant 0 : i32
      %dma_wait3A_70 = arith.constant 0 : i32
      %dma_wait3A_71 = tpu.memref_slice %arg17[%dma_wait3A_69, %dma_wait3A_70] : memref<10112x128xf32, #tpu.memory_space<vmem_shared>> -> memref<10112x128xf32, #tpu.memory_space<vmem_shared>>
      tpu.wait_indirect_dma semaphore(%run_scoped3A_61 : memref<!tpu.dma_semaphore, #tpu.memory_space<semaphore_mem>>) src(%dma_wait3A_71 : memref<10112x128xf32, #tpu.memory_space<vmem_shared>>) dst(%arg14 : memref<128x128xf32, #tpu.memory_space<vmem>>)
      tpu.yield
    }) : () -> ()
    %add3A_22 = arith.constant 0 : i32
    %add3A_23 = arith.addi %add3A_20, %add3A_22 : i32
    "tpu.region"() ({
      %run_scoped3A_61 = tpu.sem_alloc : memref<!tpu.dma_semaphore, #tpu.memory_space<semaphore_mem>>
      %dma_start3A = arith.constant 0 : i32
      %dma_start3A_62 = arith.constant 0 : i32
      %dma_start3A_63 = tpu.memref_slice %arg14[%dma_start3A, %dma_start3A_62] : memref<128x128xf32, #tpu.memory_space<vmem>> -> memref<128x128xf32, #tpu.memory_space<vmem>>
      %dma_start3A_64 = arith.constant 0 : i32
      %dma_start3A_65 = tpu.memref_slice %arg10[%add3A_23, %dma_start3A_64] : memref<20000x128xf32, #tpu.memory_space<hbm>> -> memref<128x128xf32, #tpu.memory_space<hbm>>
      %dma_start3A_66 = arith.constant 0 : i32
      %dma_start3A_67 = tpu.memref_slice %arg10[%add3A_23, %dma_start3A_66] : memref<20000x128xf32, #tpu.memory_space<hbm>> -> memref<128x128xf32, #tpu.memory_space<hbm>>
      %dma_start3A_68 = arith.constant 0 : i32
      %dma_start3A_69 = arith.constant 0 : i32
      %dma_start3A_70 = tpu.memref_slice %arg14[%dma_start3A_68, %dma_start3A_69] : memref<128x128xf32, #tpu.memory_space<vmem>> -> memref<128x128xf32, #tpu.memory_space<vmem>>
      tpu.enqueue_dma source(%dma_start3A_70 : memref<128x128xf32, #tpu.memory_space<vmem>>) target(%dma_start3A_67 : memref<128x128xf32, #tpu.memory_space<hbm>>) target_semaphore(%run_scoped3A_61 : memref<!tpu.dma_semaphore, #tpu.memory_space<semaphore_mem>>)
      %dma_wait3A = arith.constant 0 : i32
      %dma_wait3A_71 = arith.constant 0 : i32
      %dma_wait3A_72 = tpu.memref_slice %arg14[%dma_wait3A, %dma_wait3A_71] : memref<128x128xf32, #tpu.memory_space<vmem>> -> memref<128x128xf32, #tpu.memory_space<vmem>>
      %dma_wait3A_73 = arith.constant 0 : i32
      %dma_wait3A_74 = tpu.memref_slice %arg10[%add3A_23, %dma_wait3A_73] : memref<20000x128xf32, #tpu.memory_space<hbm>> -> memref<128x128xf32, #tpu.memory_space<hbm>>
      %dma_wait3A_75 = arith.constant 0 : i32
      %dma_wait3A_76 = tpu.memref_slice %arg10[%add3A_23, %dma_wait3A_75] : memref<20000x128xf32, #tpu.memory_space<hbm>> -> memref<128x128xf32, #tpu.memory_space<hbm>>
      %dma_wait3A_77 = arith.constant 0 : i32
      %dma_wait3A_78 = arith.constant 0 : i32
      %dma_wait3A_79 = tpu.memref_slice %arg14[%dma_wait3A_77, %dma_wait3A_78] : memref<128x128xf32, #tpu.memory_space<vmem>> -> memref<128x128xf32, #tpu.memory_space<vmem>>
      tpu.wait_dma2 semaphore(%run_scoped3A_61 : memref<!tpu.dma_semaphore, #tpu.memory_space<semaphore_mem>>) src(%dma_wait3A_79 : memref<128x128xf32, #tpu.memory_space<vmem>>) dst(%dma_wait3A_76 : memref<128x128xf32, #tpu.memory_space<hbm>>)
      tpu.yield
    }) : () -> ()
    %run_scoped3A_24 = arith.constant 0 : i32
    "tpu.region"() ({
      %run_scoped3A_61 = tpu.sem_alloc : memref<!tpu.dma_semaphore, #tpu.memory_space<semaphore_mem>>
      %dma_start3A = arith.constant 0 : i32
      %dma_start3A_62 = tpu.memref_slice %arg12[%run_scoped3A_24, %dma_start3A] : memref<8x128xi32, #tpu.memory_space<vmem>> -> memref<1x128xi32, #tpu.memory_space<vmem>>
      %dma_start3A_63 = tpu.memref_squeeze %dma_start3A_62 : memref<1x128xi32, #tpu.memory_space<vmem>> -> memref<128xi32, #tpu.memory_space<vmem>>
      %dma_start3A_64 = arith.constant 0 : i32
      %dma_start3A_65 = tpu.memref_slice %arg18[%dma_start3A_64] : memref<10112xf32, #tpu.memory_space<vmem_shared>> -> memref<10112xf32, #tpu.memory_space<vmem_shared>>
      tpu.enqueue_indirect_dma source(%dma_start3A_65 : memref<10112xf32, #tpu.memory_space<vmem_shared>>) target(%arg16 : memref<128xf32, #tpu.memory_space<vmem>>) offsets(%dma_start3A_63 : memref<128xi32, #tpu.memory_space<vmem>>) semaphore(%run_scoped3A_61 : memref<!tpu.dma_semaphore, #tpu.memory_space<semaphore_mem>>)
      %dma_wait3A = arith.constant 0 : i32
      %dma_wait3A_66 = tpu.memref_slice %arg12[%run_scoped3A_24, %dma_wait3A] : memref<8x128xi32, #tpu.memory_space<vmem>> -> memref<1x128xi32, #tpu.memory_space<vmem>>
      %dma_wait3A_67 = tpu.memref_squeeze %dma_wait3A_66 : memref<1x128xi32, #tpu.memory_space<vmem>> -> memref<128xi32, #tpu.memory_space<vmem>>
      %dma_wait3A_68 = arith.constant 0 : i32
      %dma_wait3A_69 = tpu.memref_slice %arg18[%dma_wait3A_68] : memref<10112xf32, #tpu.memory_space<vmem_shared>> -> memref<10112xf32, #tpu.memory_space<vmem_shared>>
      tpu.wait_indirect_dma semaphore(%run_scoped3A_61 : memref<!tpu.dma_semaphore, #tpu.memory_space<semaphore_mem>>) src(%dma_wait3A_69 : memref<10112xf32, #tpu.memory_space<vmem_shared>>) dst(%arg16 : memref<128xf32, #tpu.memory_space<vmem>>)
      tpu.yield
    }) : () -> ()
    %add3A_25 = arith.constant 0 : i32
    %add3A_26 = arith.addi %add3A_20, %add3A_25 : i32
    "tpu.region"() ({
      %run_scoped3A_61 = tpu.sem_alloc : memref<!tpu.dma_semaphore, #tpu.memory_space<semaphore_mem>>
      %dma_start3A = arith.constant 0 : i32
      %dma_start3A_62 = tpu.memref_slice %arg16[%dma_start3A] : memref<128xf32, #tpu.memory_space<vmem>> -> memref<128xf32, #tpu.memory_space<vmem>>
      %dma_start3A_63 = tpu.memref_slice %arg11[%add3A_26] : memref<20000xf32, #tpu.memory_space<hbm>> -> memref<128xf32, #tpu.memory_space<hbm>>
      %dma_start3A_64 = tpu.memref_slice %arg11[%add3A_26] : memref<20000xf32, #tpu.memory_space<hbm>> -> memref<128xf32, #tpu.memory_space<hbm>>
      %dma_start3A_65 = arith.constant 0 : i32
      %dma_start3A_66 = tpu.memref_slice %arg16[%dma_start3A_65] : memref<128xf32, #tpu.memory_space<vmem>> -> memref<128xf32, #tpu.memory_space<vmem>>
      tpu.enqueue_dma source(%dma_start3A_66 : memref<128xf32, #tpu.memory_space<vmem>>) target(%dma_start3A_64 : memref<128xf32, #tpu.memory_space<hbm>>) target_semaphore(%run_scoped3A_61 : memref<!tpu.dma_semaphore, #tpu.memory_space<semaphore_mem>>)
      %dma_wait3A = arith.constant 0 : i32
      %dma_wait3A_67 = tpu.memref_slice %arg16[%dma_wait3A] : memref<128xf32, #tpu.memory_space<vmem>> -> memref<128xf32, #tpu.memory_space<vmem>>
      %dma_wait3A_68 = tpu.memref_slice %arg11[%add3A_26] : memref<20000xf32, #tpu.memory_space<hbm>> -> memref<128xf32, #tpu.memory_space<hbm>>
      %dma_wait3A_69 = tpu.memref_slice %arg11[%add3A_26] : memref<20000xf32, #tpu.memory_space<hbm>> -> memref<128xf32, #tpu.memory_space<hbm>>
      %dma_wait3A_70 = arith.constant 0 : i32
      %dma_wait3A_71 = tpu.memref_slice %arg16[%dma_wait3A_70] : memref<128xf32, #tpu.memory_space<vmem>> -> memref<128xf32, #tpu.memory_space<vmem>>
      tpu.wait_dma2 semaphore(%run_scoped3A_61 : memref<!tpu.dma_semaphore, #tpu.memory_space<semaphore_mem>>) src(%dma_wait3A_71 : memref<128xf32, #tpu.memory_space<vmem>>) dst(%dma_wait3A_69 : memref<128xf32, #tpu.memory_space<hbm>>)
      tpu.yield
    }) : () -> ()
    %run_scoped3A_27 = arith.constant 1 : i32
    "tpu.region"() ({
      %run_scoped3A_61 = tpu.sem_alloc : memref<!tpu.dma_semaphore, #tpu.memory_space<semaphore_mem>>
      %dma_start3A = arith.constant 0 : i32
      %dma_start3A_62 = tpu.memref_slice %arg12[%run_scoped3A_27, %dma_start3A] : memref<8x128xi32, #tpu.memory_space<vmem>> -> memref<1x128xi32, #tpu.memory_space<vmem>>
      %dma_start3A_63 = tpu.memref_squeeze %dma_start3A_62 : memref<1x128xi32, #tpu.memory_space<vmem>> -> memref<128xi32, #tpu.memory_space<vmem>>
      %dma_start3A_64 = arith.constant 0 : i32
      %dma_start3A_65 = arith.constant 0 : i32
      %dma_start3A_66 = tpu.memref_slice %arg17[%dma_start3A_64, %dma_start3A_65] : memref<10112x128xf32, #tpu.memory_space<vmem_shared>> -> memref<10112x128xf32, #tpu.memory_space<vmem_shared>>
      tpu.enqueue_indirect_dma source(%dma_start3A_66 : memref<10112x128xf32, #tpu.memory_space<vmem_shared>>) target(%arg14 : memref<128x128xf32, #tpu.memory_space<vmem>>) offsets(%dma_start3A_63 : memref<128xi32, #tpu.memory_space<vmem>>) semaphore(%run_scoped3A_61 : memref<!tpu.dma_semaphore, #tpu.memory_space<semaphore_mem>>)
      %dma_wait3A = arith.constant 0 : i32
      %dma_wait3A_67 = tpu.memref_slice %arg12[%run_scoped3A_27, %dma_wait3A] : memref<8x128xi32, #tpu.memory_space<vmem>> -> memref<1x128xi32, #tpu.memory_space<vmem>>
      %dma_wait3A_68 = tpu.memref_squeeze %dma_wait3A_67 : memref<1x128xi32, #tpu.memory_space<vmem>> -> memref<128xi32, #tpu.memory_space<vmem>>
      %dma_wait3A_69 = arith.constant 0 : i32
      %dma_wait3A_70 = arith.constant 0 : i32
      %dma_wait3A_71 = tpu.memref_slice %arg17[%dma_wait3A_69, %dma_wait3A_70] : memref<10112x128xf32, #tpu.memory_space<vmem_shared>> -> memref<10112x128xf32, #tpu.memory_space<vmem_shared>>
      tpu.wait_indirect_dma semaphore(%run_scoped3A_61 : memref<!tpu.dma_semaphore, #tpu.memory_space<semaphore_mem>>) src(%dma_wait3A_71 : memref<10112x128xf32, #tpu.memory_space<vmem_shared>>) dst(%arg14 : memref<128x128xf32, #tpu.memory_space<vmem>>)
      tpu.yield
    }) : () -> ()
    %add3A_28 = arith.constant 128 : i32
    %add3A_29 = arith.addi %add3A_20, %add3A_28 : i32
    "tpu.region"() ({
      %run_scoped3A_61 = tpu.sem_alloc : memref<!tpu.dma_semaphore, #tpu.memory_space<semaphore_mem>>
      %dma_start3A = arith.constant 0 : i32
      %dma_start3A_62 = arith.constant 0 : i32
      %dma_start3A_63 = tpu.memref_slice %arg14[%dma_start3A, %dma_start3A_62] : memref<128x128xf32, #tpu.memory_space<vmem>> -> memref<128x128xf32, #tpu.memory_space<vmem>>
      %dma_start3A_64 = arith.constant 0 : i32
      %dma_start3A_65 = tpu.memref_slice %arg10[%add3A_29, %dma_start3A_64] : memref<20000x128xf32, #tpu.memory_space<hbm>> -> memref<128x128xf32, #tpu.memory_space<hbm>>
      %dma_start3A_66 = arith.constant 0 : i32
      %dma_start3A_67 = tpu.memref_slice %arg10[%add3A_29, %dma_start3A_66] : memref<20000x128xf32, #tpu.memory_space<hbm>> -> memref<128x128xf32, #tpu.memory_space<hbm>>
      %dma_start3A_68 = arith.constant 0 : i32
      %dma_start3A_69 = arith.constant 0 : i32
      %dma_start3A_70 = tpu.memref_slice %arg14[%dma_start3A_68, %dma_start3A_69] : memref<128x128xf32, #tpu.memory_space<vmem>> -> memref<128x128xf32, #tpu.memory_space<vmem>>
      tpu.enqueue_dma source(%dma_start3A_70 : memref<128x128xf32, #tpu.memory_space<vmem>>) target(%dma_start3A_67 : memref<128x128xf32, #tpu.memory_space<hbm>>) target_semaphore(%run_scoped3A_61 : memref<!tpu.dma_semaphore, #tpu.memory_space<semaphore_mem>>)
      %dma_wait3A = arith.constant 0 : i32
      %dma_wait3A_71 = arith.constant 0 : i32
      %dma_wait3A_72 = tpu.memref_slice %arg14[%dma_wait3A, %dma_wait3A_71] : memref<128x128xf32, #tpu.memory_space<vmem>> -> memref<128x128xf32, #tpu.memory_space<vmem>>
      %dma_wait3A_73 = arith.constant 0 : i32
      %dma_wait3A_74 = tpu.memref_slice %arg10[%add3A_29, %dma_wait3A_73] : memref<20000x128xf32, #tpu.memory_space<hbm>> -> memref<128x128xf32, #tpu.memory_space<hbm>>
      %dma_wait3A_75 = arith.constant 0 : i32
      %dma_wait3A_76 = tpu.memref_slice %arg10[%add3A_29, %dma_wait3A_75] : memref<20000x128xf32, #tpu.memory_space<hbm>> -> memref<128x128xf32, #tpu.memory_space<hbm>>
      %dma_wait3A_77 = arith.constant 0 : i32
      %dma_wait3A_78 = arith.constant 0 : i32
      %dma_wait3A_79 = tpu.memref_slice %arg14[%dma_wait3A_77, %dma_wait3A_78] : memref<128x128xf32, #tpu.memory_space<vmem>> -> memref<128x128xf32, #tpu.memory_space<vmem>>
      tpu.wait_dma2 semaphore(%run_scoped3A_61 : memref<!tpu.dma_semaphore, #tpu.memory_space<semaphore_mem>>) src(%dma_wait3A_79 : memref<128x128xf32, #tpu.memory_space<vmem>>) dst(%dma_wait3A_76 : memref<128x128xf32, #tpu.memory_space<hbm>>)
      tpu.yield
    }) : () -> ()
    %run_scoped3A_30 = arith.constant 1 : i32
    "tpu.region"() ({
      %run_scoped3A_61 = tpu.sem_alloc : memref<!tpu.dma_semaphore, #tpu.memory_space<semaphore_mem>>
      %dma_start3A = arith.constant 0 : i32
      %dma_start3A_62 = tpu.memref_slice %arg12[%run_scoped3A_30, %dma_start3A] : memref<8x128xi32, #tpu.memory_space<vmem>> -> memref<1x128xi32, #tpu.memory_space<vmem>>
      %dma_start3A_63 = tpu.memref_squeeze %dma_start3A_62 : memref<1x128xi32, #tpu.memory_space<vmem>> -> memref<128xi32, #tpu.memory_space<vmem>>
      %dma_start3A_64 = arith.constant 0 : i32
      %dma_start3A_65 = tpu.memref_slice %arg18[%dma_start3A_64] : memref<10112xf32, #tpu.memory_space<vmem_shared>> -> memref<10112xf32, #tpu.memory_space<vmem_shared>>
      tpu.enqueue_indirect_dma source(%dma_start3A_65 : memref<10112xf32, #tpu.memory_space<vmem_shared>>) target(%arg16 : memref<128xf32, #tpu.memory_space<vmem>>) offsets(%dma_start3A_63 : memref<128xi32, #tpu.memory_space<vmem>>) semaphore(%run_scoped3A_61 : memref<!tpu.dma_semaphore, #tpu.memory_space<semaphore_mem>>)
      %dma_wait3A = arith.constant 0 : i32
      %dma_wait3A_66 = tpu.memref_slice %arg12[%run_scoped3A_30, %dma_wait3A] : memref<8x128xi32, #tpu.memory_space<vmem>> -> memref<1x128xi32, #tpu.memory_space<vmem>>
      %dma_wait3A_67 = tpu.memref_squeeze %dma_wait3A_66 : memref<1x128xi32, #tpu.memory_space<vmem>> -> memref<128xi32, #tpu.memory_space<vmem>>
      %dma_wait3A_68 = arith.constant 0 : i32
      %dma_wait3A_69 = tpu.memref_slice %arg18[%dma_wait3A_68] : memref<10112xf32, #tpu.memory_space<vmem_shared>> -> memref<10112xf32, #tpu.memory_space<vmem_shared>>
      tpu.wait_indirect_dma semaphore(%run_scoped3A_61 : memref<!tpu.dma_semaphore, #tpu.memory_space<semaphore_mem>>) src(%dma_wait3A_69 : memref<10112xf32, #tpu.memory_space<vmem_shared>>) dst(%arg16 : memref<128xf32, #tpu.memory_space<vmem>>)
      tpu.yield
    }) : () -> ()
    %add3A_31 = arith.constant 128 : i32
    %add3A_32 = arith.addi %add3A_20, %add3A_31 : i32
    "tpu.region"() ({
      %run_scoped3A_61 = tpu.sem_alloc : memref<!tpu.dma_semaphore, #tpu.memory_space<semaphore_mem>>
      %dma_start3A = arith.constant 0 : i32
      %dma_start3A_62 = tpu.memref_slice %arg16[%dma_start3A] : memref<128xf32, #tpu.memory_space<vmem>> -> memref<128xf32, #tpu.memory_space<vmem>>
      %dma_start3A_63 = tpu.memref_slice %arg11[%add3A_32] : memref<20000xf32, #tpu.memory_space<hbm>> -> memref<128xf32, #tpu.memory_space<hbm>>
      %dma_start3A_64 = tpu.memref_slice %arg11[%add3A_32] : memref<20000xf32, #tpu.memory_space<hbm>> -> memref<128xf32, #tpu.memory_space<hbm>>
      %dma_start3A_65 = arith.constant 0 : i32
      %dma_start3A_66 = tpu.memref_slice %arg16[%dma_start3A_65] : memref<128xf32, #tpu.memory_space<vmem>> -> memref<128xf32, #tpu.memory_space<vmem>>
      tpu.enqueue_dma source(%dma_start3A_66 : memref<128xf32, #tpu.memory_space<vmem>>) target(%dma_start3A_64 : memref<128xf32, #tpu.memory_space<hbm>>) target_semaphore(%run_scoped3A_61 : memref<!tpu.dma_semaphore, #tpu.memory_space<semaphore_mem>>)
      %dma_wait3A = arith.constant 0 : i32
      %dma_wait3A_67 = tpu.memref_slice %arg16[%dma_wait3A] : memref<128xf32, #tpu.memory_space<vmem>> -> memref<128xf32, #tpu.memory_space<vmem>>
      %dma_wait3A_68 = tpu.memref_slice %arg11[%add3A_32] : memref<20000xf32, #tpu.memory_space<hbm>> -> memref<128xf32, #tpu.memory_space<hbm>>
      %dma_wait3A_69 = tpu.memref_slice %arg11[%add3A_32] : memref<20000xf32, #tpu.memory_space<hbm>> -> memref<128xf32, #tpu.memory_space<hbm>>
      %dma_wait3A_70 = arith.constant 0 : i32
      %dma_wait3A_71 = tpu.memref_slice %arg16[%dma_wait3A_70] : memref<128xf32, #tpu.memory_space<vmem>> -> memref<128xf32, #tpu.memory_space<vmem>>
      tpu.wait_dma2 semaphore(%run_scoped3A_61 : memref<!tpu.dma_semaphore, #tpu.memory_space<semaphore_mem>>) src(%dma_wait3A_71 : memref<128xf32, #tpu.memory_space<vmem>>) dst(%dma_wait3A_69 : memref<128xf32, #tpu.memory_space<hbm>>)
      tpu.yield
    }) : () -> ()
    %run_scoped3A_33 = arith.constant 2 : i32
    "tpu.region"() ({
      %run_scoped3A_61 = tpu.sem_alloc : memref<!tpu.dma_semaphore, #tpu.memory_space<semaphore_mem>>
      %dma_start3A = arith.constant 0 : i32
      %dma_start3A_62 = tpu.memref_slice %arg12[%run_scoped3A_33, %dma_start3A] : memref<8x128xi32, #tpu.memory_space<vmem>> -> memref<1x128xi32, #tpu.memory_space<vmem>>
      %dma_start3A_63 = tpu.memref_squeeze %dma_start3A_62 : memref<1x128xi32, #tpu.memory_space<vmem>> -> memref<128xi32, #tpu.memory_space<vmem>>
      %dma_start3A_64 = arith.constant 0 : i32
      %dma_start3A_65 = arith.constant 0 : i32
      %dma_start3A_66 = tpu.memref_slice %arg17[%dma_start3A_64, %dma_start3A_65] : memref<10112x128xf32, #tpu.memory_space<vmem_shared>> -> memref<10112x128xf32, #tpu.memory_space<vmem_shared>>
      tpu.enqueue_indirect_dma source(%dma_start3A_66 : memref<10112x128xf32, #tpu.memory_space<vmem_shared>>) target(%arg14 : memref<128x128xf32, #tpu.memory_space<vmem>>) offsets(%dma_start3A_63 : memref<128xi32, #tpu.memory_space<vmem>>) semaphore(%run_scoped3A_61 : memref<!tpu.dma_semaphore, #tpu.memory_space<semaphore_mem>>)
      %dma_wait3A = arith.constant 0 : i32
      %dma_wait3A_67 = tpu.memref_slice %arg12[%run_scoped3A_33, %dma_wait3A] : memref<8x128xi32, #tpu.memory_space<vmem>> -> memref<1x128xi32, #tpu.memory_space<vmem>>
      %dma_wait3A_68 = tpu.memref_squeeze %dma_wait3A_67 : memref<1x128xi32, #tpu.memory_space<vmem>> -> memref<128xi32, #tpu.memory_space<vmem>>
      %dma_wait3A_69 = arith.constant 0 : i32
      %dma_wait3A_70 = arith.constant 0 : i32
      %dma_wait3A_71 = tpu.memref_slice %arg17[%dma_wait3A_69, %dma_wait3A_70] : memref<10112x128xf32, #tpu.memory_space<vmem_shared>> -> memref<10112x128xf32, #tpu.memory_space<vmem_shared>>
      tpu.wait_indirect_dma semaphore(%run_scoped3A_61 : memref<!tpu.dma_semaphore, #tpu.memory_space<semaphore_mem>>) src(%dma_wait3A_71 : memref<10112x128xf32, #tpu.memory_space<vmem_shared>>) dst(%arg14 : memref<128x128xf32, #tpu.memory_space<vmem>>)
      tpu.yield
    }) : () -> ()
    %add3A_34 = arith.constant 256 : i32
    %add3A_35 = arith.addi %add3A_20, %add3A_34 : i32
    "tpu.region"() ({
      %run_scoped3A_61 = tpu.sem_alloc : memref<!tpu.dma_semaphore, #tpu.memory_space<semaphore_mem>>
      %dma_start3A = arith.constant 0 : i32
      %dma_start3A_62 = arith.constant 0 : i32
      %dma_start3A_63 = tpu.memref_slice %arg14[%dma_start3A, %dma_start3A_62] : memref<128x128xf32, #tpu.memory_space<vmem>> -> memref<128x128xf32, #tpu.memory_space<vmem>>
      %dma_start3A_64 = arith.constant 0 : i32
      %dma_start3A_65 = tpu.memref_slice %arg10[%add3A_35, %dma_start3A_64] : memref<20000x128xf32, #tpu.memory_space<hbm>> -> memref<128x128xf32, #tpu.memory_space<hbm>>
      %dma_start3A_66 = arith.constant 0 : i32
      %dma_start3A_67 = tpu.memref_slice %arg10[%add3A_35, %dma_start3A_66] : memref<20000x128xf32, #tpu.memory_space<hbm>> -> memref<128x128xf32, #tpu.memory_space<hbm>>
      %dma_start3A_68 = arith.constant 0 : i32
      %dma_start3A_69 = arith.constant 0 : i32
      %dma_start3A_70 = tpu.memref_slice %arg14[%dma_start3A_68, %dma_start3A_69] : memref<128x128xf32, #tpu.memory_space<vmem>> -> memref<128x128xf32, #tpu.memory_space<vmem>>
      tpu.enqueue_dma source(%dma_start3A_70 : memref<128x128xf32, #tpu.memory_space<vmem>>) target(%dma_start3A_67 : memref<128x128xf32, #tpu.memory_space<hbm>>) target_semaphore(%run_scoped3A_61 : memref<!tpu.dma_semaphore, #tpu.memory_space<semaphore_mem>>)
      %dma_wait3A = arith.constant 0 : i32
      %dma_wait3A_71 = arith.constant 0 : i32
      %dma_wait3A_72 = tpu.memref_slice %arg14[%dma_wait3A, %dma_wait3A_71] : memref<128x128xf32, #tpu.memory_space<vmem>> -> memref<128x128xf32, #tpu.memory_space<vmem>>
      %dma_wait3A_73 = arith.constant 0 : i32
      %dma_wait3A_74 = tpu.memref_slice %arg10[%add3A_35, %dma_wait3A_73] : memref<20000x128xf32, #tpu.memory_space<hbm>> -> memref<128x128xf32, #tpu.memory_space<hbm>>
      %dma_wait3A_75 = arith.constant 0 : i32
      %dma_wait3A_76 = tpu.memref_slice %arg10[%add3A_35, %dma_wait3A_75] : memref<20000x128xf32, #tpu.memory_space<hbm>> -> memref<128x128xf32, #tpu.memory_space<hbm>>
      %dma_wait3A_77 = arith.constant 0 : i32
      %dma_wait3A_78 = arith.constant 0 : i32
      %dma_wait3A_79 = tpu.memref_slice %arg14[%dma_wait3A_77, %dma_wait3A_78] : memref<128x128xf32, #tpu.memory_space<vmem>> -> memref<128x128xf32, #tpu.memory_space<vmem>>
      tpu.wait_dma2 semaphore(%run_scoped3A_61 : memref<!tpu.dma_semaphore, #tpu.memory_space<semaphore_mem>>) src(%dma_wait3A_79 : memref<128x128xf32, #tpu.memory_space<vmem>>) dst(%dma_wait3A_76 : memref<128x128xf32, #tpu.memory_space<hbm>>)
      tpu.yield
    }) : () -> ()
    %run_scoped3A_36 = arith.constant 2 : i32
    "tpu.region"() ({
      %run_scoped3A_61 = tpu.sem_alloc : memref<!tpu.dma_semaphore, #tpu.memory_space<semaphore_mem>>
      %dma_start3A = arith.constant 0 : i32
      %dma_start3A_62 = tpu.memref_slice %arg12[%run_scoped3A_36, %dma_start3A] : memref<8x128xi32, #tpu.memory_space<vmem>> -> memref<1x128xi32, #tpu.memory_space<vmem>>
      %dma_start3A_63 = tpu.memref_squeeze %dma_start3A_62 : memref<1x128xi32, #tpu.memory_space<vmem>> -> memref<128xi32, #tpu.memory_space<vmem>>
      %dma_start3A_64 = arith.constant 0 : i32
      %dma_start3A_65 = tpu.memref_slice %arg18[%dma_start3A_64] : memref<10112xf32, #tpu.memory_space<vmem_shared>> -> memref<10112xf32, #tpu.memory_space<vmem_shared>>
      tpu.enqueue_indirect_dma source(%dma_start3A_65 : memref<10112xf32, #tpu.memory_space<vmem_shared>>) target(%arg16 : memref<128xf32, #tpu.memory_space<vmem>>) offsets(%dma_start3A_63 : memref<128xi32, #tpu.memory_space<vmem>>) semaphore(%run_scoped3A_61 : memref<!tpu.dma_semaphore, #tpu.memory_space<semaphore_mem>>)
      %dma_wait3A = arith.constant 0 : i32
      %dma_wait3A_66 = tpu.memref_slice %arg12[%run_scoped3A_36, %dma_wait3A] : memref<8x128xi32, #tpu.memory_space<vmem>> -> memref<1x128xi32, #tpu.memory_space<vmem>>
      %dma_wait3A_67 = tpu.memref_squeeze %dma_wait3A_66 : memref<1x128xi32, #tpu.memory_space<vmem>> -> memref<128xi32, #tpu.memory_space<vmem>>
      %dma_wait3A_68 = arith.constant 0 : i32
      %dma_wait3A_69 = tpu.memref_slice %arg18[%dma_wait3A_68] : memref<10112xf32, #tpu.memory_space<vmem_shared>> -> memref<10112xf32, #tpu.memory_space<vmem_shared>>
      tpu.wait_indirect_dma semaphore(%run_scoped3A_61 : memref<!tpu.dma_semaphore, #tpu.memory_space<semaphore_mem>>) src(%dma_wait3A_69 : memref<10112xf32, #tpu.memory_space<vmem_shared>>) dst(%arg16 : memref<128xf32, #tpu.memory_space<vmem>>)
      tpu.yield
    }) : () -> ()
    %add3A_37 = arith.constant 256 : i32
    %add3A_38 = arith.addi %add3A_20, %add3A_37 : i32
    "tpu.region"() ({
      %run_scoped3A_61 = tpu.sem_alloc : memref<!tpu.dma_semaphore, #tpu.memory_space<semaphore_mem>>
      %dma_start3A = arith.constant 0 : i32
      %dma_start3A_62 = tpu.memref_slice %arg16[%dma_start3A] : memref<128xf32, #tpu.memory_space<vmem>> -> memref<128xf32, #tpu.memory_space<vmem>>
      %dma_start3A_63 = tpu.memref_slice %arg11[%add3A_38] : memref<20000xf32, #tpu.memory_space<hbm>> -> memref<128xf32, #tpu.memory_space<hbm>>
      %dma_start3A_64 = tpu.memref_slice %arg11[%add3A_38] : memref<20000xf32, #tpu.memory_space<hbm>> -> memref<128xf32, #tpu.memory_space<hbm>>
      %dma_start3A_65 = arith.constant 0 : i32
      %dma_start3A_66 = tpu.memref_slice %arg16[%dma_start3A_65] : memref<128xf32, #tpu.memory_space<vmem>> -> memref<128xf32, #tpu.memory_space<vmem>>
      tpu.enqueue_dma source(%dma_start3A_66 : memref<128xf32, #tpu.memory_space<vmem>>) target(%dma_start3A_64 : memref<128xf32, #tpu.memory_space<hbm>>) target_semaphore(%run_scoped3A_61 : memref<!tpu.dma_semaphore, #tpu.memory_space<semaphore_mem>>)
      %dma_wait3A = arith.constant 0 : i32
      %dma_wait3A_67 = tpu.memref_slice %arg16[%dma_wait3A] : memref<128xf32, #tpu.memory_space<vmem>> -> memref<128xf32, #tpu.memory_space<vmem>>
      %dma_wait3A_68 = tpu.memref_slice %arg11[%add3A_38] : memref<20000xf32, #tpu.memory_space<hbm>> -> memref<128xf32, #tpu.memory_space<hbm>>
      %dma_wait3A_69 = tpu.memref_slice %arg11[%add3A_38] : memref<20000xf32, #tpu.memory_space<hbm>> -> memref<128xf32, #tpu.memory_space<hbm>>
      %dma_wait3A_70 = arith.constant 0 : i32
      %dma_wait3A_71 = tpu.memref_slice %arg16[%dma_wait3A_70] : memref<128xf32, #tpu.memory_space<vmem>> -> memref<128xf32, #tpu.memory_space<vmem>>
      tpu.wait_dma2 semaphore(%run_scoped3A_61 : memref<!tpu.dma_semaphore, #tpu.memory_space<semaphore_mem>>) src(%dma_wait3A_71 : memref<128xf32, #tpu.memory_space<vmem>>) dst(%dma_wait3A_69 : memref<128xf32, #tpu.memory_space<hbm>>)
      tpu.yield
    }) : () -> ()
    %run_scoped3A_39 = arith.constant 3 : i32
    "tpu.region"() ({
      %run_scoped3A_61 = tpu.sem_alloc : memref<!tpu.dma_semaphore, #tpu.memory_space<semaphore_mem>>
      %dma_start3A = arith.constant 0 : i32
      %dma_start3A_62 = tpu.memref_slice %arg12[%run_scoped3A_39, %dma_start3A] : memref<8x128xi32, #tpu.memory_space<vmem>> -> memref<1x128xi32, #tpu.memory_space<vmem>>
      %dma_start3A_63 = tpu.memref_squeeze %dma_start3A_62 : memref<1x128xi32, #tpu.memory_space<vmem>> -> memref<128xi32, #tpu.memory_space<vmem>>
      %dma_start3A_64 = arith.constant 0 : i32
      %dma_start3A_65 = arith.constant 0 : i32
      %dma_start3A_66 = tpu.memref_slice %arg17[%dma_start3A_64, %dma_start3A_65] : memref<10112x128xf32, #tpu.memory_space<vmem_shared>> -> memref<10112x128xf32, #tpu.memory_space<vmem_shared>>
      tpu.enqueue_indirect_dma source(%dma_start3A_66 : memref<10112x128xf32, #tpu.memory_space<vmem_shared>>) target(%arg14 : memref<128x128xf32, #tpu.memory_space<vmem>>) offsets(%dma_start3A_63 : memref<128xi32, #tpu.memory_space<vmem>>) semaphore(%run_scoped3A_61 : memref<!tpu.dma_semaphore, #tpu.memory_space<semaphore_mem>>)
      %dma_wait3A = arith.constant 0 : i32
      %dma_wait3A_67 = tpu.memref_slice %arg12[%run_scoped3A_39, %dma_wait3A] : memref<8x128xi32, #tpu.memory_space<vmem>> -> memref<1x128xi32, #tpu.memory_space<vmem>>
      %dma_wait3A_68 = tpu.memref_squeeze %dma_wait3A_67 : memref<1x128xi32, #tpu.memory_space<vmem>> -> memref<128xi32, #tpu.memory_space<vmem>>
      %dma_wait3A_69 = arith.constant 0 : i32
      %dma_wait3A_70 = arith.constant 0 : i32
      %dma_wait3A_71 = tpu.memref_slice %arg17[%dma_wait3A_69, %dma_wait3A_70] : memref<10112x128xf32, #tpu.memory_space<vmem_shared>> -> memref<10112x128xf32, #tpu.memory_space<vmem_shared>>
      tpu.wait_indirect_dma semaphore(%run_scoped3A_61 : memref<!tpu.dma_semaphore, #tpu.memory_space<semaphore_mem>>) src(%dma_wait3A_71 : memref<10112x128xf32, #tpu.memory_space<vmem_shared>>) dst(%arg14 : memref<128x128xf32, #tpu.memory_space<vmem>>)
      tpu.yield
    }) : () -> ()
    %add3A_40 = arith.constant 384 : i32
    %add3A_41 = arith.addi %add3A_20, %add3A_40 : i32
    "tpu.region"() ({
      %run_scoped3A_61 = tpu.sem_alloc : memref<!tpu.dma_semaphore, #tpu.memory_space<semaphore_mem>>
      %dma_start3A = arith.constant 0 : i32
      %dma_start3A_62 = arith.constant 0 : i32
      %dma_start3A_63 = tpu.memref_slice %arg14[%dma_start3A, %dma_start3A_62] : memref<128x128xf32, #tpu.memory_space<vmem>> -> memref<128x128xf32, #tpu.memory_space<vmem>>
      %dma_start3A_64 = arith.constant 0 : i32
      %dma_start3A_65 = tpu.memref_slice %arg10[%add3A_41, %dma_start3A_64] : memref<20000x128xf32, #tpu.memory_space<hbm>> -> memref<128x128xf32, #tpu.memory_space<hbm>>
      %dma_start3A_66 = arith.constant 0 : i32
      %dma_start3A_67 = tpu.memref_slice %arg10[%add3A_41, %dma_start3A_66] : memref<20000x128xf32, #tpu.memory_space<hbm>> -> memref<128x128xf32, #tpu.memory_space<hbm>>
      %dma_start3A_68 = arith.constant 0 : i32
      %dma_start3A_69 = arith.constant 0 : i32
      %dma_start3A_70 = tpu.memref_slice %arg14[%dma_start3A_68, %dma_start3A_69] : memref<128x128xf32, #tpu.memory_space<vmem>> -> memref<128x128xf32, #tpu.memory_space<vmem>>
      tpu.enqueue_dma source(%dma_start3A_70 : memref<128x128xf32, #tpu.memory_space<vmem>>) target(%dma_start3A_67 : memref<128x128xf32, #tpu.memory_space<hbm>>) target_semaphore(%run_scoped3A_61 : memref<!tpu.dma_semaphore, #tpu.memory_space<semaphore_mem>>)
      %dma_wait3A = arith.constant 0 : i32
      %dma_wait3A_71 = arith.constant 0 : i32
      %dma_wait3A_72 = tpu.memref_slice %arg14[%dma_wait3A, %dma_wait3A_71] : memref<128x128xf32, #tpu.memory_space<vmem>> -> memref<128x128xf32, #tpu.memory_space<vmem>>
      %dma_wait3A_73 = arith.constant 0 : i32
      %dma_wait3A_74 = tpu.memref_slice %arg10[%add3A_41, %dma_wait3A_73] : memref<20000x128xf32, #tpu.memory_space<hbm>> -> memref<128x128xf32, #tpu.memory_space<hbm>>
      %dma_wait3A_75 = arith.constant 0 : i32
      %dma_wait3A_76 = tpu.memref_slice %arg10[%add3A_41, %dma_wait3A_75] : memref<20000x128xf32, #tpu.memory_space<hbm>> -> memref<128x128xf32, #tpu.memory_space<hbm>>
      %dma_wait3A_77 = arith.constant 0 : i32
      %dma_wait3A_78 = arith.constant 0 : i32
      %dma_wait3A_79 = tpu.memref_slice %arg14[%dma_wait3A_77, %dma_wait3A_78] : memref<128x128xf32, #tpu.memory_space<vmem>> -> memref<128x128xf32, #tpu.memory_space<vmem>>
      tpu.wait_dma2 semaphore(%run_scoped3A_61 : memref<!tpu.dma_semaphore, #tpu.memory_space<semaphore_mem>>) src(%dma_wait3A_79 : memref<128x128xf32, #tpu.memory_space<vmem>>) dst(%dma_wait3A_76 : memref<128x128xf32, #tpu.memory_space<hbm>>)
      tpu.yield
    }) : () -> ()
    %run_scoped3A_42 = arith.constant 3 : i32
    "tpu.region"() ({
      %run_scoped3A_61 = tpu.sem_alloc : memref<!tpu.dma_semaphore, #tpu.memory_space<semaphore_mem>>
      %dma_start3A = arith.constant 0 : i32
      %dma_start3A_62 = tpu.memref_slice %arg12[%run_scoped3A_42, %dma_start3A] : memref<8x128xi32, #tpu.memory_space<vmem>> -> memref<1x128xi32, #tpu.memory_space<vmem>>
      %dma_start3A_63 = tpu.memref_squeeze %dma_start3A_62 : memref<1x128xi32, #tpu.memory_space<vmem>> -> memref<128xi32, #tpu.memory_space<vmem>>
      %dma_start3A_64 = arith.constant 0 : i32
      %dma_start3A_65 = tpu.memref_slice %arg18[%dma_start3A_64] : memref<10112xf32, #tpu.memory_space<vmem_shared>> -> memref<10112xf32, #tpu.memory_space<vmem_shared>>
      tpu.enqueue_indirect_dma source(%dma_start3A_65 : memref<10112xf32, #tpu.memory_space<vmem_shared>>) target(%arg16 : memref<128xf32, #tpu.memory_space<vmem>>) offsets(%dma_start3A_63 : memref<128xi32, #tpu.memory_space<vmem>>) semaphore(%run_scoped3A_61 : memref<!tpu.dma_semaphore, #tpu.memory_space<semaphore_mem>>)
      %dma_wait3A = arith.constant 0 : i32
      %dma_wait3A_66 = tpu.memref_slice %arg12[%run_scoped3A_42, %dma_wait3A] : memref<8x128xi32, #tpu.memory_space<vmem>> -> memref<1x128xi32, #tpu.memory_space<vmem>>
      %dma_wait3A_67 = tpu.memref_squeeze %dma_wait3A_66 : memref<1x128xi32, #tpu.memory_space<vmem>> -> memref<128xi32, #tpu.memory_space<vmem>>
      %dma_wait3A_68 = arith.constant 0 : i32
      %dma_wait3A_69 = tpu.memref_slice %arg18[%dma_wait3A_68] : memref<10112xf32, #tpu.memory_space<vmem_shared>> -> memref<10112xf32, #tpu.memory_space<vmem_shared>>
      tpu.wait_indirect_dma semaphore(%run_scoped3A_61 : memref<!tpu.dma_semaphore, #tpu.memory_space<semaphore_mem>>) src(%dma_wait3A_69 : memref<10112xf32, #tpu.memory_space<vmem_shared>>) dst(%arg16 : memref<128xf32, #tpu.memory_space<vmem>>)
      tpu.yield
    }) : () -> ()
    %add3A_43 = arith.constant 384 : i32
    %add3A_44 = arith.addi %add3A_20, %add3A_43 : i32
    "tpu.region"() ({
      %run_scoped3A_61 = tpu.sem_alloc : memref<!tpu.dma_semaphore, #tpu.memory_space<semaphore_mem>>
      %dma_start3A = arith.constant 0 : i32
      %dma_start3A_62 = tpu.memref_slice %arg16[%dma_start3A] : memref<128xf32, #tpu.memory_space<vmem>> -> memref<128xf32, #tpu.memory_space<vmem>>
      %dma_start3A_63 = tpu.memref_slice %arg11[%add3A_44] : memref<20000xf32, #tpu.memory_space<hbm>> -> memref<128xf32, #tpu.memory_space<hbm>>
      %dma_start3A_64 = tpu.memref_slice %arg11[%add3A_44] : memref<20000xf32, #tpu.memory_space<hbm>> -> memref<128xf32, #tpu.memory_space<hbm>>
      %dma_start3A_65 = arith.constant 0 : i32
      %dma_start3A_66 = tpu.memref_slice %arg16[%dma_start3A_65] : memref<128xf32, #tpu.memory_space<vmem>> -> memref<128xf32, #tpu.memory_space<vmem>>
      tpu.enqueue_dma source(%dma_start3A_66 : memref<128xf32, #tpu.memory_space<vmem>>) target(%dma_start3A_64 : memref<128xf32, #tpu.memory_space<hbm>>) target_semaphore(%run_scoped3A_61 : memref<!tpu.dma_semaphore, #tpu.memory_space<semaphore_mem>>)
      %dma_wait3A = arith.constant 0 : i32
      %dma_wait3A_67 = tpu.memref_slice %arg16[%dma_wait3A] : memref<128xf32, #tpu.memory_space<vmem>> -> memref<128xf32, #tpu.memory_space<vmem>>
      %dma_wait3A_68 = tpu.memref_slice %arg11[%add3A_44] : memref<20000xf32, #tpu.memory_space<hbm>> -> memref<128xf32, #tpu.memory_space<hbm>>
      %dma_wait3A_69 = tpu.memref_slice %arg11[%add3A_44] : memref<20000xf32, #tpu.memory_space<hbm>> -> memref<128xf32, #tpu.memory_space<hbm>>
      %dma_wait3A_70 = arith.constant 0 : i32
      %dma_wait3A_71 = tpu.memref_slice %arg16[%dma_wait3A_70] : memref<128xf32, #tpu.memory_space<vmem>> -> memref<128xf32, #tpu.memory_space<vmem>>
      tpu.wait_dma2 semaphore(%run_scoped3A_61 : memref<!tpu.dma_semaphore, #tpu.memory_space<semaphore_mem>>) src(%dma_wait3A_71 : memref<128xf32, #tpu.memory_space<vmem>>) dst(%dma_wait3A_69 : memref<128xf32, #tpu.memory_space<hbm>>)
      tpu.yield
    }) : () -> ()
    %run_scoped3A_45 = arith.constant 4 : i32
    "tpu.region"() ({
      %run_scoped3A_61 = tpu.sem_alloc : memref<!tpu.dma_semaphore, #tpu.memory_space<semaphore_mem>>
      %dma_start3A = arith.constant 0 : i32
      %dma_start3A_62 = tpu.memref_slice %arg12[%run_scoped3A_45, %dma_start3A] : memref<8x128xi32, #tpu.memory_space<vmem>> -> memref<1x128xi32, #tpu.memory_space<vmem>>
      %dma_start3A_63 = tpu.memref_squeeze %dma_start3A_62 : memref<1x128xi32, #tpu.memory_space<vmem>> -> memref<128xi32, #tpu.memory_space<vmem>>
      %dma_start3A_64 = arith.constant 0 : i32
      %dma_start3A_65 = arith.constant 0 : i32
      %dma_start3A_66 = tpu.memref_slice %arg17[%dma_start3A_64, %dma_start3A_65] : memref<10112x128xf32, #tpu.memory_space<vmem_shared>> -> memref<10112x128xf32, #tpu.memory_space<vmem_shared>>
      tpu.enqueue_indirect_dma source(%dma_start3A_66 : memref<10112x128xf32, #tpu.memory_space<vmem_shared>>) target(%arg14 : memref<128x128xf32, #tpu.memory_space<vmem>>) offsets(%dma_start3A_63 : memref<128xi32, #tpu.memory_space<vmem>>) semaphore(%run_scoped3A_61 : memref<!tpu.dma_semaphore, #tpu.memory_space<semaphore_mem>>)
      %dma_wait3A = arith.constant 0 : i32
      %dma_wait3A_67 = tpu.memref_slice %arg12[%run_scoped3A_45, %dma_wait3A] : memref<8x128xi32, #tpu.memory_space<vmem>> -> memref<1x128xi32, #tpu.memory_space<vmem>>
      %dma_wait3A_68 = tpu.memref_squeeze %dma_wait3A_67 : memref<1x128xi32, #tpu.memory_space<vmem>> -> memref<128xi32, #tpu.memory_space<vmem>>
      %dma_wait3A_69 = arith.constant 0 : i32
      %dma_wait3A_70 = arith.constant 0 : i32
      %dma_wait3A_71 = tpu.memref_slice %arg17[%dma_wait3A_69, %dma_wait3A_70] : memref<10112x128xf32, #tpu.memory_space<vmem_shared>> -> memref<10112x128xf32, #tpu.memory_space<vmem_shared>>
      tpu.wait_indirect_dma semaphore(%run_scoped3A_61 : memref<!tpu.dma_semaphore, #tpu.memory_space<semaphore_mem>>) src(%dma_wait3A_71 : memref<10112x128xf32, #tpu.memory_space<vmem_shared>>) dst(%arg14 : memref<128x128xf32, #tpu.memory_space<vmem>>)
      tpu.yield
    }) : () -> ()
    %add3A_46 = arith.constant 512 : i32
    %add3A_47 = arith.addi %add3A_20, %add3A_46 : i32
    "tpu.region"() ({
      %run_scoped3A_61 = tpu.sem_alloc : memref<!tpu.dma_semaphore, #tpu.memory_space<semaphore_mem>>
      %dma_start3A = arith.constant 0 : i32
      %dma_start3A_62 = arith.constant 0 : i32
      %dma_start3A_63 = tpu.memref_slice %arg14[%dma_start3A, %dma_start3A_62] : memref<128x128xf32, #tpu.memory_space<vmem>> -> memref<112x128xf32, #tpu.memory_space<vmem>>
      %dma_start3A_64 = arith.constant 0 : i32
      %dma_start3A_65 = tpu.memref_slice %arg10[%add3A_47, %dma_start3A_64] : memref<20000x128xf32, #tpu.memory_space<hbm>> -> memref<112x128xf32, #tpu.memory_space<hbm>>
      %dma_start3A_66 = arith.constant 0 : i32
      %dma_start3A_67 = tpu.memref_slice %arg10[%add3A_47, %dma_start3A_66] : memref<20000x128xf32, #tpu.memory_space<hbm>> -> memref<112x128xf32, #tpu.memory_space<hbm>>
      %dma_start3A_68 = arith.constant 0 : i32
      %dma_start3A_69 = arith.constant 0 : i32
      %dma_start3A_70 = tpu.memref_slice %arg14[%dma_start3A_68, %dma_start3A_69] : memref<128x128xf32, #tpu.memory_space<vmem>> -> memref<112x128xf32, #tpu.memory_space<vmem>>
      tpu.enqueue_dma source(%dma_start3A_70 : memref<112x128xf32, #tpu.memory_space<vmem>>) target(%dma_start3A_67 : memref<112x128xf32, #tpu.memory_space<hbm>>) target_semaphore(%run_scoped3A_61 : memref<!tpu.dma_semaphore, #tpu.memory_space<semaphore_mem>>)
      %dma_wait3A = arith.constant 0 : i32
      %dma_wait3A_71 = arith.constant 0 : i32
      %dma_wait3A_72 = tpu.memref_slice %arg14[%dma_wait3A, %dma_wait3A_71] : memref<128x128xf32, #tpu.memory_space<vmem>> -> memref<112x128xf32, #tpu.memory_space<vmem>>
      %dma_wait3A_73 = arith.constant 0 : i32
      %dma_wait3A_74 = tpu.memref_slice %arg10[%add3A_47, %dma_wait3A_73] : memref<20000x128xf32, #tpu.memory_space<hbm>> -> memref<112x128xf32, #tpu.memory_space<hbm>>
      %dma_wait3A_75 = arith.constant 0 : i32
      %dma_wait3A_76 = tpu.memref_slice %arg10[%add3A_47, %dma_wait3A_75] : memref<20000x128xf32, #tpu.memory_space<hbm>> -> memref<112x128xf32, #tpu.memory_space<hbm>>
      %dma_wait3A_77 = arith.constant 0 : i32
      %dma_wait3A_78 = arith.constant 0 : i32
      %dma_wait3A_79 = tpu.memref_slice %arg14[%dma_wait3A_77, %dma_wait3A_78] : memref<128x128xf32, #tpu.memory_space<vmem>> -> memref<112x128xf32, #tpu.memory_space<vmem>>
      tpu.wait_dma2 semaphore(%run_scoped3A_61 : memref<!tpu.dma_semaphore, #tpu.memory_space<semaphore_mem>>) src(%dma_wait3A_79 : memref<112x128xf32, #tpu.memory_space<vmem>>) dst(%dma_wait3A_76 : memref<112x128xf32, #tpu.memory_space<hbm>>)
      tpu.yield
    }) : () -> ()
    %run_scoped3A_48 = arith.constant 4 : i32
    "tpu.region"() ({
      %run_scoped3A_61 = tpu.sem_alloc : memref<!tpu.dma_semaphore, #tpu.memory_space<semaphore_mem>>
      %dma_start3A = arith.constant 0 : i32
      %dma_start3A_62 = tpu.memref_slice %arg12[%run_scoped3A_48, %dma_start3A] : memref<8x128xi32, #tpu.memory_space<vmem>> -> memref<1x128xi32, #tpu.memory_space<vmem>>
      %dma_start3A_63 = tpu.memref_squeeze %dma_start3A_62 : memref<1x128xi32, #tpu.memory_space<vmem>> -> memref<128xi32, #tpu.memory_space<vmem>>
      %dma_start3A_64 = arith.constant 0 : i32
      %dma_start3A_65 = tpu.memref_slice %arg18[%dma_start3A_64] : memref<10112xf32, #tpu.memory_space<vmem_shared>> -> memref<10112xf32, #tpu.memory_space<vmem_shared>>
      tpu.enqueue_indirect_dma source(%dma_start3A_65 : memref<10112xf32, #tpu.memory_space<vmem_shared>>) target(%arg16 : memref<128xf32, #tpu.memory_space<vmem>>) offsets(%dma_start3A_63 : memref<128xi32, #tpu.memory_space<vmem>>) semaphore(%run_scoped3A_61 : memref<!tpu.dma_semaphore, #tpu.memory_space<semaphore_mem>>)
      %dma_wait3A = arith.constant 0 : i32
      %dma_wait3A_66 = tpu.memref_slice %arg12[%run_scoped3A_48, %dma_wait3A] : memref<8x128xi32, #tpu.memory_space<vmem>> -> memref<1x128xi32, #tpu.memory_space<vmem>>
      %dma_wait3A_67 = tpu.memref_squeeze %dma_wait3A_66 : memref<1x128xi32, #tpu.memory_space<vmem>> -> memref<128xi32, #tpu.memory_space<vmem>>
      %dma_wait3A_68 = arith.constant 0 : i32
      %dma_wait3A_69 = tpu.memref_slice %arg18[%dma_wait3A_68] : memref<10112xf32, #tpu.memory_space<vmem_shared>> -> memref<10112xf32, #tpu.memory_space<vmem_shared>>
      tpu.wait_indirect_dma semaphore(%run_scoped3A_61 : memref<!tpu.dma_semaphore, #tpu.memory_space<semaphore_mem>>) src(%dma_wait3A_69 : memref<10112xf32, #tpu.memory_space<vmem_shared>>) dst(%arg16 : memref<128xf32, #tpu.memory_space<vmem>>)
      tpu.yield
    }) : () -> ()
    %add3A_49 = arith.constant 512 : i32
    %add3A_50 = arith.addi %add3A_20, %add3A_49 : i32
    "tpu.region"() ({
      %run_scoped3A_61 = tpu.sem_alloc : memref<!tpu.dma_semaphore, #tpu.memory_space<semaphore_mem>>
      %dma_start3A = arith.constant 0 : i32
      %dma_start3A_62 = tpu.memref_slice %arg16[%dma_start3A] : memref<128xf32, #tpu.memory_space<vmem>> -> memref<112xf32, #tpu.memory_space<vmem>>
      %dma_start3A_63 = tpu.memref_slice %arg11[%add3A_50] : memref<20000xf32, #tpu.memory_space<hbm>> -> memref<112xf32, #tpu.memory_space<hbm>>
      %dma_start3A_64 = tpu.memref_slice %arg11[%add3A_50] : memref<20000xf32, #tpu.memory_space<hbm>> -> memref<112xf32, #tpu.memory_space<hbm>>
      %dma_start3A_65 = arith.constant 0 : i32
      %dma_start3A_66 = tpu.memref_slice %arg16[%dma_start3A_65] : memref<128xf32, #tpu.memory_space<vmem>> -> memref<112xf32, #tpu.memory_space<vmem>>
      tpu.enqueue_dma source(%dma_start3A_66 : memref<112xf32, #tpu.memory_space<vmem>>) target(%dma_start3A_64 : memref<112xf32, #tpu.memory_space<hbm>>) target_semaphore(%run_scoped3A_61 : memref<!tpu.dma_semaphore, #tpu.memory_space<semaphore_mem>>)
      %dma_wait3A = arith.constant 0 : i32
      %dma_wait3A_67 = tpu.memref_slice %arg16[%dma_wait3A] : memref<128xf32, #tpu.memory_space<vmem>> -> memref<112xf32, #tpu.memory_space<vmem>>
      %dma_wait3A_68 = tpu.memref_slice %arg11[%add3A_50] : memref<20000xf32, #tpu.memory_space<hbm>> -> memref<112xf32, #tpu.memory_space<hbm>>
      %dma_wait3A_69 = tpu.memref_slice %arg11[%add3A_50] : memref<20000xf32, #tpu.memory_space<hbm>> -> memref<112xf32, #tpu.memory_space<hbm>>
      %dma_wait3A_70 = arith.constant 0 : i32
      %dma_wait3A_71 = tpu.memref_slice %arg16[%dma_wait3A_70] : memref<128xf32, #tpu.memory_space<vmem>> -> memref<112xf32, #tpu.memory_space<vmem>>
      tpu.wait_dma2 semaphore(%run_scoped3A_61 : memref<!tpu.dma_semaphore, #tpu.memory_space<semaphore_mem>>) src(%dma_wait3A_71 : memref<112xf32, #tpu.memory_space<vmem>>) dst(%dma_wait3A_69 : memref<112xf32, #tpu.memory_space<hbm>>)
      tpu.yield
    }) : () -> ()
    %run_scoped3A_51 = arith.constant 5 : i32
    "tpu.region"() ({
      %run_scoped3A_61 = tpu.sem_alloc : memref<!tpu.dma_semaphore, #tpu.memory_space<semaphore_mem>>
      %dma_start3A = arith.constant 0 : i32
      %dma_start3A_62 = tpu.memref_slice %arg12[%run_scoped3A_51, %dma_start3A] : memref<8x128xi32, #tpu.memory_space<vmem>> -> memref<1x128xi32, #tpu.memory_space<vmem>>
      %dma_start3A_63 = tpu.memref_squeeze %dma_start3A_62 : memref<1x128xi32, #tpu.memory_space<vmem>> -> memref<128xi32, #tpu.memory_space<vmem>>
      %dma_start3A_64 = arith.constant 0 : i32
      %dma_start3A_65 = arith.constant 0 : i32
      %dma_start3A_66 = tpu.memref_slice %arg17[%dma_start3A_64, %dma_start3A_65] : memref<10112x128xf32, #tpu.memory_space<vmem_shared>> -> memref<10112x128xf32, #tpu.memory_space<vmem_shared>>
      tpu.enqueue_indirect_dma source(%dma_start3A_66 : memref<10112x128xf32, #tpu.memory_space<vmem_shared>>) target(%arg14 : memref<128x128xf32, #tpu.memory_space<vmem>>) offsets(%dma_start3A_63 : memref<128xi32, #tpu.memory_space<vmem>>) semaphore(%run_scoped3A_61 : memref<!tpu.dma_semaphore, #tpu.memory_space<semaphore_mem>>)
      %dma_wait3A = arith.constant 0 : i32
      %dma_wait3A_67 = tpu.memref_slice %arg12[%run_scoped3A_51, %dma_wait3A] : memref<8x128xi32, #tpu.memory_space<vmem>> -> memref<1x128xi32, #tpu.memory_space<vmem>>
      %dma_wait3A_68 = tpu.memref_squeeze %dma_wait3A_67 : memref<1x128xi32, #tpu.memory_space<vmem>> -> memref<128xi32, #tpu.memory_space<vmem>>
      %dma_wait3A_69 = arith.constant 0 : i32
      %dma_wait3A_70 = arith.constant 0 : i32
      %dma_wait3A_71 = tpu.memref_slice %arg17[%dma_wait3A_69, %dma_wait3A_70] : memref<10112x128xf32, #tpu.memory_space<vmem_shared>> -> memref<10112x128xf32, #tpu.memory_space<vmem_shared>>
      tpu.wait_indirect_dma semaphore(%run_scoped3A_61 : memref<!tpu.dma_semaphore, #tpu.memory_space<semaphore_mem>>) src(%dma_wait3A_71 : memref<10112x128xf32, #tpu.memory_space<vmem_shared>>) dst(%arg14 : memref<128x128xf32, #tpu.memory_space<vmem>>)
      tpu.yield
    }) : () -> ()
    %mul3A_52 = arith.constant 10000 : i32
    %mul3A_53 = arith.muli %arg0, %mul3A_52 : i32
    %add3A_54 = arith.constant 9984 : i32
    %add3A_55 = arith.addi %mul3A_53, %add3A_54 : i32
    "tpu.region"() ({
      %run_scoped3A_61 = tpu.sem_alloc : memref<!tpu.dma_semaphore, #tpu.memory_space<semaphore_mem>>
      %dma_start3A = arith.constant 0 : i32
      %dma_start3A_62 = arith.constant 0 : i32
      %dma_start3A_63 = tpu.memref_slice %arg14[%dma_start3A, %dma_start3A_62] : memref<128x128xf32, #tpu.memory_space<vmem>> -> memref<16x128xf32, #tpu.memory_space<vmem>>
      %dma_start3A_64 = arith.constant 0 : i32
      %dma_start3A_65 = tpu.memref_slice %arg10[%add3A_55, %dma_start3A_64] : memref<20000x128xf32, #tpu.memory_space<hbm>> -> memref<16x128xf32, #tpu.memory_space<hbm>>
      %dma_start3A_66 = arith.constant 0 : i32
      %dma_start3A_67 = tpu.memref_slice %arg10[%add3A_55, %dma_start3A_66] : memref<20000x128xf32, #tpu.memory_space<hbm>> -> memref<16x128xf32, #tpu.memory_space<hbm>>
      %dma_start3A_68 = arith.constant 0 : i32
      %dma_start3A_69 = arith.constant 0 : i32
      %dma_start3A_70 = tpu.memref_slice %arg14[%dma_start3A_68, %dma_start3A_69] : memref<128x128xf32, #tpu.memory_space<vmem>> -> memref<16x128xf32, #tpu.memory_space<vmem>>
      tpu.enqueue_dma source(%dma_start3A_70 : memref<16x128xf32, #tpu.memory_space<vmem>>) target(%dma_start3A_67 : memref<16x128xf32, #tpu.memory_space<hbm>>) target_semaphore(%run_scoped3A_61 : memref<!tpu.dma_semaphore, #tpu.memory_space<semaphore_mem>>)
      %dma_wait3A = arith.constant 0 : i32
      %dma_wait3A_71 = arith.constant 0 : i32
      %dma_wait3A_72 = tpu.memref_slice %arg14[%dma_wait3A, %dma_wait3A_71] : memref<128x128xf32, #tpu.memory_space<vmem>> -> memref<16x128xf32, #tpu.memory_space<vmem>>
      %dma_wait3A_73 = arith.constant 0 : i32
      %dma_wait3A_74 = tpu.memref_slice %arg10[%add3A_55, %dma_wait3A_73] : memref<20000x128xf32, #tpu.memory_space<hbm>> -> memref<16x128xf32, #tpu.memory_space<hbm>>
      %dma_wait3A_75 = arith.constant 0 : i32
      %dma_wait3A_76 = tpu.memref_slice %arg10[%add3A_55, %dma_wait3A_75] : memref<20000x128xf32, #tpu.memory_space<hbm>> -> memref<16x128xf32, #tpu.memory_space<hbm>>
      %dma_wait3A_77 = arith.constant 0 : i32
      %dma_wait3A_78 = arith.constant 0 : i32
      %dma_wait3A_79 = tpu.memref_slice %arg14[%dma_wait3A_77, %dma_wait3A_78] : memref<128x128xf32, #tpu.memory_space<vmem>> -> memref<16x128xf32, #tpu.memory_space<vmem>>
      tpu.wait_dma2 semaphore(%run_scoped3A_61 : memref<!tpu.dma_semaphore, #tpu.memory_space<semaphore_mem>>) src(%dma_wait3A_79 : memref<16x128xf32, #tpu.memory_space<vmem>>) dst(%dma_wait3A_76 : memref<16x128xf32, #tpu.memory_space<hbm>>)
      tpu.yield
    }) : () -> ()
    %run_scoped3A_56 = arith.constant 5 : i32
    "tpu.region"() ({
      %run_scoped3A_61 = tpu.sem_alloc : memref<!tpu.dma_semaphore, #tpu.memory_space<semaphore_mem>>
      %dma_start3A = arith.constant 0 : i32
      %dma_start3A_62 = tpu.memref_slice %arg12[%run_scoped3A_56, %dma_start3A] : memref<8x128xi32, #tpu.memory_space<vmem>> -> memref<1x128xi32, #tpu.memory_space<vmem>>
      %dma_start3A_63 = tpu.memref_squeeze %dma_start3A_62 : memref<1x128xi32, #tpu.memory_space<vmem>> -> memref<128xi32, #tpu.memory_space<vmem>>
      %dma_start3A_64 = arith.constant 0 : i32
      %dma_start3A_65 = tpu.memref_slice %arg18[%dma_start3A_64] : memref<10112xf32, #tpu.memory_space<vmem_shared>> -> memref<10112xf32, #tpu.memory_space<vmem_shared>>
      tpu.enqueue_indirect_dma source(%dma_start3A_65 : memref<10112xf32, #tpu.memory_space<vmem_shared>>) target(%arg16 : memref<128xf32, #tpu.memory_space<vmem>>) offsets(%dma_start3A_63 : memref<128xi32, #tpu.memory_space<vmem>>) semaphore(%run_scoped3A_61 : memref<!tpu.dma_semaphore, #tpu.memory_space<semaphore_mem>>)
      %dma_wait3A = arith.constant 0 : i32
      %dma_wait3A_66 = tpu.memref_slice %arg12[%run_scoped3A_56, %dma_wait3A] : memref<8x128xi32, #tpu.memory_space<vmem>> -> memref<1x128xi32, #tpu.memory_space<vmem>>
      %dma_wait3A_67 = tpu.memref_squeeze %dma_wait3A_66 : memref<1x128xi32, #tpu.memory_space<vmem>> -> memref<128xi32, #tpu.memory_space<vmem>>
      %dma_wait3A_68 = arith.constant 0 : i32
      %dma_wait3A_69 = tpu.memref_slice %arg18[%dma_wait3A_68] : memref<10112xf32, #tpu.memory_space<vmem_shared>> -> memref<10112xf32, #tpu.memory_space<vmem_shared>>
      tpu.wait_indirect_dma semaphore(%run_scoped3A_61 : memref<!tpu.dma_semaphore, #tpu.memory_space<semaphore_mem>>) src(%dma_wait3A_69 : memref<10112xf32, #tpu.memory_space<vmem_shared>>) dst(%arg16 : memref<128xf32, #tpu.memory_space<vmem>>)
      tpu.yield
    }) : () -> ()
    %mul3A_57 = arith.constant 10000 : i32
    %mul3A_58 = arith.muli %arg0, %mul3A_57 : i32
    %add3A_59 = arith.constant 9984 : i32
    %add3A_60 = arith.addi %mul3A_58, %add3A_59 : i32
    "tpu.region"() ({
      %run_scoped3A_61 = tpu.sem_alloc : memref<!tpu.dma_semaphore, #tpu.memory_space<semaphore_mem>>
      %dma_start3A = arith.constant 0 : i32
      %dma_start3A_62 = tpu.memref_slice %arg16[%dma_start3A] : memref<128xf32, #tpu.memory_space<vmem>> -> memref<16xf32, #tpu.memory_space<vmem>>
      %dma_start3A_63 = tpu.memref_slice %arg11[%add3A_60] : memref<20000xf32, #tpu.memory_space<hbm>> -> memref<16xf32, #tpu.memory_space<hbm>>
      %dma_start3A_64 = tpu.memref_slice %arg11[%add3A_60] : memref<20000xf32, #tpu.memory_space<hbm>> -> memref<16xf32, #tpu.memory_space<hbm>>
      %dma_start3A_65 = arith.constant 0 : i32
      %dma_start3A_66 = tpu.memref_slice %arg16[%dma_start3A_65] : memref<128xf32, #tpu.memory_space<vmem>> -> memref<16xf32, #tpu.memory_space<vmem>>
      tpu.enqueue_dma source(%dma_start3A_66 : memref<16xf32, #tpu.memory_space<vmem>>) target(%dma_start3A_64 : memref<16xf32, #tpu.memory_space<hbm>>) target_semaphore(%run_scoped3A_61 : memref<!tpu.dma_semaphore, #tpu.memory_space<semaphore_mem>>)
      %dma_wait3A = arith.constant 0 : i32
      %dma_wait3A_67 = tpu.memref_slice %arg16[%dma_wait3A] : memref<128xf32, #tpu.memory_space<vmem>> -> memref<16xf32, #tpu.memory_space<vmem>>
      %dma_wait3A_68 = tpu.memref_slice %arg11[%add3A_60] : memref<20000xf32, #tpu.memory_space<hbm>> -> memref<16xf32, #tpu.memory_space<hbm>>
      %dma_wait3A_69 = tpu.memref_slice %arg11[%add3A_60] : memref<20000xf32, #tpu.memory_space<hbm>> -> memref<16xf32, #tpu.memory_space<hbm>>
      %dma_wait3A_70 = arith.constant 0 : i32
      %dma_wait3A_71 = tpu.memref_slice %arg16[%dma_wait3A_70] : memref<128xf32, #tpu.memory_space<vmem>> -> memref<16xf32, #tpu.memory_space<vmem>>
      tpu.wait_dma2 semaphore(%run_scoped3A_61 : memref<!tpu.dma_semaphore, #tpu.memory_space<semaphore_mem>>) src(%dma_wait3A_71 : memref<16xf32, #tpu.memory_space<vmem>>) dst(%dma_wait3A_69 : memref<16xf32, #tpu.memory_space<hbm>>)
      tpu.yield
    }) : () -> ()
    return
  }
}

module attributes {stable_mosaic.version = 14 : i64} {
  func.func @body(%arg0: i32, %arg1: memref<1x400x128xf32, #tpu.memory_space<vmem>>, %arg2: memref<1x400x128xf32, #tpu.memory_space<vmem>>, %arg3: memref<1x400x1xf32, #tpu.memory_space<vmem>>, %arg4: memref<1x400x1xf32, #tpu.memory_space<vmem>>, %arg5: memref<400x128xf32, #tpu.memory_space<vmem>>, %arg6: memref<128x128xf32, #tpu.memory_space<vmem>>, %arg7: memref<128x128xf32, #tpu.memory_space<vmem>>, %arg8: memref<1x128xf32, #tpu.memory_space<vmem>>, %arg9: memref<1x128xf32, #tpu.memory_space<vmem>>, %arg10: memref<1x128xf32, #tpu.memory_space<vmem>>, %arg11: memref<400x128xf32, #tpu.memory_space<vmem>>) attributes {dimension_semantics = [#tpu.dimension_semantics<arbitrary>], iteration_bounds = array<i64: 25>, scalar_prefetch = 0 : i64, scratch_operands = 0 : i64, tpu.core_type = #tpu.core_type<tc>, window_params = [{transform_indices = @transform_0, window_bounds = array<i64: 1, 400, 128>}, {transform_indices = @transform_1, window_bounds = array<i64: 1, 400, 128>}, {transform_indices = @transform_2, window_bounds = array<i64: 1, 400, 1>}, {transform_indices = @transform_3, window_bounds = array<i64: 1, 400, 1>}, {transform_indices = @transform_4, window_bounds = array<i64: 400, 128>}, {pipeline_mode = #tpu.pipeline_mode<synchronous>, transform_indices = @transform_5, window_bounds = array<i64: 128, 128>}, {pipeline_mode = #tpu.pipeline_mode<synchronous>, transform_indices = @transform_6, window_bounds = array<i64: 128, 128>}, {pipeline_mode = #tpu.pipeline_mode<synchronous>, transform_indices = @transform_7, window_bounds = array<i64: 1, 128>}, {pipeline_mode = #tpu.pipeline_mode<synchronous>, transform_indices = @transform_8, window_bounds = array<i64: 1, 128>}, {pipeline_mode = #tpu.pipeline_mode<synchronous>, transform_indices = @transform_9, window_bounds = array<i64: 1, 128>}, {transform_indices = @transform_10, window_bounds = array<i64: 400, 128>}]} {
    %get3A = arith.constant 0 : index
    %get3A_0 = arith.constant 0 : index
    %get3A_1 = arith.constant 0 : index
    %get3A_2 = vector.load %arg3[%get3A, %get3A_0, %get3A_1] : memref<1x400x1xf32, #tpu.memory_space<vmem>>, vector<1x400x1xf32>
    %get3A_3 = vector.shape_cast %get3A_2 : vector<1x400x1xf32> to vector<400x1xf32>
    %get3A_4 = arith.constant 0 : index
    %get3A_5 = arith.constant 0 : index
    %get3A_6 = arith.constant 0 : index
    %get3A_7 = vector.load %arg4[%get3A_4, %get3A_5, %get3A_6] : memref<1x400x1xf32, #tpu.memory_space<vmem>>, vector<1x400x1xf32>
    %get3A_8 = vector.shape_cast %get3A_7 : vector<1x400x1xf32> to vector<400x1xf32>
    %add3A = arith.addf %get3A_3, %get3A_8 : vector<400x1xf32>
    %max3A = arith.constant 1.000000e+00 : f32
    %max3A_9 = vector.broadcast %max3A : f32 to vector<400x1xf32>
    %max3A_10 = arith.maximumf %add3A, %max3A_9 : vector<400x1xf32>
    %get3A_11 = arith.constant 0 : index
    %get3A_12 = arith.constant 0 : index
    %get3A_13 = arith.constant 0 : index
    %get3A_14 = vector.load %arg1[%get3A_11, %get3A_12, %get3A_13] : memref<1x400x128xf32, #tpu.memory_space<vmem>>, vector<1x400x128xf32>
    %get3A_15 = vector.shape_cast %get3A_14 : vector<1x400x128xf32> to vector<400x128xf32>
    %get3A_16 = arith.constant 0 : index
    %get3A_17 = arith.constant 0 : index
    %get3A_18 = arith.constant 0 : index
    %get3A_19 = vector.load %arg2[%get3A_16, %get3A_17, %get3A_18] : memref<1x400x128xf32, #tpu.memory_space<vmem>>, vector<1x400x128xf32>
    %get3A_20 = vector.shape_cast %get3A_19 : vector<1x400x128xf32> to vector<400x128xf32>
    %add3A_21 = arith.addf %get3A_15, %get3A_20 : vector<400x128xf32>
    %div3A = vector.broadcast %max3A_10 : vector<400x1xf32> to vector<400x128xf32>
    %div3A_22 = arith.divf %add3A_21, %div3A : vector<400x128xf32>
    %get3A_23 = arith.constant 0 : index
    %get3A_24 = arith.constant 0 : index
    %get3A_25 = vector.load %arg5[%get3A_23, %get3A_24] : memref<400x128xf32, #tpu.memory_space<vmem>>, vector<400x128xf32>
    %get3A_26 = arith.constant 0 : index
    %get3A_27 = arith.constant 0 : index
    %get3A_28 = vector.load %arg6[%get3A_26, %get3A_27] : memref<128x128xf32, #tpu.memory_space<vmem>>, vector<128x128xf32>
    %dot_general3A = arith.constant dense<0.000000e+00> : vector<400x128xf32>
    %dot_general3A_29 = tpu.matmul %div3A_22, %get3A_28, %dot_general3A {dimension_numbers = #tpu.dot_dimension_numbers<[1], [1], [0], [0], [0, 0, 1, 0], [], []>, transpose_lhs_hint = false} : vector<400x128xf32>, vector<128x128xf32>, vector<400x128xf32> -> vector<400x128xf32>
    %get3A_30 = arith.constant 0 : index
    %get3A_31 = arith.constant 0 : index
    %get3A_32 = vector.load %arg7[%get3A_30, %get3A_31] : memref<128x128xf32, #tpu.memory_space<vmem>>, vector<128x128xf32>
    %dot_general3A_33 = arith.constant dense<0.000000e+00> : vector<400x128xf32>
    %dot_general3A_34 = tpu.matmul %get3A_25, %get3A_32, %dot_general3A_33 {dimension_numbers = #tpu.dot_dimension_numbers<[1], [1], [0], [0], [0, 0, 1, 0], [], []>, transpose_lhs_hint = false} : vector<400x128xf32>, vector<128x128xf32>, vector<400x128xf32> -> vector<400x128xf32>
    %add3A_35 = arith.addf %dot_general3A_29, %dot_general3A_34 : vector<400x128xf32>
    %get3A_36 = arith.constant 0 : index
    %get3A_37 = arith.constant 0 : index
    %get3A_38 = vector.load %arg8[%get3A_36, %get3A_37] : memref<1x128xf32, #tpu.memory_space<vmem>>, vector<1x128xf32>
    %add3A_39 = vector.broadcast %get3A_38 : vector<1x128xf32> to vector<400x128xf32>
    %add3A_40 = arith.addf %add3A_35, %add3A_39 : vector<400x128xf32>
    %add3A_41 = arith.addf %add3A_40, %get3A_25 : vector<400x128xf32>
    %max3A_42 = arith.constant 0.000000e+00 : f32
    %max3A_43 = vector.broadcast %max3A_42 : f32 to vector<400x128xf32>
    %max3A_44 = arith.maximumf %add3A_41, %max3A_43 : vector<400x128xf32>
    %reduce_sum3A = arith.constant dense<0.000000e+00> : vector<400xf32>
    %reduce_sum3A_45 = vector.multi_reduction <add>, %max3A_44, %reduce_sum3A [1] : vector<400x128xf32> to vector<400xf32>
    %broadcast_in_dim3A = vector.shape_cast %reduce_sum3A_45 : vector<400xf32> to vector<400x1xf32>
    %div3A_46 = arith.constant 1.280000e+02 : f32
    %div3A_47 = vector.broadcast %div3A_46 : f32 to vector<400x1xf32>
    %div3A_48 = arith.divf %broadcast_in_dim3A, %div3A_47 : vector<400x1xf32>
    %sub3A = vector.broadcast %div3A_48 : vector<400x1xf32> to vector<400x128xf32>
    %sub3A_49 = arith.subf %max3A_44, %sub3A : vector<400x128xf32>
    %mul3A = arith.mulf %sub3A_49, %sub3A_49 : vector<400x128xf32>
    %reduce_sum3A_50 = arith.constant dense<0.000000e+00> : vector<400xf32>
    %reduce_sum3A_51 = vector.multi_reduction <add>, %mul3A, %reduce_sum3A_50 [1] : vector<400x128xf32> to vector<400xf32>
    %broadcast_in_dim3A_52 = vector.shape_cast %reduce_sum3A_51 : vector<400xf32> to vector<400x1xf32>
    %div3A_53 = arith.constant 1.280000e+02 : f32
    %div3A_54 = vector.broadcast %div3A_53 : f32 to vector<400x1xf32>
    %div3A_55 = arith.divf %broadcast_in_dim3A_52, %div3A_54 : vector<400x1xf32>
    %add3A_56 = arith.constant 9.99999974E-6 : f32
    %add3A_57 = vector.broadcast %add3A_56 : f32 to vector<400x1xf32>
    %add3A_58 = arith.addf %div3A_55, %add3A_57 : vector<400x1xf32>
    %rsqrt3A = math.rsqrt %add3A_58 : vector<400x1xf32>
    %mul3A_59 = vector.broadcast %rsqrt3A : vector<400x1xf32> to vector<400x128xf32>
    %mul3A_60 = arith.mulf %sub3A_49, %mul3A_59 : vector<400x128xf32>
    %get3A_61 = arith.constant 0 : index
    %get3A_62 = arith.constant 0 : index
    %get3A_63 = vector.load %arg9[%get3A_61, %get3A_62] : memref<1x128xf32, #tpu.memory_space<vmem>>, vector<1x128xf32>
    %mul3A_64 = vector.broadcast %get3A_63 : vector<1x128xf32> to vector<400x128xf32>
    %mul3A_65 = arith.mulf %mul3A_60, %mul3A_64 : vector<400x128xf32>
    %get3A_66 = arith.constant 0 : index
    %get3A_67 = arith.constant 0 : index
    %get3A_68 = vector.load %arg10[%get3A_66, %get3A_67] : memref<1x128xf32, #tpu.memory_space<vmem>>, vector<1x128xf32>
    %add3A_69 = vector.broadcast %get3A_68 : vector<1x128xf32> to vector<400x128xf32>
    %add3A_70 = arith.addf %mul3A_65, %add3A_69 : vector<400x128xf32>
    %swap3A = arith.constant 0 : index
    %swap3A_71 = arith.constant 0 : index
    %swap3A_72 = vector.load %arg11[%swap3A, %swap3A_71] : memref<400x128xf32, #tpu.memory_space<vmem>>, vector<400x128xf32>
    tpu.vector_store %arg11[%swap3A, %swap3A_71], %add3A_70 {strides = array<i32>} : memref<400x128xf32, #tpu.memory_space<vmem>>, vector<400x128xf32>,
    return
  }
  func.func @transform_0(%arg0: i32) -> (i32, i32, i32) {
    %c0_i32 = arith.constant 0 : i32
    %c0_i32_0 = arith.constant 0 : i32
    %c0_i32_1 = arith.constant 0 : i32
    return %c0_i32, %arg0, %c0_i32_0 : i32, i32, i32
  }
  func.func @transform_1(%arg0: i32) -> (i32, i32, i32) {
    %c1_i32 = arith.constant 1 : i32
    %c0_i32 = arith.constant 0 : i32
    %c0_i32_0 = arith.constant 0 : i32
    return %c1_i32, %arg0, %c0_i32 : i32, i32, i32
  }
  func.func @transform_2(%arg0: i32) -> (i32, i32, i32) {
    %c0_i32 = arith.constant 0 : i32
    %c0_i32_0 = arith.constant 0 : i32
    %c0_i32_1 = arith.constant 0 : i32
    return %c0_i32, %arg0, %c0_i32_0 : i32, i32, i32
  }
  func.func @transform_3(%arg0: i32) -> (i32, i32, i32) {
    %c1_i32 = arith.constant 1 : i32
    %c0_i32 = arith.constant 0 : i32
    %c0_i32_0 = arith.constant 0 : i32
    return %c1_i32, %arg0, %c0_i32 : i32, i32, i32
  }
  func.func @transform_4(%arg0: i32) -> (i32, i32) {
    %c0_i32 = arith.constant 0 : i32
    %c0_i32_0 = arith.constant 0 : i32
    return %arg0, %c0_i32 : i32, i32
  }
  func.func @transform_5(%arg0: i32) -> (i32, i32) {
    %c0_i32 = arith.constant 0 : i32
    %c0_i32_0 = arith.constant 0 : i32
    %c0_i32_1 = arith.constant 0 : i32
    return %c0_i32, %c0_i32_0 : i32, i32
  }
  func.func @transform_6(%arg0: i32) -> (i32, i32) {
    %c0_i32 = arith.constant 0 : i32
    %c0_i32_0 = arith.constant 0 : i32
    %c0_i32_1 = arith.constant 0 : i32
    return %c0_i32, %c0_i32_0 : i32, i32
  }
  func.func @transform_7(%arg0: i32) -> (i32, i32) {
    %c0_i32 = arith.constant 0 : i32
    %c0_i32_0 = arith.constant 0 : i32
    %c0_i32_1 = arith.constant 0 : i32
    return %c0_i32, %c0_i32_0 : i32, i32
  }
  func.func @transform_8(%arg0: i32) -> (i32, i32) {
    %c0_i32 = arith.constant 0 : i32
    %c0_i32_0 = arith.constant 0 : i32
    %c0_i32_1 = arith.constant 0 : i32
    return %c0_i32, %c0_i32_0 : i32, i32
  }
  func.func @transform_9(%arg0: i32) -> (i32, i32) {
    %c0_i32 = arith.constant 0 : i32
    %c0_i32_0 = arith.constant 0 : i32
    %c0_i32_1 = arith.constant 0 : i32
    return %c0_i32, %c0_i32_0 : i32, i32
  }
  func.func @transform_10(%arg0: i32) -> (i32, i32) {
    %c0_i32 = arith.constant 0 : i32
    %c0_i32_0 = arith.constant 0 : i32
    return %arg0, %c0_i32 : i32, i32
  }
}

</mosaic_0001>

<sc_bundles>
// kernel: kernel.4.cloned.1.call-start
scs
__scs_entry_jumppad:
0x0: {  	(pc) =	sbr.rel $0x88, $3  }
0x1: {  	(tag) =	ssettag $0x0;
	lr =	simm.s32 $0x1  }
0x2: {  	[smem:$0x3F9A] =	sst lr;
	_ =	strace $0xD0000000  }
0x3: {  	_ = 	snop  }
0x4: {  	_ = 	snop  }
0x5: {  	_ = 	snop  }
0x6: {  	_ = 	snop  }
0x7: {  	_ = 	snop  }
__scs_overlays_trampoline_lowered:
0x8: {  	[smem:$0x3FA9] =	sst s0  }
0x9: {  	[smem:$0x3FAA] =	sst s1  }
0xa: {  	[smem:$0x3FAB] =	sst s2  }
0xb: {  	[smem:$0x3FAC] =	sst s3  }
0xc: {  	[smem:$0x3FAD] =	sst s4  }
0xd: {  	[smem:$0x3FAE] =	sst s5  }
0xe: {  	[smem:$0x3FAF] =	sst s6  }
0xf: {  	[smem:$0x3FB0] =	sst s7  }
0x10: {  	[smem:$0x3FB1] =	sst s8  }
0x11: {  	[smem:$0x3FB2] =	sst s9;
	s0 =	simm.s32 @!p0 $0x0  }
0x12: {  	s1 =	sld [smem:$0x3F98];
	s0 =	simm.s32 @p0 $0x1  }
0x13: {  	[smem:$0x3FB3] =	sst s0;
	s0 =	simm.s32 @!p1 $0x0  }
0x14: {  	s2 =	sld [smem:$0x3F97];
	s0 =	simm.s32 @p1 $0x1  }
0x15: {  	[smem:$0x3FB4] =	sst s0;
	s0 =	simm.s32 @!p2 $0x0  }
0x16: {  	s3 =	sld [smem:$0x3FDB];
	s0 =	simm.s32 @p2 $0x1  }
0x17: {  	s4 =	simm.s32 $0x1BF5;
	[smem:$0x3FB6] =	sst s0  }
0x18: {  	s0 =	sld [smem:$0x3F99];
	_ =	swait.ge [sflag:s4], $0x0  }
0x19: {  	s7 =	sld [smem:$0x3F9A]  }
0x1a: {  	s8 =	sadd.s32 $0xFFFFE003, lr  }
0x1b: {  	s9 =	sadd.s32 $0xFFFFFEF7, lr;
	s5 =	simm.s32 $0xFFFFFFFF;
	p2 =	slt.u32 s8, $0xFFFFF086  }
0x1c: {  	p1 =	slt.u32 s9, $0xF7A;
	s5 =	simm.s32 @!p2 $0x0  }
0x1d: {  	s5 =	simm.s32 @p1 $0x1;
	p0 =	seq.s32 s7, s2  }
0x1e: {  	s7 =	smul.u32 @!p0 $0xF7A, s2;
	p2 =	seq.s32 @!p0 s5, $0x0  }
0x1f: {  	s9 =	smul.u32 $0xF7A, s1;
	s8 =	simm.s32 @!p0 $0x1BF5;
	p2 =	por !p2, p0  }
0x20: {  	[sflag:s8] =	ssyncset.s32 @!p0 $0xFFFFF086;
	s6 =	sadd.s32 @!p0 s3, s7;
	s7 =	simm.s32 @!p0 $0x108  }
0x21: {  	s3 =	sadd.s32 s3, s9;
	s6 =	sadd.s32 @!p0 $0x88, s6;
	s7 =	simm.s32 @p2 $0x1082  }
0x22: {  	[simem:s7], [sflag:s8] =	dma.local @!p0 [hbm:s6], $0xF7A  }
0x23: {  	s9 =	sor.u32 $0xD0000000, s2;
	s6 =	simm.s32 $0x108;
	_ =	swait.ge @!p0 [sflag:s8], $0x0  }
0x24: {  	s3 =	sadd.s32 $0x88, s3;
	s6 =	simm.s32 @!p1 $0x1082;
	[sflag:s4] =	ssyncset.s32 $0xFFFFF086  }
0x25: {  	[simem:s6], [sflag:s4] =	dma.local [hbm:s3], $0xF7A  }
0x26: {  	[smem:$0x3F9A] =	sst s1;
	(tag) =	ssettag s2;
	_ =	strace s9  }
0x27: {  	s1 =	sld [smem:$0x3FAA]  }
0x28: {  	s2 =	sld [smem:$0x3FAB]  }
0x29: {  	s4 =	sld [smem:$0x3FAD]  }
0x2a: {  	p0 =	seq.s32 s5, $0x0;
	s5 =	sld [smem:$0x3FAE]  }
0x2b: {  	s6 =	sld [smem:$0x3FAF]  }
0x2c: {  	s7 =	sld [smem:$0x3FB0]  }
0x2d: {  	s3 =	simm.s32 $0x108;
	s8 =	sld [smem:$0x3FB1]  }
0x2e: {  	s3 =	simm.s32 @!p0 $0x1082;
	s9 =	sld [smem:$0x3FB2]  }
0x2f: {  	lr =	sadd.s32 s0, s3;
	s0 =	sld [smem:$0x3FA9]  }
0x30: {  	s3 =	sld [smem:$0x3FAC]  }
0x31: {  	[smem:$0x3FB5] =	sst s10  }
0x32: {  	s10 =	sld [smem:$0x3FB3];
	_ =	sdelay $0x3  }
0x33: {  	p0 =	seq.s32 s10, $0x1;
	s10 =	sld [smem:$0x3FB5];
	_ =	sdelay $0x3  }
0x34: {  	[smem:$0x3FB5] =	sst s10  }
0x35: {  	s10 =	sld [smem:$0x3FB4];
	_ =	sdelay $0x3  }
0x36: {  	p1 =	seq.s32 s10, $0x1;
	s10 =	sld [smem:$0x3FB5];
	_ =	sdelay $0x3  }
0x37: {  	[smem:$0x3FB5] =	sst s10  }
0x38: {  	s10 =	sld [smem:$0x3FB6]  }
0x39: {  	_ = 	snop;
	(pc) =	sbr.ind lr, $3  }
0x3a: {  	_ = 	snop  }
0x3b: {  	_ = 	snop  }
0x3c: {  	p2 =	seq.s32 s10, $0x1;
	s10 =	sld [smem:$0x3FB5]  }
0x3d: {  	_ =	shalt  }
0x3e: {  	_ =	shalt  }
0x3f: {  	_ =	shalt  }
0x40: {  	_ =	shalt  }
0x41: {  	_ =	shalt  }
0x42: {  	_ =	shalt  }
0x43: {  	_ =	shalt  }
0x44: {  	_ =	shalt  }
0x45: {  	_ =	shalt  }
0x46: {  	_ =	shalt  }
0x47: {  	_ =	shalt  }
0x48: {  	_ =	shalt  }
0x49: {  	_ =	shalt  }
0x4a: {  	_ =	shalt  }
0x4b: {  	_ =	shalt  }
0x4c: {  	_ =	shalt  }
0x4d: {  	_ =	shalt  }
0x4e: {  	_ =	shalt  }
0x4f: {  	_ =	shalt  }
0x50: {  	_ =	shalt  }
0x51: {  	_ =	shalt  }
0x52: {  	_ =	shalt  }
0x53: {  	_ =	shalt  }
0x54: {  	_ =	shalt  }
0x55: {  	_ =	shalt  }
0x56: {  	_ =	shalt  }
0x57: {  	_ =	shalt  }
0x58: {  	_ =	shalt  }
0x59: {  	_ =	shalt  }
0x5a: {  	_ =	shalt  }
0x5b: {  	_ =	shalt  }
0x5c: {  	_ =	shalt  }
0x5d: {  	_ =	shalt  }
0x5e: {  	_ =	shalt  }
0x5f: {  	_ =	shalt  }
0x60: {  	_ =	shalt  }
0x61: {  	_ =	shalt  }
0x62: {  	_ =	shalt  }
0x63: {  	_ =	shalt  }
0x64: {  	_ =	shalt  }
0x65: {  	_ =	shalt  }
0x66: {  	_ =	shalt  }
0x67: {  	_ =	shalt  }
0x68: {  	_ =	shalt  }
0x69: {  	_ =	shalt  }
0x6a: {  	_ =	shalt  }
0x6b: {  	_ =	shalt  }
0x6c: {  	_ =	shalt  }
0x6d: {  	_ =	shalt  }
0x6e: {  	_ =	shalt  }
0x6f: {  	_ =	shalt  }
0x70: {  	_ =	shalt  }
0x71: {  	_ =	shalt  }
0x72: {  	_ =	shalt  }
0x73: {  	_ =	shalt  }
0x74: {  	_ =	shalt  }
0x75: {  	_ =	shalt  }
0x76: {  	_ =	shalt  }
0x77: {  	_ =	shalt  }
0x78: {  	_ =	shalt  }
0x79: {  	_ =	shalt  }
0x7a: {  	_ =	shalt  }
0x7b: {  	_ =	shalt  }
0x7c: {  	_ =	shalt  }
0x7d: {  	_ =	shalt  }
0x7e: {  	_ =	shalt  }
0x7f: {  	_ =	shalt  }
0x80: {  	_ =	shalt  }
0x81: {  	_ =	shalt  }
0x82: {  	_ =	shalt  }
0x83: {  	_ =	shalt  }
0x84: {  	_ =	shalt  }
0x85: {  	_ =	shalt  }
0x86: {  	_ =	shalt  }
0x87: {  	_ =	shalt  }
.Lfunc_end0:
.L_simem_size_0:
called_computation_lowered:
.L_overlay_start_0:
0x88: {  	s2 =	sld [smem:$0x3FD9]  }
0x89: {  	s3 =	sld [smem:$0x3FFE];
	_ =	sdelay $0x1  }
0x8a: {  	s1 =	srdreg.scid  }
0x8b: {  	s0 =	sand.u32 $0x1, s1  }
0x8c: {  	s17 =	sshll.u32 s0, $0xA;
	s2 =	sadd.s32 s3, s2  }
0x8d: {  	s2 =	sadd.s32 s2, s17  }
0x8e: {  	[smem:$0x3FC1] =	sst s2  }
0x8f: {  	_ = 	snop  }
0x90: {  	s2 =	sld [smem:$0x3FC9]  }
0x91: {  	s18 =	sld [smem:$0x3FD0];
	(tm) =	ssettm $0x1  }
0x92: {  	s4 =	sld [smem:$0x3FFB];
	_ =	sdelay $0x3  }
0x93: {  	_ =	strace s4  }
0x94: {  	s4 =	sld [smem:$0x3FFC];
	_ =	sdelay $0x3  }
0x95: {  	_ =	strace s4  }
0x96: {  	s4 =	sld [smem:$0x3FFD];
	_ =	sdelay $0x3  }
0x97: {  	_ =	strace s4  }
0x98: {  	_ =	strace $0x8FFFFFFF  }
0x99: {  	s19 =	sld [smem:$0x3FDB];
	_ =	sdelay $0x1  }
0x9a: {  	s5 =	simm.s32 $_scs_section_size  }
0x9b: {  	s6 =	simm.s32 $_size__tile_overlayer_lowered;
	s7 =	simm.s32 $_tile_overlayer_lowered  }
0x9c: {  	s22 =	simm.s32 $0x1BFF;
	s21 =	sshll.u32 s7, $0x1;
	s4 =	sadd.s32 s5, s19  }
0x9d: {  	s8 =	simm.s32 $0x0;
	s20 =	sshll.u32 s6, $0x1;
	s6 =	sadd.s32 s21, s4  }
0x9e: {  	[timem:s8], [sflag:s22] =	dma.local [hbm:s6], s20  }
0x9f: {  	_ =	swait.ge [sflag:s22], s20  }
0xa0: {  	s5 =	ssub.s32 $0x0, s20;
	[sflag:s22] =	ssyncset.done $0x0  }
0xa1: {  	[sflag:s22] =	ssyncadd.s32 s5;
	_ =	sdelay $0x1  }
0xa2: {  	s23 =	simm.s32 $0x1B8B  }
0xa3: {  	_ =	swait.ge [sflag:s23], $0x1  }
0xa4: {  	[sflag:s23] =	ssyncset.done $0x0  }
0xa5: {  	s25 =	simm.s32 $0x1B8E;
	s24 =	sld [smem:$0x3FFE];
	[sflag:s23] =	ssyncadd.s32 $0xFFFFFFFF  }
0xa6: {  	s26 =	simm.s32 $execute0_lowered;
	[smem:$0x3FD2] =	sst s25  }
0xa7: {  	s6 =	sshll.u32 s26, $0x1;
	_ =	strace $0x80000046;
	[dreg:$0x1] =	wrdreg $0xFFFFFFFF  }
0xa8: {  	s28 =	simm.s32 $_size_execute0_lowered;
	s4 =	sadd.s32 s4, s6;
	[dreg:$0x0] =	wrdreg $0x0  }
0xa9: {  	s6 =	sshll.u32 s28, $0x1;
	[dreg:$0x2] =	wrdreg s4  }
0xaa: {  	[dreg:$0x3] =	wrdreg s6  }
0xab: {  	[dreg:$0x4] =	wrdreg $0xC0  }
0xac: {  	_ =	task [dreg:s8], $0x5FFFF  }
0xad: {  	[dreg:$0x1] =	wrdreg $0xFFFFFFFF  }
0xae: {  	[dreg:$0x0] =	wrdreg $0x60  }
0xaf: {  	[dreg:$0x2] =	wrdreg s2  }
0xb0: {  	[dreg:$0x3] =	wrdreg s24  }
0xb1: {  	[dreg:$0x4] =	wrdreg s18  }
0xb2: {  	[dreg:$0x5] =	wrdreg $0x88800  }
0xb3: {  	[dreg:$0x6] =	wrdreg $0x1C4800  }
0xb4: {  	[dreg:$0x7] =	wrdreg $0x9  }
0xb5: {  	_ =	task.clear_ibuf [dreg:s8], $0x8FFFF;
	_ =	strace $0x90000046  }
0xb6: {  	s29 =	simm.s32 $0x9;
	_ =	strace $0x80000048  }
0xb7: {  	_ =	swait.ge [sflag:s29], $0x1  }
0xb8: {  	[sflag:s29] =	ssyncadd.s32 $0xFFFFFFFF  }
0xb9: {  	_ =	strace $0x90000048  }
0xba: {  	_ =	sfence  }
0xbb: {  	s30 =	sld [smem:$0x0];
	_ =	sdelay $0x2  }
0xbc: {  	s31 =	sshll.u32 s1, $0xD;
	s1 =	sshrl.u32 s1, $0x2  }
0xbd: {  	s3 =	sand.u32 $0x4000, s31;
	s1 =	sadd.s32 s1, s30  }
0xbe: {  	s0 =	sor.u32 s3, s0;
	s1 =	sshll.u32 s1, $0x11  }
0xbf: {  	s0 =	sor.u32 s1, s0  }
0xc0: {  	s0 =	sadd.s32 $0x8F2B, s0  }
0xc1: {  	[sflag:s0] =	ssyncadd.remote.s32 $0x1  }
0xc2: {  	_ =	sfence.sel $0xFFFF  }
0xc3: {  	[dreg:$0x0] =	wrdreg $0xFFFFFFFF;
	(pc) =	sbr.abs _section_cstart, $3  }
0xc4: {  	[dreg:$0x1] =	wrdreg $0xFFFFFFFF  }
0xc5: {  	_ =	task.clear_ibuf [dreg:s8], $0x2FFFF;
	_ =	strace $0x9FFFFFFF  }
0xc6: {  	(tm) =	ssettm $0x7FFFFFFF  }
0xc7: {  	_ =	shalt  }
tec
execute0_lowered:
.L_overlay_start_1:
0x0: {  	(tag) =	ssettag $0x1  }
0x1: {  	s1 =	rddreg [dreg:$0x0]  }
0x2: {  	s0 =	rddreg [dreg:$0x1]  }
0x3: {  	s5 =	rddreg [dreg:$0x2]  }
0x4: {  	s2 =	rddreg [dreg:$0x3]  }
0x5: {  	s3 =	rddreg [dreg:$0x4];
	s6 =	srdreg.scid;
	s4 =	simm.s32 $0x0  }
0x6: {  	s16 =	stileid.u32;
	s28 =	simm.s32 $0x80;
	s29 =	simm.s32 $0x100  }
0x7: {  	s30 =	simm.s32 $0x180;
	s31 =	simm.s32 $0x200;
	s6 =	sand.u32 $0x1, s6  }
0x8: {  	[smem:$0x7FF] =	sst s4;
	s10 =	smul.u32 $0x270, s16;
	s11 =	sadd.s32 $0xCA00, s0  }
0x9: {  	s19 =	sadd.s32 $0xDC00, s0;
	s13 =	sadd.s32 $0xD200, s0;
	s7 =	smul.u32 $0x5000, s6  }
0xa: {  	_ =	strace $0x80000047;
	s8 =	smul.u32 $0x2710, s6;
	s6 =	ssub.s32 $0x2, s6  }
0xb: {  	[dreg:$0x9] =	wrdreg s11;
	s11 =	simm.s32 $0x5;
	s12 =	sshrl.u32 s6, $0x1  }
0xc: {  	s9 =	sadd.s32 s7, s0;
	s6 =	ssub.s32 s6, s12;
	s10 =	sadd.s32 s10, s8  }
0xd: {  	s8 =	sadd.s32 $0x2700, s8;
	s5 =	sadd.s32 s7, s5;
	s20 =	sshll.u32 s10, $0x4  }
0xe: {  	s14 =	sshrl.u32 s10, $0x3;
	s15 =	sadd.s32 $0x80, s10;
	s24 =	sadd.s32 $0x100, s10  }
0xf: {  	s18 =	sshll.u32 s8, $0x4;
	s8 =	sshrl.u32 s8, $0x3;
	s6 =	smax.u32 s6, $0x1  }
0x10: {  	s12 =	sadd.s32 s19, s20;
	s21 =	sadd.s32 s13, s14;
	s22 =	sshll.u32 s15, $0x4  }
0x11: {  	s23 =	sshrl.u32 s15, $0x3;
	s25 =	sshll.u32 s24, $0x4;
	[dreg:$0x1a] =	wrdreg s6  }
0x12: {  	s14 =	sshrl.u32 s24, $0x3;
	s8 =	sadd.s32 s13, s8;
	[dreg:$0xa] =	wrdreg s12  }
0x13: {  	s20 =	sadd.s32 $0xC800, s0;
	s6 =	simm.s32 $0x1;
	[dreg:$0xb] =	wrdreg s21  }
0x14: {  	s12 =	sadd.s32 s19, s22;
	s26 =	sadd.s32 s13, s14;
	[dreg:$0x15] =	wrdreg s8  }
0x15: {  	s14 =	sadd.s32 $0x180, s10;
	s10 =	sadd.s32 $0x200, s10;
	[dreg:$0x16] =	wrdreg s20  }
0x16: {  	s21 =	sshll.u32 s16, $0x7;
	s8 =	simm.s32 $0x4;
	[dreg:$0xc] =	wrdreg s12  }
0x17: {  	s12 =	sadd.s32 s13, s23;
	[dreg:$0xf] =	wrdreg s26;
	s15 =	sshll.u32 s14, $0x4  }
0x18: {  	s17 =	sshll.u32 s10, $0x4;
	s10 =	sshrl.u32 s10, $0x3;
	s7 =	sadd.s32 s21, s0  }
0x19: {  	s0 =	sadd.s32 $0xC600, s0;
	s26 =	simm.s32 $0x300;
	[dreg:$0xd] =	wrdreg s12  }
0x1a: {  	s21 =	simm.s32 $0x0;
	s12 =	sadd.s32 s19, s25;
	[dreg:$0x17] =	wrdreg s0  }
0x1b: {  	s10 =	sadd.s32 s13, s10;
	s24 =	sadd.s32 $0x1E00, s7;
	[dreg:$0x8] =	wrdreg s26  }
0x1c: {  	s7 =	sadd.s32 $0x1600, s7;
	s26 =	simm.s32 $0x8800;
	[dreg:$0xe] =	wrdreg s12  }
0x1d: {  	s0 =	simm.s32 $0x400;
	s12 =	sshrl.u32 s14, $0x3;
	[dreg:$0x13] =	wrdreg s10  }
0x1e: {  	s14 =	sadd.s32 s19, s15;
	s10 =	sadd.s32 s19, s18;
	[dreg:$0x18] =	wrdreg s24  }
0x1f: {  	[dreg:$0x19] =	wrdreg s7;
	s24 =	simm.s32 $0x800;
	s7 =	simm.s32 $0x3  }
0x20: {  	s15 =	simm.s32 $0x600;
	s18 =	simm.s32 $0x700;
	[dreg:$0x10] =	wrdreg s14  }
0x21: {  	s12 =	sadd.s32 s13, s12;
	[dreg:$0x14] =	wrdreg s10;
	s10 =	simm.s32 $0x480  }
0x22: {  	s13 =	simm.s32 $0x580;
	s14 =	simm.s32 $0x280;
	[dreg:$0x11] =	wrdreg s12  }
0x23: {  	s12 =	sadd.s32 s19, s17;
	s19 =	smul.u32 $0x500, s16;
	s16 =	simm.s32 $0x680  }
0x24: {  	s17 =	simm.s32 $0x380;
	[dreg:$0x12] =	wrdreg s12;
	s12 =	simm.s32 $0x500  }
0x25: {  	s22 =	sadd.s32 s19, s5;
	s23 =	sadd.s32 s19, s9;
	s5 =	simm.s32 $0x4800  }
0x26: {  	s9 =	simm.s32 $0x2;
	[dreg:$0x6] =	wrdreg s22;
	s25 =	sadd.s32 $0x2600, s23  }
0x27: {  	s19 =	simm.s32 $0x780;
	[dreg:$0x7] =	wrdreg s25;
	s25 =	simm.s32 $0x6  }
.LBB2_1:
0x28: {  	[dreg:$0x1b] =	wrdreg s21  }
0x29: {  	s20 =	rddreg [dreg:$0x9]  }
0x2a: {  	[tilespmem:s24], [sflag:$0x6] =	stream.linear.gather [hbm4b:s20+s4], $0x4000, $0x38;
	[tilespmem:$0x1C6F8] =	vst v63  }
0x2b: {  	_ =	swait.ge [sflag:s25], $0x4000  }
0x2c: {  	[sflag:s25] =	ssyncset.done $0x0  }
0x2d: {  	s21 =	rddreg [dreg:$0x16];
	[sflag:s25] =	ssyncadd.s32 $0xFFFFC000  }
0x2e: {  	[tilespmem:s26], [sflag:$0x6] =	stream.linear.gather [hbm4b:s21+s4], $0x80, $0x38;
	[tilespmem:$0x1C6F8] =	vst v63  }
0x2f: {  	_ =	swait.ge [sflag:s25], $0x80  }
0x30: {  	[sflag:s25] =	ssyncset.done $0x0  }
0x31: {  	s22 =	rddreg [dreg:$0x18];
	[sflag:s25] =	ssyncadd.s32 $0xFFFFFF80  }
0x32: {  	[tilespmem:s4], [sflag:$0x6] =	stream.linear.gather [hbm4b:s22+s4], $0x280, $0x38;
	[tilespmem:$0x1C6F8] =	vst v63  }
0x33: {  	_ =	swait.ge [sflag:s25], $0x280  }
0x34: {  	[sflag:s25] =	ssyncset.done $0x0  }
0x35: {  	[sflag:s25] =	ssyncadd.s32 $0xFFFFFD80  }
0x36: {  	[spmem:s2] =	stream.indirect.scatter [tilespmem:s24], [sflag:$0x6], $0x80, s4, s28, $0xb8;
	[tilespmem:$0x1C6F8] =	vst v63  }
0x37: {  	_ =	swait.ge [sflag:s25], $0x4000  }
0x38: {  	[sflag:s25] =	ssyncset.done $0x0  }
0x39: {  	[sflag:s25] =	ssyncadd.s32 $0xFFFFC000  }
0x3a: {  	[spmem:s3] =	stream.indirect.scatter [tilespmem:s26], [sflag:$0x6], $0x1, s4, s28, $0xb8;
	[tilespmem:$0x1C6F8] =	vst v63  }
0x3b: {  	_ =	swait.ge [sflag:s25], $0x80  }
0x3c: {  	[sflag:s25] =	ssyncset.done $0x0  }
0x3d: {  	[sflag:s25] =	ssyncadd.s32 $0xFFFFFF80  }
0x3e: {  	[spmem:s2] =	stream.indirect.scatter [tilespmem:s24], [sflag:$0x6], $0x80, s28, s28, $0xb8;
	[tilespmem:$0x1C6F8] =	vst v63  }
0x3f: {  	_ =	swait.ge [sflag:s25], $0x4000  }
0x40: {  	[sflag:s25] =	ssyncset.done $0x0  }
0x41: {  	[sflag:s25] =	ssyncadd.s32 $0xFFFFC000  }
0x42: {  	[spmem:s3] =	stream.indirect.scatter [tilespmem:s26], [sflag:$0x6], $0x1, s28, s28, $0xb8;
	[tilespmem:$0x1C6F8] =	vst v63  }
0x43: {  	_ =	swait.ge [sflag:s25], $0x80  }
0x44: {  	[sflag:s25] =	ssyncset.done $0x0  }
0x45: {  	[sflag:s25] =	ssyncadd.s32 $0xFFFFFF80  }
0x46: {  	[spmem:s2] =	stream.indirect.scatter [tilespmem:s24], [sflag:$0x6], $0x80, s29, s28, $0xb8;
	[tilespmem:$0x1C6F8] =	vst v63  }
0x47: {  	_ =	swait.ge [sflag:s25], $0x4000  }
0x48: {  	[sflag:s25] =	ssyncset.done $0x0  }
0x49: {  	[sflag:s25] =	ssyncadd.s32 $0xFFFFC000  }
0x4a: {  	[spmem:s3] =	stream.indirect.scatter [tilespmem:s26], [sflag:$0x6], $0x1, s29, s28, $0xb8;
	[tilespmem:$0x1C6F8] =	vst v63  }
0x4b: {  	_ =	swait.ge [sflag:s25], $0x80  }
0x4c: {  	[sflag:s25] =	ssyncset.done $0x0  }
0x4d: {  	[sflag:s25] =	ssyncadd.s32 $0xFFFFFF80  }
0x4e: {  	[spmem:s2] =	stream.indirect.scatter [tilespmem:s24], [sflag:$0x6], $0x80, s30, s28, $0xb8;
	[tilespmem:$0x1C6F8] =	vst v63  }
0x4f: {  	_ =	swait.ge [sflag:s25], $0x4000  }
0x50: {  	[sflag:s25] =	ssyncset.done $0x0  }
0x51: {  	[sflag:s25] =	ssyncadd.s32 $0xFFFFC000  }
0x52: {  	[spmem:s3] =	stream.indirect.scatter [tilespmem:s26], [sflag:$0x6], $0x1, s30, s28, $0xb8;
	[tilespmem:$0x1C6F8] =	vst v63  }
0x53: {  	_ =	swait.ge [sflag:s25], $0x80  }
0x54: {  	[sflag:s25] =	ssyncset.done $0x0  }
0x55: {  	[sflag:s25] =	ssyncadd.s32 $0xFFFFFF80  }
0x56: {  	[spmem:s2] =	stream.indirect.scatter [tilespmem:s24], [sflag:$0x6], $0x80, s31, s28, $0xb8;
	[tilespmem:$0x1C6F8] =	vst v63  }
0x57: {  	_ =	swait.ge [sflag:s25], $0x4000  }
0x58: {  	[sflag:s25] =	ssyncset.done $0x0  }
0x59: {  	[sflag:s25] =	ssyncadd.s32 $0xFFFFC000  }
0x5a: {  	[spmem:s3] =	stream.indirect.scatter [tilespmem:s26], [sflag:$0x6], $0x1, s31, s28, $0xb8;
	[tilespmem:$0x1C6F8] =	vst v63  }
0x5b: {  	_ =	swait.ge [sflag:s25], $0x80  }
0x5c: {  	[sflag:s25] =	ssyncset.done $0x0  }
0x5d: {  	s23 =	rddreg [dreg:$0x17];
	[sflag:s25] =	ssyncadd.s32 $0xFFFFFF80  }
0x5e: {  	[tilespmem:s26], [sflag:$0x6] =	stream.linear.gather [hbm4b:s23+s4], $0x80, $0x38;
	[tilespmem:$0x1C6F8] =	vst v63  }
0x5f: {  	_ =	swait.ge [sflag:s25], $0x80  }
0x60: {  	[sflag:s25] =	ssyncset.done $0x0  }
0x61: {  	[sflag:s25] =	ssyncadd.s32 $0xFFFFFF80  }
0x62: {  	[bflag:$0x0] =	sbarrier.arrive $0xFFFF  }
0x63: {  	s20 =	rddreg [dreg:$0x7]  }
0x64: {  	s21 =	sadd.s32 $0x0, s20  }
0x65: {  	[tilespmem:s4], [sflag:$0x6] =	stream.linear.gather [hbm4b:s21+s4], $0x400, $0x38;
	[tilespmem:$0x1C6F8] =	vst v63  }
0x66: {  	_ =	swait.ge [sflag:s25], $0x400  }
0x67: {  	s22 =	rddreg [dreg:$0x6];
	[sflag:s25] =	ssyncset.done $0x0  }
0x68: {  	[sflag:s25] =	ssyncadd.s32 $0xFFFFFC00;
	s21 =	sadd.s32 $0x0, s22  }
0x69: {  	[tilespmem:s0], [sflag:$0x6] =	stream.linear.gather [hbm4b:s21+s4], $0x400, $0x38;
	[tilespmem:$0x1C6F8] =	vst v63  }
0x6a: {  	_ =	swait.ge [sflag:s25], $0x400  }
0x6b: {  	[sflag:s25] =	ssyncset.done $0x0  }
0x6c: {  	[sflag:s25] =	ssyncadd.s32 $0xFFFFFC00  }
0x6d: {  	[tilespmem:s24], [sflag:$0x1] =	stream.indirect.gather [hbm4b:s1+s28], $0x80, s4, s28, $0xb8;
	[tilespmem:$0x1C6F8] =	vst v63  }
0x6e: {  	_ = 	snop  }
0x6f: {  	[tilespmem:s5], [sflag:$0x2] =	stream.indirect.gather [hbm4b:s1+s28], $0x80, s28, s28, $0xb8;
	[tilespmem:$0x1C6F8] =	vst v63  }
0x70: {  	_ =	swait.ge [sflag:s6], $0x4000  }
0x71: {  	[sflag:s6] =	ssyncset.done $0x0  }
0x72: {  	[sflag:s6] =	ssyncadd.s32 $0xFFFFC000  }
0x73: {  	[spmem:s3] =	stream.indirect.scatter.add.f32 [tilespmem:s26], [sflag:$0x3], $0x1, s0, s28, $0xb8;
	[tilespmem:$0x1C6F8] =	vst v63  }
0x74: {  	_ = 	snop  }
0x75: {  	[spmem:s2] =	stream.indirect.scatter.add.f32 [tilespmem:s24], [sflag:$0x4], $0x80, s0, s28, $0xb8;
	[tilespmem:$0x1C6F8] =	vst v63  }
0x76: {  	_ =	swait.ge [sflag:s7], $0x80  }
0x77: {  	[sflag:s7] =	ssyncset.done $0x0  }
0x78: {  	[sflag:s7] =	ssyncadd.s32 $0xFFFFFF80  }
0x79: {  	_ =	swait.ge [sflag:s8], $0x4000  }
0x7a: {  	[sflag:s8] =	ssyncset.done $0x0  }
0x7b: {  	[sflag:s8] =	ssyncadd.s32 $0xFFFFC000  }
0x7c: {  	[tilespmem:s24], [sflag:$0x1] =	stream.indirect.gather [hbm4b:s1+s28], $0x80, s29, s28, $0xb8;
	[tilespmem:$0x1C6F8] =	vst v63  }
0x7d: {  	_ =	swait.ge [sflag:s9], $0x4000  }
0x7e: {  	[sflag:s9] =	ssyncset.done $0x0  }
0x7f: {  	[sflag:s9] =	ssyncadd.s32 $0xFFFFC000  }
0x80: {  	[spmem:s3] =	stream.indirect.scatter.add.f32 [tilespmem:s26], [sflag:$0x3], $0x1, s10, s28, $0xb8;
	[tilespmem:$0x1C6F8] =	vst v63  }
0x81: {  	_ = 	snop  }
0x82: {  	[spmem:s2] =	stream.indirect.scatter.add.f32 [tilespmem:s5], [sflag:$0x5], $0x80, s10, s28, $0xb8;
	[tilespmem:$0x1C6F8] =	vst v63  }
0x83: {  	_ =	swait.ge [sflag:s7], $0x80  }
0x84: {  	[sflag:s7] =	ssyncset.done $0x0  }
0x85: {  	[sflag:s7] =	ssyncadd.s32 $0xFFFFFF80  }
0x86: {  	_ =	swait.ge [sflag:s11], $0x4000  }
0x87: {  	[sflag:s11] =	ssyncset.done $0x0  }
0x88: {  	[sflag:s11] =	ssyncadd.s32 $0xFFFFC000  }
0x89: {  	[tilespmem:s5], [sflag:$0x2] =	stream.indirect.gather [hbm4b:s1+s28], $0x80, s30, s28, $0xb8;
	[tilespmem:$0x1C6F8] =	vst v63  }
0x8a: {  	_ =	swait.ge [sflag:s6], $0x4000  }
0x8b: {  	[sflag:s6] =	ssyncset.done $0x0  }
0x8c: {  	[sflag:s6] =	ssyncadd.s32 $0xFFFFC000  }
0x8d: {  	[spmem:s3] =	stream.indirect.scatter.add.f32 [tilespmem:s26], [sflag:$0x3], $0x1, s12, s28, $0xb8;
	[tilespmem:$0x1C6F8] =	vst v63  }
0x8e: {  	_ = 	snop  }
0x8f: {  	[spmem:s2] =	stream.indirect.scatter.add.f32 [tilespmem:s24], [sflag:$0x4], $0x80, s12, s28, $0xb8;
	[tilespmem:$0x1C6F8] =	vst v63  }
0x90: {  	_ =	swait.ge [sflag:s7], $0x80  }
0x91: {  	[sflag:s7] =	ssyncset.done $0x0  }
0x92: {  	[sflag:s7] =	ssyncadd.s32 $0xFFFFFF80  }
0x93: {  	_ =	swait.ge [sflag:s8], $0x4000  }
0x94: {  	[sflag:s8] =	ssyncset.done $0x0  }
0x95: {  	[sflag:s8] =	ssyncadd.s32 $0xFFFFC000  }
0x96: {  	[tilespmem:s24], [sflag:$0x1] =	stream.indirect.gather [hbm4b:s1+s28], $0x80, s31, s28, $0xb8;
	[tilespmem:$0x1C6F8] =	vst v63  }
0x97: {  	_ =	swait.ge [sflag:s9], $0x4000  }
0x98: {  	[sflag:s9] =	ssyncset.done $0x0  }
0x99: {  	[sflag:s9] =	ssyncadd.s32 $0xFFFFC000  }
0x9a: {  	[spmem:s3] =	stream.indirect.scatter.add.f32 [tilespmem:s26], [sflag:$0x3], $0x1, s13, s28, $0xb8;
	[tilespmem:$0x1C6F8] =	vst v63  }
0x9b: {  	_ = 	snop  }
0x9c: {  	[spmem:s2] =	stream.indirect.scatter.add.f32 [tilespmem:s5], [sflag:$0x5], $0x80, s13, s28, $0xb8;
	[tilespmem:$0x1C6F8] =	vst v63  }
0x9d: {  	_ =	swait.ge [sflag:s7], $0x80  }
0x9e: {  	[sflag:s7] =	ssyncset.done $0x0  }
0x9f: {  	[sflag:s7] =	ssyncadd.s32 $0xFFFFFF80  }
0xa0: {  	_ =	swait.ge [sflag:s11], $0x4000  }
0xa1: {  	[sflag:s11] =	ssyncset.done $0x0  }
0xa2: {  	[sflag:s11] =	ssyncadd.s32 $0xFFFFC000  }
0xa3: {  	[tilespmem:s5], [sflag:$0x2] =	stream.indirect.gather [hbm4b:s1+s28], $0x80, s14, s28, $0xb8;
	[tilespmem:$0x1C6F8] =	vst v63  }
0xa4: {  	_ =	swait.ge [sflag:s6], $0x4000  }
0xa5: {  	[sflag:s6] =	ssyncset.done $0x0  }
0xa6: {  	[sflag:s6] =	ssyncadd.s32 $0xFFFFC000  }
0xa7: {  	[spmem:s3] =	stream.indirect.scatter.add.f32 [tilespmem:s26], [sflag:$0x3], $0x1, s15, s28, $0xb8;
	[tilespmem:$0x1C6F8] =	vst v63  }
0xa8: {  	_ = 	snop  }
0xa9: {  	[spmem:s2] =	stream.indirect.scatter.add.f32 [tilespmem:s24], [sflag:$0x4], $0x80, s15, s28, $0xb8;
	[tilespmem:$0x1C6F8] =	vst v63  }
0xaa: {  	_ =	swait.ge [sflag:s7], $0x80  }
0xab: {  	[sflag:s7] =	ssyncset.done $0x0  }
0xac: {  	[sflag:s7] =	ssyncadd.s32 $0xFFFFFF80  }
0xad: {  	_ =	swait.ge [sflag:s8], $0x4000  }
0xae: {  	[sflag:s8] =	ssyncset.done $0x0  }
0xaf: {  	s23 =	rddreg [dreg:$0x8];
	[sflag:s8] =	ssyncadd.s32 $0xFFFFC000  }
0xb0: {  	[tilespmem:s24], [sflag:$0x1] =	stream.indirect.gather [hbm4b:s1+s28], $0x80, s23, s28, $0xb8;
	[tilespmem:$0x1C6F8] =	vst v63  }
0xb1: {  	_ =	swait.ge [sflag:s9], $0x4000  }
0xb2: {  	[sflag:s9] =	ssyncset.done $0x0  }
0xb3: {  	[sflag:s9] =	ssyncadd.s32 $0xFFFFC000  }
0xb4: {  	[spmem:s3] =	stream.indirect.scatter.add.f32 [tilespmem:s26], [sflag:$0x3], $0x1, s16, s28, $0xb8;
	[tilespmem:$0x1C6F8] =	vst v63  }
0xb5: {  	_ = 	snop  }
0xb6: {  	[spmem:s2] =	stream.indirect.scatter.add.f32 [tilespmem:s5], [sflag:$0x5], $0x80, s16, s28, $0xb8;
	[tilespmem:$0x1C6F8] =	vst v63  }
0xb7: {  	_ =	swait.ge [sflag:s7], $0x80  }
0xb8: {  	[sflag:s7] =	ssyncset.done $0x0  }
0xb9: {  	[sflag:s7] =	ssyncadd.s32 $0xFFFFFF80  }
0xba: {  	_ =	swait.ge [sflag:s11], $0x4000  }
0xbb: {  	[sflag:s11] =	ssyncset.done $0x0  }
0xbc: {  	[sflag:s11] =	ssyncadd.s32 $0xFFFFC000  }
0xbd: {  	[tilespmem:s5], [sflag:$0x2] =	stream.indirect.gather [hbm4b:s1+s28], $0x80, s17, s28, $0xb8;
	[tilespmem:$0x1C6F8] =	vst v63  }
0xbe: {  	_ =	swait.ge [sflag:s6], $0x4000  }
0xbf: {  	[sflag:s6] =	ssyncset.done $0x0  }
0xc0: {  	[sflag:s6] =	ssyncadd.s32 $0xFFFFC000  }
0xc1: {  	[spmem:s3] =	stream.indirect.scatter.add.f32 [tilespmem:s26], [sflag:$0x3], $0x1, s18, s28, $0xb8;
	[tilespmem:$0x1C6F8] =	vst v63  }
0xc2: {  	_ = 	snop  }
0xc3: {  	[spmem:s2] =	stream.indirect.scatter.add.f32 [tilespmem:s24], [sflag:$0x4], $0x80, s18, s28, $0xb8;
	[tilespmem:$0x1C6F8] =	vst v63  }
0xc4: {  	_ =	swait.ge [sflag:s7], $0x80  }
0xc5: {  	[sflag:s7] =	ssyncset.done $0x0  }
0xc6: {  	[sflag:s7] =	ssyncadd.s32 $0xFFFFFF80  }
0xc7: {  	_ =	swait.ge [sflag:s9], $0x4000  }
0xc8: {  	[sflag:s9] =	ssyncset.done $0x0  }
0xc9: {  	[sflag:s9] =	ssyncadd.s32 $0xFFFFC000  }
0xca: {  	[spmem:s3] =	stream.indirect.scatter.add.f32 [tilespmem:s26], [sflag:$0x3], $0x1, s19, s28, $0xb8;
	[tilespmem:$0x1C6F8] =	vst v63  }
0xcb: {  	_ = 	snop  }
0xcc: {  	[spmem:s2] =	stream.indirect.scatter.add.f32 [tilespmem:s5], [sflag:$0x5], $0x80, s19, s28, $0xb8;
	[tilespmem:$0x1C6F8] =	vst v63  }
0xcd: {  	_ =	swait.ge [sflag:s7], $0x80  }
0xce: {  	[sflag:s7] =	ssyncset.done $0x0  }
0xcf: {  	[sflag:s7] =	ssyncadd.s32 $0xFFFFFF80  }
0xd0: {  	_ =	swait.ge [sflag:s8], $0x4000  }
0xd1: {  	[sflag:s8] =	ssyncset.done $0x0  }
0xd2: {  	[sflag:s8] =	ssyncadd.s32 $0xFFFFC000  }
0xd3: {  	s22 =	simm.s32 $0x100;
	_ =	swait.ge [sflag:s11], $0x4000  }
0xd4: {  	s21 =	simm.s32 $0x80;
	s23 =	rddreg [dreg:$0x7];
	[sflag:s11] =	ssyncset.done $0x0  }
.LBB2_2:
0xd5: {  	[sflag:s11] =	ssyncadd.s32 $0xFFFFC000;
	s23 =	sadd.s32 s21, s23  }
0xd6: {  	[tilespmem:s4], [sflag:$0x6] =	stream.linear.gather [hbm4b:s23+s4], $0x400, $0x38;
	[tilespmem:$0x1C6F8] =	vst v63  }
0xd7: {  	_ =	swait.ge [sflag:s25], $0x400  }
0xd8: {  	s23 =	rddreg [dreg:$0x6];
	[sflag:s25] =	ssyncset.done $0x0  }
0xd9: {  	[sflag:s25] =	ssyncadd.s32 $0xFFFFFC00;
	s23 =	sadd.s32 s21, s23  }
0xda: {  	[tilespmem:s0], [sflag:$0x6] =	stream.linear.gather [hbm4b:s23+s4], $0x400, $0x38;
	[tilespmem:$0x1C6F8] =	vst v63  }
0xdb: {  	_ =	swait.ge [sflag:s25], $0x400  }
0xdc: {  	[sflag:s25] =	ssyncset.done $0x0  }
0xdd: {  	[sflag:s25] =	ssyncadd.s32 $0xFFFFFC00  }
0xde: {  	[tilespmem:s24], [sflag:$0x1] =	stream.indirect.gather [hbm4b:s1+s28], $0x80, s4, s28, $0xb8;
	[tilespmem:$0x1C6F8] =	vst v63  }
0xdf: {  	_ = 	snop  }
0xe0: {  	[tilespmem:s5], [sflag:$0x2] =	stream.indirect.gather [hbm4b:s1+s28], $0x80, s28, s28, $0xb8;
	[tilespmem:$0x1C6F8] =	vst v63  }
0xe1: {  	_ =	swait.ge [sflag:s6], $0x4000  }
0xe2: {  	[sflag:s6] =	ssyncset.done $0x0  }
0xe3: {  	[sflag:s6] =	ssyncadd.s32 $0xFFFFC000  }
0xe4: {  	[spmem:s3] =	stream.indirect.scatter.add.f32 [tilespmem:s26], [sflag:$0x3], $0x1, s0, s28, $0xb8;
	[tilespmem:$0x1C6F8] =	vst v63  }
0xe5: {  	_ = 	snop  }
0xe6: {  	[spmem:s2] =	stream.indirect.scatter.add.f32 [tilespmem:s24], [sflag:$0x4], $0x80, s0, s28, $0xb8;
	[tilespmem:$0x1C6F8] =	vst v63  }
0xe7: {  	_ =	swait.ge [sflag:s7], $0x80  }
0xe8: {  	[sflag:s7] =	ssyncset.done $0x0  }
0xe9: {  	[sflag:s7] =	ssyncadd.s32 $0xFFFFFF80  }
0xea: {  	_ =	swait.ge [sflag:s8], $0x4000  }
0xeb: {  	[sflag:s8] =	ssyncset.done $0x0  }
0xec: {  	[sflag:s8] =	ssyncadd.s32 $0xFFFFC000  }
0xed: {  	[tilespmem:s24], [sflag:$0x1] =	stream.indirect.gather [hbm4b:s1+s28], $0x80, s29, s28, $0xb8;
	[tilespmem:$0x1C6F8] =	vst v63  }
0xee: {  	_ =	swait.ge [sflag:s9], $0x4000  }
0xef: {  	[sflag:s9] =	ssyncset.done $0x0  }
0xf0: {  	[sflag:s9] =	ssyncadd.s32 $0xFFFFC000  }
0xf1: {  	[spmem:s3] =	stream.indirect.scatter.add.f32 [tilespmem:s26], [sflag:$0x3], $0x1, s10, s28, $0xb8;
	[tilespmem:$0x1C6F8] =	vst v63  }
0xf2: {  	_ = 	snop  }
0xf3: {  	[spmem:s2] =	stream.indirect.scatter.add.f32 [tilespmem:s5], [sflag:$0x5], $0x80, s10, s28, $0xb8;
	[tilespmem:$0x1C6F8] =	vst v63  }
0xf4: {  	_ =	swait.ge [sflag:s7], $0x80  }
0xf5: {  	[sflag:s7] =	ssyncset.done $0x0  }
0xf6: {  	[sflag:s7] =	ssyncadd.s32 $0xFFFFFF80  }
0xf7: {  	_ =	swait.ge [sflag:s11], $0x4000  }
0xf8: {  	[sflag:s11] =	ssyncset.done $0x0  }
0xf9: {  	[sflag:s11] =	ssyncadd.s32 $0xFFFFC000  }
0xfa: {  	[tilespmem:s5], [sflag:$0x2] =	stream.indirect.gather [hbm4b:s1+s28], $0x80, s30, s28, $0xb8;
	[tilespmem:$0x1C6F8] =	vst v63  }
0xfb: {  	_ =	swait.ge [sflag:s6], $0x4000  }
0xfc: {  	[sflag:s6] =	ssyncset.done $0x0  }
0xfd: {  	[sflag:s6] =	ssyncadd.s32 $0xFFFFC000  }
0xfe: {  	[spmem:s3] =	stream.indirect.scatter.add.f32 [tilespmem:s26], [sflag:$0x3], $0x1, s12, s28, $0xb8;
	[tilespmem:$0x1C6F8] =	vst v63  }
0xff: {  	_ = 	snop  }
0x100: {  	[spmem:s2] =	stream.indirect.scatter.add.f32 [tilespmem:s24], [sflag:$0x4], $0x80, s12, s28, $0xb8;
	[tilespmem:$0x1C6F8] =	vst v63  }
0x101: {  	_ =	swait.ge [sflag:s7], $0x80  }
0x102: {  	[sflag:s7] =	ssyncset.done $0x0  }
0x103: {  	[sflag:s7] =	ssyncadd.s32 $0xFFFFFF80  }
0x104: {  	_ =	swait.ge [sflag:s8], $0x4000  }
0x105: {  	[sflag:s8] =	ssyncset.done $0x0  }
0x106: {  	[sflag:s8] =	ssyncadd.s32 $0xFFFFC000  }
0x107: {  	[tilespmem:s24], [sflag:$0x1] =	stream.indirect.gather [hbm4b:s1+s28], $0x80, s31, s28, $0xb8;
	[tilespmem:$0x1C6F8] =	vst v63  }
0x108: {  	_ =	swait.ge [sflag:s9], $0x4000  }
0x109: {  	[sflag:s9] =	ssyncset.done $0x0  }
0x10a: {  	[sflag:s9] =	ssyncadd.s32 $0xFFFFC000  }
0x10b: {  	[spmem:s3] =	stream.indirect.scatter.add.f32 [tilespmem:s26], [sflag:$0x3], $0x1, s13, s28, $0xb8;
	[tilespmem:$0x1C6F8] =	vst v63  }
0x10c: {  	_ = 	snop  }
0x10d: {  	[spmem:s2] =	stream.indirect.scatter.add.f32 [tilespmem:s5], [sflag:$0x5], $0x80, s13, s28, $0xb8;
	[tilespmem:$0x1C6F8] =	vst v63  }
0x10e: {  	_ =	swait.ge [sflag:s7], $0x80  }
0x10f: {  	[sflag:s7] =	ssyncset.done $0x0  }
0x110: {  	[sflag:s7] =	ssyncadd.s32 $0xFFFFFF80  }
0x111: {  	_ =	swait.ge [sflag:s11], $0x4000  }
0x112: {  	[sflag:s11] =	ssyncset.done $0x0  }
0x113: {  	[sflag:s11] =	ssyncadd.s32 $0xFFFFC000  }
0x114: {  	[tilespmem:s5], [sflag:$0x2] =	stream.indirect.gather [hbm4b:s1+s28], $0x80, s14, s28, $0xb8;
	[tilespmem:$0x1C6F8] =	vst v63  }
0x115: {  	_ =	swait.ge [sflag:s6], $0x4000  }
0x116: {  	[sflag:s6] =	ssyncset.done $0x0  }
0x117: {  	[sflag:s6] =	ssyncadd.s32 $0xFFFFC000  }
0x118: {  	[spmem:s3] =	stream.indirect.scatter.add.f32 [tilespmem:s26], [sflag:$0x3], $0x1, s15, s28, $0xb8;
	[tilespmem:$0x1C6F8] =	vst v63  }
0x119: {  	_ = 	snop  }
0x11a: {  	[spmem:s2] =	stream.indirect.scatter.add.f32 [tilespmem:s24], [sflag:$0x4], $0x80, s15, s28, $0xb8;
	[tilespmem:$0x1C6F8] =	vst v63  }
0x11b: {  	_ =	swait.ge [sflag:s7], $0x80  }
0x11c: {  	[sflag:s7] =	ssyncset.done $0x0  }
0x11d: {  	[sflag:s7] =	ssyncadd.s32 $0xFFFFFF80  }
0x11e: {  	_ =	swait.ge [sflag:s8], $0x4000  }
0x11f: {  	[sflag:s8] =	ssyncset.done $0x0  }
0x120: {  	s23 =	rddreg [dreg:$0x8];
	[sflag:s8] =	ssyncadd.s32 $0xFFFFC000  }
0x121: {  	[tilespmem:s24], [sflag:$0x1] =	stream.indirect.gather [hbm4b:s1+s28], $0x80, s23, s28, $0xb8;
	[tilespmem:$0x1C6F8] =	vst v63  }
0x122: {  	_ =	swait.ge [sflag:s9], $0x4000  }
0x123: {  	[sflag:s9] =	ssyncset.done $0x0  }
0x124: {  	[sflag:s9] =	ssyncadd.s32 $0xFFFFC000  }
0x125: {  	[spmem:s3] =	stream.indirect.scatter.add.f32 [tilespmem:s26], [sflag:$0x3], $0x1, s16, s28, $0xb8;
	[tilespmem:$0x1C6F8] =	vst v63  }
0x126: {  	_ = 	snop  }
0x127: {  	[spmem:s2] =	stream.indirect.scatter.add.f32 [tilespmem:s5], [sflag:$0x5], $0x80, s16, s28, $0xb8;
	[tilespmem:$0x1C6F8] =	vst v63  }
0x128: {  	_ =	swait.ge [sflag:s7], $0x80  }
0x129: {  	[sflag:s7] =	ssyncset.done $0x0  }
0x12a: {  	[sflag:s7] =	ssyncadd.s32 $0xFFFFFF80  }
0x12b: {  	_ =	swait.ge [sflag:s11], $0x4000  }
0x12c: {  	[sflag:s11] =	ssyncset.done $0x0  }
0x12d: {  	[sflag:s11] =	ssyncadd.s32 $0xFFFFC000  }
0x12e: {  	[tilespmem:s5], [sflag:$0x2] =	stream.indirect.gather [hbm4b:s1+s28], $0x80, s17, s28, $0xb8;
	[tilespmem:$0x1C6F8] =	vst v63  }
0x12f: {  	_ =	swait.ge [sflag:s6], $0x4000  }
0x130: {  	[sflag:s6] =	ssyncset.done $0x0  }
0x131: {  	[sflag:s6] =	ssyncadd.s32 $0xFFFFC000  }
0x132: {  	[spmem:s3] =	stream.indirect.scatter.add.f32 [tilespmem:s26], [sflag:$0x3], $0x1, s18, s28, $0xb8;
	[tilespmem:$0x1C6F8] =	vst v63  }
0x133: {  	_ = 	snop  }
0x134: {  	[spmem:s2] =	stream.indirect.scatter.add.f32 [tilespmem:s24], [sflag:$0x4], $0x80, s18, s28, $0xb8;
	[tilespmem:$0x1C6F8] =	vst v63  }
0x135: {  	_ =	swait.ge [sflag:s7], $0x80  }
0x136: {  	[sflag:s7] =	ssyncset.done $0x0  }
0x137: {  	[sflag:s7] =	ssyncadd.s32 $0xFFFFFF80  }
0x138: {  	_ =	swait.ge [sflag:s9], $0x4000  }
0x139: {  	[sflag:s9] =	ssyncset.done $0x0  }
0x13a: {  	[sflag:s9] =	ssyncadd.s32 $0xFFFFC000  }
0x13b: {  	[spmem:s3] =	stream.indirect.scatter.add.f32 [tilespmem:s26], [sflag:$0x3], $0x1, s19, s28, $0xb8;
	[tilespmem:$0x1C6F8] =	vst v63  }
0x13c: {  	_ = 	snop  }
0x13d: {  	[spmem:s2] =	stream.indirect.scatter.add.f32 [tilespmem:s5], [sflag:$0x5], $0x80, s19, s28, $0xb8;
	[tilespmem:$0x1C6F8] =	vst v63  }
0x13e: {  	_ =	swait.ge [sflag:s7], $0x80  }
0x13f: {  	[sflag:s7] =	ssyncset.done $0x0  }
0x140: {  	p0 =	sne.s32 s22, $0x480;
	[sflag:s7] =	ssyncadd.s32 $0xFFFFFF80  }
.Ltmp0:
0x141: {  	_ =	swait.ge [sflag:s8], $0x4000;
	(pc) =	sbr.rel @p0 .LBB2_2-.Ltmp0, $4  }
0x142: {  	[sflag:s8] =	ssyncset.done $0x0  }
0x143: {  	[sflag:s8] =	ssyncadd.s32 $0xFFFFC000  }
0x144: {  	s20 =	smov.u32 s22;
	s22 =	sadd.s32 $0x80, s22;
	_ =	swait.ge [sflag:s11], $0x4000  }
0x145: {  	s21 =	smov.u32 s20;
	s23 =	rddreg [dreg:$0x7];
	[sflag:s11] =	ssyncset.done $0x0  }
0x146: {  	[sflag:s11] =	ssyncadd.s32 $0xFFFFC000;
	s20 =	sadd.s32 s21, s23  }
0x147: {  	[tilespmem:s4], [sflag:$0x6] =	stream.linear.gather [hbm4b:s20+s4], $0x400, $0x38;
	[tilespmem:$0x1C6F8] =	vst v63  }
0x148: {  	_ =	swait.ge [sflag:s25], $0x400  }
0x149: {  	s22 =	rddreg [dreg:$0x6];
	[sflag:s25] =	ssyncset.done $0x0  }
0x14a: {  	s20 =	sadd.s32 s21, s22;
	[sflag:s25] =	ssyncadd.s32 $0xFFFFFC00  }
0x14b: {  	[tilespmem:s0], [sflag:$0x6] =	stream.linear.gather [hbm4b:s20+s4], $0x400, $0x38;
	[tilespmem:$0x1C6F8] =	vst v63  }
0x14c: {  	_ =	swait.ge [sflag:s25], $0x400  }
0x14d: {  	[sflag:s25] =	ssyncset.done $0x0  }
0x14e: {  	[sflag:s25] =	ssyncadd.s32 $0xFFFFFC00  }
0x14f: {  	[tilespmem:s24], [sflag:$0x1] =	stream.indirect.gather [hbm4b:s1+s28], $0x80, s4, s28, $0xb8;
	[tilespmem:$0x1C6F8] =	vst v63  }
0x150: {  	_ = 	snop  }
0x151: {  	[tilespmem:s5], [sflag:$0x2] =	stream.indirect.gather [hbm4b:s1+s28], $0x80, s28, s28, $0xb8;
	[tilespmem:$0x1C6F8] =	vst v63  }
0x152: {  	_ =	swait.ge [sflag:s6], $0x4000  }
0x153: {  	[sflag:s6] =	ssyncset.done $0x0  }
0x154: {  	[sflag:s6] =	ssyncadd.s32 $0xFFFFC000  }
0x155: {  	[spmem:s3] =	stream.indirect.scatter.add.f32 [tilespmem:s26], [sflag:$0x3], $0x1, s0, s28, $0xb8;
	[tilespmem:$0x1C6F8] =	vst v63  }
0x156: {  	_ = 	snop  }
0x157: {  	[spmem:s2] =	stream.indirect.scatter.add.f32 [tilespmem:s24], [sflag:$0x4], $0x80, s0, s28, $0xb8;
	[tilespmem:$0x1C6F8] =	vst v63  }
0x158: {  	_ =	swait.ge [sflag:s7], $0x80  }
0x159: {  	[sflag:s7] =	ssyncset.done $0x0  }
0x15a: {  	[sflag:s7] =	ssyncadd.s32 $0xFFFFFF80  }
0x15b: {  	_ =	swait.ge [sflag:s8], $0x4000  }
0x15c: {  	[sflag:s8] =	ssyncset.done $0x0  }
0x15d: {  	[sflag:s8] =	ssyncadd.s32 $0xFFFFC000  }
0x15e: {  	[tilespmem:s24], [sflag:$0x1] =	stream.indirect.gather [hbm4b:s1+s28], $0x80, s29, s28, $0xb8;
	[tilespmem:$0x1C6F8] =	vst v63  }
0x15f: {  	_ =	swait.ge [sflag:s9], $0x4000  }
0x160: {  	[sflag:s9] =	ssyncset.done $0x0  }
0x161: {  	[sflag:s9] =	ssyncadd.s32 $0xFFFFC000  }
0x162: {  	[spmem:s3] =	stream.indirect.scatter.add.f32 [tilespmem:s26], [sflag:$0x3], $0x1, s10, s28, $0xb8;
	[tilespmem:$0x1C6F8] =	vst v63  }
0x163: {  	_ = 	snop  }
0x164: {  	[spmem:s2] =	stream.indirect.scatter.add.f32 [tilespmem:s5], [sflag:$0x5], $0x80, s10, s28, $0xb8;
	[tilespmem:$0x1C6F8] =	vst v63  }
0x165: {  	_ =	swait.ge [sflag:s7], $0x80  }
0x166: {  	[sflag:s7] =	ssyncset.done $0x0  }
0x167: {  	[sflag:s7] =	ssyncadd.s32 $0xFFFFFF80  }
0x168: {  	_ =	swait.ge [sflag:s11], $0x4000  }
0x169: {  	[sflag:s11] =	ssyncset.done $0x0  }
0x16a: {  	[sflag:s11] =	ssyncadd.s32 $0xFFFFC000  }
0x16b: {  	[tilespmem:s5], [sflag:$0x2] =	stream.indirect.gather [hbm4b:s1+s28], $0x80, s30, s28, $0xb8;
	[tilespmem:$0x1C6F8] =	vst v63  }
0x16c: {  	_ =	swait.ge [sflag:s6], $0x4000  }
0x16d: {  	[sflag:s6] =	ssyncset.done $0x0  }
0x16e: {  	[sflag:s6] =	ssyncadd.s32 $0xFFFFC000  }
0x16f: {  	[spmem:s3] =	stream.indirect.scatter.add.f32 [tilespmem:s26], [sflag:$0x3], $0x1, s12, s28, $0xb8;
	[tilespmem:$0x1C6F8] =	vst v63  }
0x170: {  	_ = 	snop  }
0x171: {  	[spmem:s2] =	stream.indirect.scatter.add.f32 [tilespmem:s24], [sflag:$0x4], $0x80, s12, s28, $0xb8;
	[tilespmem:$0x1C6F8] =	vst v63  }
0x172: {  	_ =	swait.ge [sflag:s7], $0x80  }
0x173: {  	[sflag:s7] =	ssyncset.done $0x0  }
0x174: {  	[sflag:s7] =	ssyncadd.s32 $0xFFFFFF80  }
0x175: {  	_ =	swait.ge [sflag:s8], $0x4000  }
0x176: {  	[sflag:s8] =	ssyncset.done $0x0  }
0x177: {  	[sflag:s8] =	ssyncadd.s32 $0xFFFFC000  }
0x178: {  	[tilespmem:s24], [sflag:$0x1] =	stream.indirect.gather [hbm4b:s1+s28], $0x80, s31, s28, $0xb8;
	[tilespmem:$0x1C6F8] =	vst v63  }
0x179: {  	_ =	swait.ge [sflag:s9], $0x4000  }
0x17a: {  	[sflag:s9] =	ssyncset.done $0x0  }
0x17b: {  	[sflag:s9] =	ssyncadd.s32 $0xFFFFC000  }
0x17c: {  	[spmem:s3] =	stream.indirect.scatter.add.f32 [tilespmem:s26], [sflag:$0x3], $0x1, s13, s28, $0xb8;
	[tilespmem:$0x1C6F8] =	vst v63  }
0x17d: {  	_ = 	snop  }
0x17e: {  	[spmem:s2] =	stream.indirect.scatter.add.f32 [tilespmem:s5], [sflag:$0x5], $0x80, s13, s28, $0xb8;
	[tilespmem:$0x1C6F8] =	vst v63  }
0x17f: {  	_ =	swait.ge [sflag:s7], $0x80  }
0x180: {  	[sflag:s7] =	ssyncset.done $0x0  }
0x181: {  	[sflag:s7] =	ssyncadd.s32 $0xFFFFFF80  }
0x182: {  	_ =	swait.ge [sflag:s11], $0x4000  }
0x183: {  	[sflag:s11] =	ssyncset.done $0x0  }
0x184: {  	[sflag:s11] =	ssyncadd.s32 $0xFFFFC000  }
0x185: {  	[tilespmem:s5], [sflag:$0x2] =	stream.indirect.gather [hbm4b:s1+s28], $0x80, s14, s28, $0xb8;
	[tilespmem:$0x1C6F8] =	vst v63  }
0x186: {  	_ =	swait.ge [sflag:s6], $0x4000  }
0x187: {  	[sflag:s6] =	ssyncset.done $0x0  }
0x188: {  	[sflag:s6] =	ssyncadd.s32 $0xFFFFC000  }
0x189: {  	[spmem:s3] =	stream.indirect.scatter.add.f32 [tilespmem:s26], [sflag:$0x3], $0x1, s15, s28, $0xb8;
	[tilespmem:$0x1C6F8] =	vst v63  }
0x18a: {  	_ = 	snop  }
0x18b: {  	[spmem:s2] =	stream.indirect.scatter.add.f32 [tilespmem:s24], [sflag:$0x4], $0x80, s15, s28, $0xb8;
	[tilespmem:$0x1C6F8] =	vst v63  }
0x18c: {  	_ =	swait.ge [sflag:s7], $0x80  }
0x18d: {  	[sflag:s7] =	ssyncset.done $0x0  }
0x18e: {  	[sflag:s7] =	ssyncadd.s32 $0xFFFFFF80  }
0x18f: {  	_ =	swait.ge [sflag:s8], $0x4000  }
0x190: {  	[sflag:s8] =	ssyncset.done $0x0  }
0x191: {  	s23 =	rddreg [dreg:$0x8];
	[sflag:s8] =	ssyncadd.s32 $0xFFFFC000  }
0x192: {  	[tilespmem:s24], [sflag:$0x1] =	stream.indirect.gather [hbm4b:s1+s28], $0x80, s23, s28, $0xb8;
	[tilespmem:$0x1C6F8] =	vst v63  }
0x193: {  	_ =	swait.ge [sflag:s9], $0x4000  }
0x194: {  	[sflag:s9] =	ssyncset.done $0x0  }
0x195: {  	[sflag:s9] =	ssyncadd.s32 $0xFFFFC000  }
0x196: {  	[spmem:s3] =	stream.indirect.scatter.add.f32 [tilespmem:s26], [sflag:$0x3], $0x1, s16, s28, $0xb8;
	[tilespmem:$0x1C6F8] =	vst v63  }
0x197: {  	_ = 	snop  }
0x198: {  	[spmem:s2] =	stream.indirect.scatter.add.f32 [tilespmem:s5], [sflag:$0x5], $0x80, s16, s28, $0xb8;
	[tilespmem:$0x1C6F8] =	vst v63  }
0x199: {  	_ =	swait.ge [sflag:s7], $0x80  }
0x19a: {  	[sflag:s7] =	ssyncset.done $0x0  }
0x19b: {  	[sflag:s7] =	ssyncadd.s32 $0xFFFFFF80  }
0x19c: {  	_ =	swait.ge [sflag:s11], $0x4000  }
0x19d: {  	[sflag:s11] =	ssyncset.done $0x0  }
0x19e: {  	[sflag:s11] =	ssyncadd.s32 $0xFFFFC000  }
0x19f: {  	[tilespmem:s5], [sflag:$0x2] =	stream.indirect.gather [hbm4b:s1+s28], $0x80, s17, s28, $0xb8;
	[tilespmem:$0x1C6F8] =	vst v63  }
0x1a0: {  	_ =	swait.ge [sflag:s6], $0x4000  }
0x1a1: {  	[sflag:s6] =	ssyncset.done $0x0  }
0x1a2: {  	[sflag:s6] =	ssyncadd.s32 $0xFFFFC000  }
0x1a3: {  	[spmem:s3] =	stream.indirect.scatter.add.f32 [tilespmem:s26], [sflag:$0x3], $0x1, s18, s28, $0xb8;
	[tilespmem:$0x1C6F8] =	vst v63  }
0x1a4: {  	_ = 	snop  }
0x1a5: {  	[spmem:s2] =	stream.indirect.scatter.add.f32 [tilespmem:s24], [sflag:$0x4], $0x80, s18, s28, $0xb8;
	[tilespmem:$0x1C6F8] =	vst v63  }
0x1a6: {  	_ =	swait.ge [sflag:s7], $0x80  }
0x1a7: {  	[sflag:s7] =	ssyncset.done $0x0  }
0x1a8: {  	[sflag:s7] =	ssyncadd.s32 $0xFFFFFF80  }
0x1a9: {  	_ =	swait.ge [sflag:s9], $0x4000  }
0x1aa: {  	[sflag:s9] =	ssyncset.done $0x0  }
0x1ab: {  	[sflag:s9] =	ssyncadd.s32 $0xFFFFC000  }
0x1ac: {  	[spmem:s3] =	stream.indirect.scatter.add.f32 [tilespmem:s26], [sflag:$0x3], $0x1, s19, s28, $0xb8;
	[tilespmem:$0x1C6F8] =	vst v63  }
0x1ad: {  	_ = 	snop  }
0x1ae: {  	[spmem:s2] =	stream.indirect.scatter.add.f32 [tilespmem:s5], [sflag:$0x5], $0x80, s19, s28, $0xb8;
	[tilespmem:$0x1C6F8] =	vst v63  }
0x1af: {  	_ =	swait.ge [sflag:s7], $0x80  }
0x1b0: {  	[sflag:s7] =	ssyncset.done $0x0  }
0x1b1: {  	[sflag:s7] =	ssyncadd.s32 $0xFFFFFF80  }
0x1b2: {  	_ =	swait.ge [sflag:s8], $0x4000  }
0x1b3: {  	[sflag:s8] =	ssyncset.done $0x0  }
0x1b4: {  	[sflag:s8] =	ssyncadd.s32 $0xFFFFC000  }
0x1b5: {  	_ =	swait.ge [sflag:s11], $0x4000  }
0x1b6: {  	[sflag:s11] =	ssyncset.done $0x0  }
0x1b7: {  	[sflag:s11] =	ssyncadd.s32 $0xFFFFC000  }
0x1b8: {  	[bflag:$0x0] =	sbarrier.arrive $0xFFFF  }
0x1b9: {  	s21 =	rddreg [dreg:$0x19]  }
0x1ba: {  	[tilespmem:s4], [sflag:$0x6] =	stream.linear.gather [hbm4b:s21+s4], $0x300, $0x38;
	[tilespmem:$0x1C6F8] =	vst v63  }
0x1bb: {  	_ =	swait.ge [sflag:s25], $0x300  }
0x1bc: {  	[sflag:s25] =	ssyncset.done $0x0  }
0x1bd: {  	[sflag:s25] =	ssyncadd.s32 $0xFFFFFD00  }
0x1be: {  	[tilespmem:s24], [sflag:$0x6] =	stream.indirect.gather [spmem:s2], $0x80, s4, s28, $0xb8;
	[tilespmem:$0x1C6F8] =	vst v63  }
0x1bf: {  	_ =	swait.ge [sflag:s25], $0x4000  }
0x1c0: {  	[sflag:s25] =	ssyncset.done $0x0  }
0x1c1: {  	s22 =	rddreg [dreg:$0xa];
	[sflag:s25] =	ssyncadd.s32 $0xFFFFC000  }
0x1c2: {  	[hbm4b:s22+s4] =	stream.linear.scatter [tilespmem:s24], [sflag:$0x6], $0x4000, $0x38;
	[tilespmem:$0x1C6F8] =	vst v63  }
0x1c3: {  	_ =	swait.ge [sflag:s25], $0x4000  }
0x1c4: {  	[sflag:s25] =	ssyncset.done $0x0  }
0x1c5: {  	[sflag:s25] =	ssyncadd.s32 $0xFFFFC000  }
0x1c6: {  	[tilespmem:s26], [sflag:$0x6] =	stream.indirect.gather [spmem:s3], $0x1, s4, s28, $0xb8;
	[tilespmem:$0x1C6F8] =	vst v63  }
0x1c7: {  	_ =	swait.ge [sflag:s25], $0x80  }
0x1c8: {  	[sflag:s25] =	ssyncset.done $0x0  }
0x1c9: {  	s23 =	rddreg [dreg:$0xb];
	[sflag:s25] =	ssyncadd.s32 $0xFFFFFF80  }
0x1ca: {  	[hbm4b:s23+s4] =	stream.linear.scatter [tilespmem:s26], [sflag:$0x6], $0x80, $0x38;
	[tilespmem:$0x1C6F8] =	vst v63  }
0x1cb: {  	_ =	swait.ge [sflag:s25], $0x80  }
0x1cc: {  	[sflag:s25] =	ssyncset.done $0x0  }
0x1cd: {  	[sflag:s25] =	ssyncadd.s32 $0xFFFFFF80  }
0x1ce: {  	[tilespmem:s24], [sflag:$0x6] =	stream.indirect.gather [spmem:s2], $0x80, s28, s28, $0xb8;
	[tilespmem:$0x1C6F8] =	vst v63  }
0x1cf: {  	_ =	swait.ge [sflag:s25], $0x4000  }
0x1d0: {  	[sflag:s25] =	ssyncset.done $0x0  }
0x1d1: {  	s21 =	rddreg [dreg:$0xc];
	[sflag:s25] =	ssyncadd.s32 $0xFFFFC000  }
0x1d2: {  	[hbm4b:s21+s4] =	stream.linear.scatter [tilespmem:s24], [sflag:$0x6], $0x4000, $0x38;
	[tilespmem:$0x1C6F8] =	vst v63  }
0x1d3: {  	_ =	swait.ge [sflag:s25], $0x4000  }
0x1d4: {  	[sflag:s25] =	ssyncset.done $0x0  }
0x1d5: {  	[sflag:s25] =	ssyncadd.s32 $0xFFFFC000  }
0x1d6: {  	[tilespmem:s26], [sflag:$0x6] =	stream.indirect.gather [spmem:s3], $0x1, s28, s28, $0xb8;
	[tilespmem:$0x1C6F8] =	vst v63  }
0x1d7: {  	_ =	swait.ge [sflag:s25], $0x80  }
0x1d8: {  	[sflag:s25] =	ssyncset.done $0x0  }
0x1d9: {  	s22 =	rddreg [dreg:$0xd];
	[sflag:s25] =	ssyncadd.s32 $0xFFFFFF80  }
0x1da: {  	[hbm4b:s22+s4] =	stream.linear.scatter [tilespmem:s26], [sflag:$0x6], $0x80, $0x38;
	[tilespmem:$0x1C6F8] =	vst v63  }
0x1db: {  	_ =	swait.ge [sflag:s25], $0x80  }
0x1dc: {  	[sflag:s25] =	ssyncset.done $0x0  }
0x1dd: {  	[sflag:s25] =	ssyncadd.s32 $0xFFFFFF80  }
0x1de: {  	[tilespmem:s24], [sflag:$0x6] =	stream.indirect.gather [spmem:s2], $0x80, s29, s28, $0xb8;
	[tilespmem:$0x1C6F8] =	vst v63  }
0x1df: {  	_ =	swait.ge [sflag:s25], $0x4000  }
0x1e0: {  	[sflag:s25] =	ssyncset.done $0x0  }
0x1e1: {  	s23 =	rddreg [dreg:$0xe];
	[sflag:s25] =	ssyncadd.s32 $0xFFFFC000  }
0x1e2: {  	[hbm4b:s23+s4] =	stream.linear.scatter [tilespmem:s24], [sflag:$0x6], $0x4000, $0x38;
	[tilespmem:$0x1C6F8] =	vst v63  }
0x1e3: {  	_ =	swait.ge [sflag:s25], $0x4000  }
0x1e4: {  	[sflag:s25] =	ssyncset.done $0x0  }
0x1e5: {  	[sflag:s25] =	ssyncadd.s32 $0xFFFFC000  }
0x1e6: {  	[tilespmem:s26], [sflag:$0x6] =	stream.indirect.gather [spmem:s3], $0x1, s29, s28, $0xb8;
	[tilespmem:$0x1C6F8] =	vst v63  }
0x1e7: {  	_ =	swait.ge [sflag:s25], $0x80  }
0x1e8: {  	[sflag:s25] =	ssyncset.done $0x0  }
0x1e9: {  	s21 =	rddreg [dreg:$0xf];
	[sflag:s25] =	ssyncadd.s32 $0xFFFFFF80  }
0x1ea: {  	[hbm4b:s21+s4] =	stream.linear.scatter [tilespmem:s26], [sflag:$0x6], $0x80, $0x38;
	[tilespmem:$0x1C6F8] =	vst v63  }
0x1eb: {  	_ =	swait.ge [sflag:s25], $0x80  }
0x1ec: {  	[sflag:s25] =	ssyncset.done $0x0  }
0x1ed: {  	[sflag:s25] =	ssyncadd.s32 $0xFFFFFF80  }
0x1ee: {  	[tilespmem:s24], [sflag:$0x6] =	stream.indirect.gather [spmem:s2], $0x80, s30, s28, $0xb8;
	[tilespmem:$0x1C6F8] =	vst v63  }
0x1ef: {  	_ =	swait.ge [sflag:s25], $0x4000  }
0x1f0: {  	[sflag:s25] =	ssyncset.done $0x0  }
0x1f1: {  	s22 =	rddreg [dreg:$0x10];
	[sflag:s25] =	ssyncadd.s32 $0xFFFFC000  }
0x1f2: {  	[hbm4b:s22+s4] =	stream.linear.scatter [tilespmem:s24], [sflag:$0x6], $0x4000, $0x38;
	[tilespmem:$0x1C6F8] =	vst v63  }
0x1f3: {  	_ =	swait.ge [sflag:s25], $0x4000  }
0x1f4: {  	[sflag:s25] =	ssyncset.done $0x0  }
0x1f5: {  	[sflag:s25] =	ssyncadd.s32 $0xFFFFC000  }
0x1f6: {  	[tilespmem:s26], [sflag:$0x6] =	stream.indirect.gather [spmem:s3], $0x1, s30, s28, $0xb8;
	[tilespmem:$0x1C6F8] =	vst v63  }
0x1f7: {  	_ =	swait.ge [sflag:s25], $0x80  }
0x1f8: {  	[sflag:s25] =	ssyncset.done $0x0  }
0x1f9: {  	s23 =	rddreg [dreg:$0x11];
	[sflag:s25] =	ssyncadd.s32 $0xFFFFFF80  }
0x1fa: {  	[hbm4b:s23+s4] =	stream.linear.scatter [tilespmem:s26], [sflag:$0x6], $0x80, $0x38;
	[tilespmem:$0x1C6F8] =	vst v63  }
0x1fb: {  	_ =	swait.ge [sflag:s25], $0x80  }
0x1fc: {  	[sflag:s25] =	ssyncset.done $0x0  }
0x1fd: {  	[sflag:s25] =	ssyncadd.s32 $0xFFFFFF80  }
0x1fe: {  	[tilespmem:s24], [sflag:$0x6] =	stream.indirect.gather [spmem:s2], $0x80, s31, s28, $0xb8;
	[tilespmem:$0x1C6F8] =	vst v63  }
0x1ff: {  	_ =	swait.ge [sflag:s25], $0x4000  }
0x200: {  	[sflag:s25] =	ssyncset.done $0x0  }
0x201: {  	s21 =	rddreg [dreg:$0x12];
	[sflag:s25] =	ssyncadd.s32 $0xFFFFC000  }
0x202: {  	[hbm4b:s21+s4] =	stream.linear.scatter [tilespmem:s24], [sflag:$0x6], $0x3800, $0x38;
	[tilespmem:$0x1C6F8] =	vst v63  }
0x203: {  	_ =	swait.ge [sflag:s25], $0x3800  }
0x204: {  	[sflag:s25] =	ssyncset.done $0x0  }
0x205: {  	[sflag:s25] =	ssyncadd.s32 $0xFFFFC800  }
0x206: {  	[tilespmem:s26], [sflag:$0x6] =	stream.indirect.gather [spmem:s3], $0x1, s31, s28, $0xb8;
	[tilespmem:$0x1C6F8] =	vst v63  }
0x207: {  	_ =	swait.ge [sflag:s25], $0x80  }
0x208: {  	[sflag:s25] =	ssyncset.done $0x0  }
0x209: {  	s22 =	rddreg [dreg:$0x13];
	[sflag:s25] =	ssyncadd.s32 $0xFFFFFF80  }
0x20a: {  	[hbm4b:s22+s4] =	stream.linear.scatter [tilespmem:s26], [sflag:$0x6], $0x70, $0x38;
	[tilespmem:$0x1C6F8] =	vst v63  }
0x20b: {  	_ =	swait.ge [sflag:s25], $0x70  }
0x20c: {  	[sflag:s25] =	ssyncset.done $0x0  }
0x20d: {  	[sflag:s25] =	ssyncadd.s32 $0xFFFFFF90  }
0x20e: {  	[tilespmem:s24], [sflag:$0x6] =	stream.indirect.gather [spmem:s2], $0x80, s14, s28, $0xb8;
	[tilespmem:$0x1C6F8] =	vst v63  }
0x20f: {  	_ =	swait.ge [sflag:s25], $0x4000  }
0x210: {  	[sflag:s25] =	ssyncset.done $0x0  }
0x211: {  	s23 =	rddreg [dreg:$0x14];
	[sflag:s25] =	ssyncadd.s32 $0xFFFFC000  }
0x212: {  	[hbm4b:s23+s4] =	stream.linear.scatter [tilespmem:s24], [sflag:$0x6], $0x800, $0x38;
	[tilespmem:$0x1C6F8] =	vst v63  }
0x213: {  	_ =	swait.ge [sflag:s25], $0x800  }
0x214: {  	[sflag:s25] =	ssyncset.done $0x0  }
0x215: {  	[sflag:s25] =	ssyncadd.s32 $0xFFFFF800  }
0x216: {  	[tilespmem:s26], [sflag:$0x6] =	stream.indirect.gather [spmem:s3], $0x1, s14, s28, $0xb8;
	[tilespmem:$0x1C6F8] =	vst v63  }
0x217: {  	_ =	swait.ge [sflag:s25], $0x80  }
0x218: {  	[sflag:s25] =	ssyncset.done $0x0  }
0x219: {  	s21 =	rddreg [dreg:$0x15];
	[sflag:s25] =	ssyncadd.s32 $0xFFFFFF80  }
0x21a: {  	[hbm4b:s21+s4] =	stream.linear.scatter [tilespmem:s26], [sflag:$0x6], $0x10, $0x38;
	[tilespmem:$0x1C6F8] =	vst v63  }
0x21b: {  	_ =	swait.ge [sflag:s25], $0x10  }
0x21c: {  	s22 =	rddreg [dreg:$0x1b]  }
0x21d: {  	s23 =	rddreg [dreg:$0x1a];
	s21 =	sadd.s32 $0x1, s22  }
0x21e: {  	p0 =	sne.s32 s21, s23  }
.Ltmp1:
0x21f: {  	_ = 	snop;
	(pc) =	sbr.rel @p0 .LBB2_1-.Ltmp1, $3  }
0x220: {  	_ =	sdelay $0x1  }
0x221: {  	[sflag:s25] =	ssyncset.done $0x0  }
0x222: {  	[sflag:s25] =	ssyncadd.s32 $0xFFFFFFF0  }
0x223: {  	_ =	sfence.sel $0x180000  }
0x224: {  	[bflag:$0x0] =	sbarrier.arrive $0xFFFF  }
0x225: {  	_ =	strace $0x90000047  }
0x226: {  	s0 =	stileid.u32;
	[bflag:$0x2] =	sbarrier.arrive $0xFFFF  }
0x227: {  	p0 =	sne.s32 s0, $0x0;
	s0 =	rddreg [dreg:$0x5]  }
0x228: {  	s0 =	sadd.s32 @!p0 $0x100000, s0  }
0x229: {  	[sflag:s0] =	ssyncadd.tile.s32 @!p0 $0x1;
	_ =	shalt  }
.Lfunc_end2:
_tile_overlayer_lowered:
.L_overlay_start_2:
0x22a: {  	(tag) =	ssettag $0x2  }
0x22b: {  	s0 =	rddreg [dreg:$0x0];
	s2 =	stileid.u32  }
0x22c: {  	s1 =	rddreg [dreg:$0x1];
	p0 =	sne.s32 s2, $0x0  }
0x22d: {  	s3 =	rddreg [dreg:$0x2];
	[bflag:$0x3] =	sbarrier.arrive $0xFFFF;
	s2 =	simm.s32 @!p0 $0x1C06  }
0x22e: {  	[timem:s3], [sflag:s2] =	dma.local @!p0 [hbm:s0], s1  }
0x22f: {  	s0 =	simm.s32 @!p0 $0x6  }
0x230: {  	_ =	swait.ge @!p0 [sflag:s0], s1  }
0x231: {  	s1 =	ssub.s32 @!p0 $0x0, s1;
	[sflag:s0] =	ssyncset.done @!p0 $0x0  }
0x232: {  	[sflag:s0] =	ssyncadd.s32 @!p0 s1  }
0x233: {  	[bflag:$0x3] =	sbarrier.arrive $0xFFFF  }
0x234: {  	_ =	shalt  }

</sc_bundles>
